<compile_context>
chip_gen: v7x
topology: tpu7x:2x2x1
jax: 0.10.2.dev20260603
libtpu: 0.0.44.dev20260713+nightly
codegen_flags: <defaults>
</compile_context>

<pallas_src>
import functools

import jax
import jax.numpy as jnp
from jax import lax
from jax.experimental import pallas as pl
from jax.experimental.pallas import tpu as pltpu
from jax.experimental.pallas import tpu_sc as plsc

B, L, D = 4096, 200, 32
NC, NS = 2, 16
NW = NC * NS
BW = B // NW
LANES = 16
NBC = BW // LANES
TD = D // 8
SLAB = D * BW
LSTRIDE = TD * NW * 8 * 128
PITCH = D + 1
LT = L // 8

_mesh = plsc.VectorSubcoreMesh(
    core_axis_name="c", subcore_axis_name="s", num_cores=NC, num_subcores=NS
)


@functools.partial(
    pl.kernel,
    out_type=jax.ShapeDtypeStruct(((L + 1) * LSTRIDE,), jnp.float32),
    mesh=_mesh,
    scratch_types=[
        pltpu.VMEM((BW * L,), jnp.int32),
        pltpu.VMEM((BW * L,), jnp.int32),
        pltpu.VMEM((BW, D), jnp.float32),
        pltpu.VMEM((BW, D), jnp.float32),
        pltpu.VMEM((BW, D), jnp.float32),
        pltpu.VMEM((BW, D), jnp.float32),
        pltpu.VMEM((BW * PITCH,), jnp.float32),
        pltpu.VMEM((L * D,), jnp.float32),
        pltpu.VMEM((D,), jnp.float32),
        pltpu.VMEM((SLAB,), jnp.float32),
        pltpu.VMEM((SLAB,), jnp.float32),
        pltpu.SemaphoreType.DMA,
        pltpu.SemaphoreType.DMA,
        pltpu.SemaphoreType.DMA,
        pltpu.SemaphoreType.DMA,
        pltpu.SemaphoreType.DMA,
    ],
    compiler_params=pltpu.CompilerParams(use_tc_tiling_on_sc=False,
                                         needs_layout_passes=False),
)
def _emb_kernel(bin_ids_hbm, subbin_ids_hbm, pos_hbm, bin_tab_hbm,
                subbin_tab_hbm, cls_hbm, out_hbm,
                bin_t, sub_t, bin_a, sub_a, bin_b, sub_b, pad_v, pos_v,
                cls_v, acc_a, acc_b, sem_i, sem_a, sem_b, sem_oa, sem_ob):
    wid = lax.axis_index("s") * NC + lax.axis_index("c")

    iota = lax.iota(jnp.int32, LANES)
    iota_p = iota * PITCH

    for lt in range(LT):
        pltpu.async_copy(
            bin_ids_hbm.at[pl.ds(lt * (NW * 8 * 128) + wid * 1024, 1024)],
            bin_t.at[pl.ds(lt * 1024, 1024)], sem_i)
        pltpu.async_copy(
            subbin_ids_hbm.at[pl.ds(lt * (NW * 8 * 128) + wid * 1024, 1024)],
            sub_t.at[pl.ds(lt * 1024, 1024)], sem_i)
    pltpu.sync_copy(pos_hbm.at[pl.ds(0, L * D)], pos_v)
    pltpu.sync_copy(cls_hbm, cls_v)
    pltpu.make_async_copy(bin_ids_hbm.at[pl.ds(0, BW * L)], bin_t,
                          sem_i).wait()
    pltpu.make_async_copy(subbin_ids_hbm.at[pl.ds(0, BW * L)], sub_t,
                          sem_i).wait()

    def cls_body(d, carry):
        splat = plsc.load_gather(cls_v, [jnp.broadcast_to(d, (LANES,))])
        off_d = (d // 8) * 1024 + (d % 8) * 128
        for bc in range(NBC):
            acc_a[pl.ds(off_d + bc * LANES, LANES)] = splat
        return carry

    lax.fori_loop(0, D, cls_body, 0)
    for td in range(TD):
        pltpu.sync_copy(
            acc_a.at[pl.ds(td * 1024, 1024)],
            out_hbm.at[pl.ds(td * NW * 1024 + wid * 1024, 1024)])

    def fire_gather(l, bin_v, sub_v, sem):
        pltpu.async_copy(bin_tab_hbm.at[bin_t.at[pl.ds(l * BW, BW)]],
                         bin_v, sem)
        pltpu.async_copy(subbin_tab_hbm.at[sub_t.at[pl.ds(l * BW, BW)]],
                         sub_v, sem)

    def drain_gather(bin_v, sub_v, sem):
        pltpu.make_async_copy(bin_tab_hbm.at[pl.ds(0, BW)], bin_v, sem).wait()
        pltpu.make_async_copy(subbin_tab_hbm.at[pl.ds(0, BW)], sub_v,
                              sem).wait()

    def drain_out(acc_v, sem):
        pltpu.make_async_copy(acc_v, out_hbm.at[pl.ds(0, SLAB)], sem).wait()

    def stage_sum(bin_v, sub_v, l):
        p0 = pos_v[pl.ds(l * D, LANES)]
        p1 = pos_v[pl.ds(l * D + LANES, LANES)]

        @plsc.parallel_loop(0, BW, 1, unroll=8)
        def b_body(b):
            pad_v[pl.ds(b * PITCH, LANES)] = (
                bin_v[b, pl.ds(0, LANES)] + sub_v[b, pl.ds(0, LANES)] + p0)
            pad_v[pl.ds(b * PITCH + LANES, LANES)] = (
                bin_v[b, pl.ds(LANES, LANES)]
                + sub_v[b, pl.ds(LANES, LANES)] + p1)

    def stage_tiles(acc_v):
        @plsc.parallel_loop(0, D, 1, unroll=4)
        def d_body(d):
            off_d = (d // 8) * 1024 + (d % 8) * 128
            for bc in range(NBC):
                v = plsc.load_gather(
                    pad_v, [iota_p + (bc * (LANES * PITCH) + d)])
                acc_v[pl.ds(off_d + bc * LANES, LANES)] = v

    def fire_out(acc_v, l, sem):
        for td in range(TD):
            pltpu.async_copy(
                acc_v.at[pl.ds(td * 1024, 1024)],
                out_hbm.at[pl.ds((l + 1) * LSTRIDE + td * NW * 1024
                                 + wid * 1024, 1024)], sem)

    fire_gather(0, bin_a, sub_a, sem_a)
    fire_gather(1, bin_b, sub_b, sem_b)

    def pair_body(g, carry):
        l0 = 2 * g
        drain_gather(bin_a, sub_a, sem_a)

        @pl.when(g > 0)
        def _():
            drain_out(acc_a, sem_oa)

        stage_sum(bin_a, sub_a, l0)

        @pl.when(g < L // 2 - 1)
        def _():
            fire_gather(l0 + 2, bin_a, sub_a, sem_a)

        stage_tiles(acc_a)
        fire_out(acc_a, l0, sem_oa)

        drain_gather(bin_b, sub_b, sem_b)

        @pl.when(g > 0)
        def _():
            drain_out(acc_b, sem_ob)

        stage_sum(bin_b, sub_b, l0 + 1)

        @pl.when(g < L // 2 - 1)
        def _():
            fire_gather(l0 + 3, bin_b, sub_b, sem_b)

        stage_tiles(acc_b)
        fire_out(acc_b, l0 + 1, sem_ob)
        return carry

    lax.fori_loop(0, L // 2, pair_body, 0)
    drain_out(acc_a, sem_oa)
    drain_out(acc_b, sem_ob)


def kernel(bin_ids, subbin_ids, pos_table, bin_table, subbin_table, cls_table):
    def phys_ids(ids):
        return (ids.astype(jnp.int32).T.reshape(LT, 8, NW, 128)
                .transpose(0, 2, 1, 3).reshape(-1))

    flat = _emb_kernel(phys_ids(bin_ids), phys_ids(subbin_ids),
                       pos_table.reshape(-1), bin_table, subbin_table,
                       cls_table.reshape(-1))
    out5 = flat.reshape(L + 1, TD, NW, 8, 128)
    return out5.transpose(2, 4, 0, 1, 3).reshape(B, L + 1, D)

# --- scband reference (transcript-rebuilt; emitter-appended) ---
"""Pipeline reference for scband-num-embedding-58961311039688 (READ-ONLY COPY).

The authoritative reference and input builder live on the scoring server;
editing this copy changes nothing except your own understanding.
"""

import jax, jax.numpy as jnp
import numpy as np

B, L = 4096, 200
MAX_LEN, MAX_POSITION, D = 100000, 512, 32


def setup_inputs(seed: int = 0) -> dict:
    key = jax.random.key(seed)
    k1, k2, k3, k4, k5, k6 = jax.random.split(key, 6)
    bin_ids = jax.random.randint(k1, (B, L), 0, MAX_LEN)
    subbin_ids = jax.random.randint(k2, (B, L), 0, MAX_LEN)
    pos_table = jax.random.normal(k3, (MAX_POSITION, D), dtype=jnp.float32)
    bin_table = jax.random.normal(k4, (MAX_LEN, D), dtype=jnp.float32)
    subbin_table = jax.random.normal(k5, (MAX_LEN, D), dtype=jnp.float32)
    cls_table = jax.random.normal(k6, (1, D), dtype=jnp.float32)
    return {
        "bin_ids": bin_ids,
        "subbin_ids": subbin_ids,
        "pos_table": pos_table,
        "bin_table": bin_table,
        "subbin_table": subbin_table,
        "cls_table": cls_table,
    }


def reference(bin_ids, subbin_ids, pos_table, bin_table, subbin_table, cls_table):
    b = bin_ids.shape[0]
    seq_len = bin_ids.shape[1]
    # cls token: zeros -> lookup into 1-row cls embedding table
    cls_token = jnp.zeros((b, 1), dtype=jnp.int32)
    cls_embedded = jnp.take(cls_table, cls_token, axis=0)  # [B, 1, D]
    # positional embedding: lookup arange(seq_len) into pos table -> [L, D]
    positional_embedded = jnp.take(pos_table, jnp.arange(seq_len), axis=0)
    # bin / subbin embedding lookups
    bin_embedded = jnp.take(bin_table, bin_ids, axis=0)        # [B, L, D]
    subbin_embedded = jnp.take(subbin_table, subbin_ids, axis=0)  # [B, L, D]
    embedded = bin_embedded + subbin_embedded + positional_embedded[None, :, :]
    embedded = jnp.concatenate([cls_embedded, embedded], axis=1)  # [B, L+1, D]
    return embedded

if __name__ == "__main__":
    import jax
    _d = setup_inputs()
    print(jax.jit(kernel)(*tuple(_d.values())))

</pallas_src>

<mosaic_0001>
#map = affine_map<(d0, d1) -> (0)>
#map1 = affine_map<(d0, d1) -> (0, 0)>
module attributes {stable_mosaic.version = 14 : i64} {
  func.func @_emb_kernel(%arg0: i32, %arg1: i32, %arg2: memref<819200xi32, #tpu.memory_space<hbm>>, %arg3: memref<819200xi32, #tpu.memory_space<hbm>>, %arg4: memref<16384xf32, #tpu.memory_space<hbm>>, %arg5: memref<100000x32xf32, #tpu.memory_space<hbm>>, %arg6: memref<100000x32xf32, #tpu.memory_space<hbm>>, %arg7: memref<32xf32, #tpu.memory_space<hbm>>, %arg8: memref<26345472xf32, #tpu.memory_space<hbm>>, %arg9: memref<25600xi32, #tpu.memory_space<vmem>>, %arg10: memref<25600xi32, #tpu.memory_space<vmem>>, %arg11: memref<128x32xf32, #tpu.memory_space<vmem>>, %arg12: memref<128x32xf32, #tpu.memory_space<vmem>>, %arg13: memref<128x32xf32, #tpu.memory_space<vmem>>, %arg14: memref<128x32xf32, #tpu.memory_space<vmem>>, %arg15: memref<4224xf32, #tpu.memory_space<vmem>>, %arg16: memref<6400xf32, #tpu.memory_space<vmem>>, %arg17: memref<32xf32, #tpu.memory_space<vmem>>, %arg18: memref<4096xf32, #tpu.memory_space<vmem>>, %arg19: memref<4096xf32, #tpu.memory_space<vmem>>, %arg20: memref<!tpu.dma_semaphore, #tpu.memory_space<semaphore_mem>>, %arg21: memref<!tpu.dma_semaphore, #tpu.memory_space<semaphore_mem>>, %arg22: memref<!tpu.dma_semaphore, #tpu.memory_space<semaphore_mem>>, %arg23: memref<!tpu.dma_semaphore, #tpu.memory_space<semaphore_mem>>, %arg24: memref<!tpu.dma_semaphore, #tpu.memory_space<semaphore_mem>>) attributes {dimension_semantics = [#tpu.dimension_semantics<core_parallel>, #tpu.dimension_semantics<subcore_parallel>], iteration_bounds = array<i64: 2, 16>, scalar_prefetch = 0 : i64, scratch_operands = 16 : i64, tpu.core_type = #tpu.core_type<sc_vector_subcore>, window_params = [{transform_indices = #map}, {transform_indices = #map}, {transform_indices = #map}, {transform_indices = #map1}, {transform_indices = #map1}, {transform_indices = #map}, {transform_indices = #map}]} {
    %mul3A = arith.constant 2 : i32
    %mul3A_0 = arith.muli %arg1, %mul3A : i32
    %add3A = arith.addi %mul3A_0, %arg0 : i32
    %iota3A = tpu.iota {dimensions = array<i32: 0>} : vector<16xi32>
    %mul3A_1 = arith.constant 33 : i32
    %mul3A_2 = vector.broadcast %mul3A_1 : i32 to vector<16xi32>
    %mul3A_3 = arith.muli %iota3A, %mul3A_2 : vector<16xi32>
    %mul3A_4 = arith.constant 1024 : i32
    %mul3A_5 = arith.muli %add3A, %mul3A_4 : i32
    %add3A_6 = arith.constant 0 : i32
    %add3A_7 = arith.addi %add3A_6, %mul3A_5 : i32
    %dma_start3A = arith.constant 0 : i32
    %dma_start3A_8 = tpu.memref_slice %arg9[%dma_start3A] : memref<25600xi32, #tpu.memory_space<vmem>> -> memref<1024xi32, #tpu.memory_space<vmem>>
    %dma_start3A_9 = tpu.memref_slice %arg2[%add3A_7] : memref<819200xi32, #tpu.memory_space<hbm>> -> memref<1024xi32, #tpu.memory_space<hbm>>
    %dma_start3A_10 = arith.constant 0 : i32
    %dma_start3A_11 = tpu.memref_slice %arg9[%dma_start3A_10] : memref<25600xi32, #tpu.memory_space<vmem>> -> memref<1024xi32, #tpu.memory_space<vmem>>
    %dma_start3A_12 = tpu.memref_slice %arg2[%add3A_7] : memref<819200xi32, #tpu.memory_space<hbm>> -> memref<1024xi32, #tpu.memory_space<hbm>>
    tpu.enqueue_dma source(%dma_start3A_12 : memref<1024xi32, #tpu.memory_space<hbm>>) target(%dma_start3A_11 : memref<1024xi32, #tpu.memory_space<vmem>>) target_semaphore(%arg20 : memref<!tpu.dma_semaphore, #tpu.memory_space<semaphore_mem>>)
    %mul3A_13 = arith.constant 1024 : i32
    %mul3A_14 = arith.muli %add3A, %mul3A_13 : i32
    %add3A_15 = arith.constant 0 : i32
    %add3A_16 = arith.addi %add3A_15, %mul3A_14 : i32
    %dma_start3A_17 = arith.constant 0 : i32
    %dma_start3A_18 = tpu.memref_slice %arg10[%dma_start3A_17] : memref<25600xi32, #tpu.memory_space<vmem>> -> memref<1024xi32, #tpu.memory_space<vmem>>
    %dma_start3A_19 = tpu.memref_slice %arg3[%add3A_16] : memref<819200xi32, #tpu.memory_space<hbm>> -> memref<1024xi32, #tpu.memory_space<hbm>>
    %dma_start3A_20 = arith.constant 0 : i32
    %dma_start3A_21 = tpu.memref_slice %arg10[%dma_start3A_20] : memref<25600xi32, #tpu.memory_space<vmem>> -> memref<1024xi32, #tpu.memory_space<vmem>>
    %dma_start3A_22 = tpu.memref_slice %arg3[%add3A_16] : memref<819200xi32, #tpu.memory_space<hbm>> -> memref<1024xi32, #tpu.memory_space<hbm>>
    tpu.enqueue_dma source(%dma_start3A_22 : memref<1024xi32, #tpu.memory_space<hbm>>) target(%dma_start3A_21 : memref<1024xi32, #tpu.memory_space<vmem>>) target_semaphore(%arg20 : memref<!tpu.dma_semaphore, #tpu.memory_space<semaphore_mem>>)
    %mul3A_23 = arith.constant 1024 : i32
    %mul3A_24 = arith.muli %add3A, %mul3A_23 : i32
    %add3A_25 = arith.constant 32768 : i32
    %add3A_26 = arith.addi %add3A_25, %mul3A_24 : i32
    %dma_start3A_27 = arith.constant 1024 : i32
    %dma_start3A_28 = tpu.memref_slice %arg9[%dma_start3A_27] : memref<25600xi32, #tpu.memory_space<vmem>> -> memref<1024xi32, #tpu.memory_space<vmem>>
    %dma_start3A_29 = tpu.memref_slice %arg2[%add3A_26] : memref<819200xi32, #tpu.memory_space<hbm>> -> memref<1024xi32, #tpu.memory_space<hbm>>
    %dma_start3A_30 = arith.constant 1024 : i32
    %dma_start3A_31 = tpu.memref_slice %arg9[%dma_start3A_30] : memref<25600xi32, #tpu.memory_space<vmem>> -> memref<1024xi32, #tpu.memory_space<vmem>>
    %dma_start3A_32 = tpu.memref_slice %arg2[%add3A_26] : memref<819200xi32, #tpu.memory_space<hbm>> -> memref<1024xi32, #tpu.memory_space<hbm>>
    tpu.enqueue_dma source(%dma_start3A_32 : memref<1024xi32, #tpu.memory_space<hbm>>) target(%dma_start3A_31 : memref<1024xi32, #tpu.memory_space<vmem>>) target_semaphore(%arg20 : memref<!tpu.dma_semaphore, #tpu.memory_space<semaphore_mem>>)
    %mul3A_33 = arith.constant 1024 : i32
    %mul3A_34 = arith.muli %add3A, %mul3A_33 : i32
    %add3A_35 = arith.constant 32768 : i32
    %add3A_36 = arith.addi %add3A_35, %mul3A_34 : i32
    %dma_start3A_37 = arith.constant 1024 : i32
    %dma_start3A_38 = tpu.memref_slice %arg10[%dma_start3A_37] : memref<25600xi32, #tpu.memory_space<vmem>> -> memref<1024xi32, #tpu.memory_space<vmem>>
    %dma_start3A_39 = tpu.memref_slice %arg3[%add3A_36] : memref<819200xi32, #tpu.memory_space<hbm>> -> memref<1024xi32, #tpu.memory_space<hbm>>
    %dma_start3A_40 = arith.constant 1024 : i32
    %dma_start3A_41 = tpu.memref_slice %arg10[%dma_start3A_40] : memref<25600xi32, #tpu.memory_space<vmem>> -> memref<1024xi32, #tpu.memory_space<vmem>>
    %dma_start3A_42 = tpu.memref_slice %arg3[%add3A_36] : memref<819200xi32, #tpu.memory_space<hbm>> -> memref<1024xi32, #tpu.memory_space<hbm>>
    tpu.enqueue_dma source(%dma_start3A_42 : memref<1024xi32, #tpu.memory_space<hbm>>) target(%dma_start3A_41 : memref<1024xi32, #tpu.memory_space<vmem>>) target_semaphore(%arg20 : memref<!tpu.dma_semaphore, #tpu.memory_space<semaphore_mem>>)
    %mul3A_43 = arith.constant 1024 : i32
    %mul3A_44 = arith.muli %add3A, %mul3A_43 : i32
    %add3A_45 = arith.constant 65536 : i32
    %add3A_46 = arith.addi %add3A_45, %mul3A_44 : i32
    %dma_start3A_47 = arith.constant 2048 : i32
    %dma_start3A_48 = tpu.memref_slice %arg9[%dma_start3A_47] : memref<25600xi32, #tpu.memory_space<vmem>> -> memref<1024xi32, #tpu.memory_space<vmem>>
    %dma_start3A_49 = tpu.memref_slice %arg2[%add3A_46] : memref<819200xi32, #tpu.memory_space<hbm>> -> memref<1024xi32, #tpu.memory_space<hbm>>
    %dma_start3A_50 = arith.constant 2048 : i32
    %dma_start3A_51 = tpu.memref_slice %arg9[%dma_start3A_50] : memref<25600xi32, #tpu.memory_space<vmem>> -> memref<1024xi32, #tpu.memory_space<vmem>>
    %dma_start3A_52 = tpu.memref_slice %arg2[%add3A_46] : memref<819200xi32, #tpu.memory_space<hbm>> -> memref<1024xi32, #tpu.memory_space<hbm>>
    tpu.enqueue_dma source(%dma_start3A_52 : memref<1024xi32, #tpu.memory_space<hbm>>) target(%dma_start3A_51 : memref<1024xi32, #tpu.memory_space<vmem>>) target_semaphore(%arg20 : memref<!tpu.dma_semaphore, #tpu.memory_space<semaphore_mem>>)
    %mul3A_53 = arith.constant 1024 : i32
    %mul3A_54 = arith.muli %add3A, %mul3A_53 : i32
    %add3A_55 = arith.constant 65536 : i32
    %add3A_56 = arith.addi %add3A_55, %mul3A_54 : i32
    %dma_start3A_57 = arith.constant 2048 : i32
    %dma_start3A_58 = tpu.memref_slice %arg10[%dma_start3A_57] : memref<25600xi32, #tpu.memory_space<vmem>> -> memref<1024xi32, #tpu.memory_space<vmem>>
    %dma_start3A_59 = tpu.memref_slice %arg3[%add3A_56] : memref<819200xi32, #tpu.memory_space<hbm>> -> memref<1024xi32, #tpu.memory_space<hbm>>
    %dma_start3A_60 = arith.constant 2048 : i32
    %dma_start3A_61 = tpu.memref_slice %arg10[%dma_start3A_60] : memref<25600xi32, #tpu.memory_space<vmem>> -> memref<1024xi32, #tpu.memory_space<vmem>>
    %dma_start3A_62 = tpu.memref_slice %arg3[%add3A_56] : memref<819200xi32, #tpu.memory_space<hbm>> -> memref<1024xi32, #tpu.memory_space<hbm>>
    tpu.enqueue_dma source(%dma_start3A_62 : memref<1024xi32, #tpu.memory_space<hbm>>) target(%dma_start3A_61 : memref<1024xi32, #tpu.memory_space<vmem>>) target_semaphore(%arg20 : memref<!tpu.dma_semaphore, #tpu.memory_space<semaphore_mem>>)
    %mul3A_63 = arith.constant 1024 : i32
    %mul3A_64 = arith.muli %add3A, %mul3A_63 : i32
    %add3A_65 = arith.constant 98304 : i32
    %add3A_66 = arith.addi %add3A_65, %mul3A_64 : i32
    %dma_start3A_67 = arith.constant 3072 : i32
    %dma_start3A_68 = tpu.memref_slice %arg9[%dma_start3A_67] : memref<25600xi32, #tpu.memory_space<vmem>> -> memref<1024xi32, #tpu.memory_space<vmem>>
    %dma_start3A_69 = tpu.memref_slice %arg2[%add3A_66] : memref<819200xi32, #tpu.memory_space<hbm>> -> memref<1024xi32, #tpu.memory_space<hbm>>
    %dma_start3A_70 = arith.constant 3072 : i32
    %dma_start3A_71 = tpu.memref_slice %arg9[%dma_start3A_70] : memref<25600xi32, #tpu.memory_space<vmem>> -> memref<1024xi32, #tpu.memory_space<vmem>>
    %dma_start3A_72 = tpu.memref_slice %arg2[%add3A_66] : memref<819200xi32, #tpu.memory_space<hbm>> -> memref<1024xi32, #tpu.memory_space<hbm>>
    tpu.enqueue_dma source(%dma_start3A_72 : memref<1024xi32, #tpu.memory_space<hbm>>) target(%dma_start3A_71 : memref<1024xi32, #tpu.memory_space<vmem>>) target_semaphore(%arg20 : memref<!tpu.dma_semaphore, #tpu.memory_space<semaphore_mem>>)
    %mul3A_73 = arith.constant 1024 : i32
    %mul3A_74 = arith.muli %add3A, %mul3A_73 : i32
    %add3A_75 = arith.constant 98304 : i32
    %add3A_76 = arith.addi %add3A_75, %mul3A_74 : i32
    %dma_start3A_77 = arith.constant 3072 : i32
    %dma_start3A_78 = tpu.memref_slice %arg10[%dma_start3A_77] : memref<25600xi32, #tpu.memory_space<vmem>> -> memref<1024xi32, #tpu.memory_space<vmem>>
    %dma_start3A_79 = tpu.memref_slice %arg3[%add3A_76] : memref<819200xi32, #tpu.memory_space<hbm>> -> memref<1024xi32, #tpu.memory_space<hbm>>
    %dma_start3A_80 = arith.constant 3072 : i32
    %dma_start3A_81 = tpu.memref_slice %arg10[%dma_start3A_80] : memref<25600xi32, #tpu.memory_space<vmem>> -> memref<1024xi32, #tpu.memory_space<vmem>>
    %dma_start3A_82 = tpu.memref_slice %arg3[%add3A_76] : memref<819200xi32, #tpu.memory_space<hbm>> -> memref<1024xi32, #tpu.memory_space<hbm>>
    tpu.enqueue_dma source(%dma_start3A_82 : memref<1024xi32, #tpu.memory_space<hbm>>) target(%dma_start3A_81 : memref<1024xi32, #tpu.memory_space<vmem>>) target_semaphore(%arg20 : memref<!tpu.dma_semaphore, #tpu.memory_space<semaphore_mem>>)
    %mul3A_83 = arith.constant 1024 : i32
    %mul3A_84 = arith.muli %add3A, %mul3A_83 : i32
    %add3A_85 = arith.constant 131072 : i32
    %add3A_86 = arith.addi %add3A_85, %mul3A_84 : i32
    %dma_start3A_87 = arith.constant 4096 : i32
    %dma_start3A_88 = tpu.memref_slice %arg9[%dma_start3A_87] : memref<25600xi32, #tpu.memory_space<vmem>> -> memref<1024xi32, #tpu.memory_space<vmem>>
    %dma_start3A_89 = tpu.memref_slice %arg2[%add3A_86] : memref<819200xi32, #tpu.memory_space<hbm>> -> memref<1024xi32, #tpu.memory_space<hbm>>
    %dma_start3A_90 = arith.constant 4096 : i32
    %dma_start3A_91 = tpu.memref_slice %arg9[%dma_start3A_90] : memref<25600xi32, #tpu.memory_space<vmem>> -> memref<1024xi32, #tpu.memory_space<vmem>>
    %dma_start3A_92 = tpu.memref_slice %arg2[%add3A_86] : memref<819200xi32, #tpu.memory_space<hbm>> -> memref<1024xi32, #tpu.memory_space<hbm>>
    tpu.enqueue_dma source(%dma_start3A_92 : memref<1024xi32, #tpu.memory_space<hbm>>) target(%dma_start3A_91 : memref<1024xi32, #tpu.memory_space<vmem>>) target_semaphore(%arg20 : memref<!tpu.dma_semaphore, #tpu.memory_space<semaphore_mem>>)
    %mul3A_93 = arith.constant 1024 : i32
    %mul3A_94 = arith.muli %add3A, %mul3A_93 : i32
    %add3A_95 = arith.constant 131072 : i32
    %add3A_96 = arith.addi %add3A_95, %mul3A_94 : i32
    %dma_start3A_97 = arith.constant 4096 : i32
    %dma_start3A_98 = tpu.memref_slice %arg10[%dma_start3A_97] : memref<25600xi32, #tpu.memory_space<vmem>> -> memref<1024xi32, #tpu.memory_space<vmem>>
    %dma_start3A_99 = tpu.memref_slice %arg3[%add3A_96] : memref<819200xi32, #tpu.memory_space<hbm>> -> memref<1024xi32, #tpu.memory_space<hbm>>
    %dma_start3A_100 = arith.constant 4096 : i32
    %dma_start3A_101 = tpu.memref_slice %arg10[%dma_start3A_100] : memref<25600xi32, #tpu.memory_space<vmem>> -> memref<1024xi32, #tpu.memory_space<vmem>>
    %dma_start3A_102 = tpu.memref_slice %arg3[%add3A_96] : memref<819200xi32, #tpu.memory_space<hbm>> -> memref<1024xi32, #tpu.memory_space<hbm>>
    tpu.enqueue_dma source(%dma_start3A_102 : memref<1024xi32, #tpu.memory_space<hbm>>) target(%dma_start3A_101 : memref<1024xi32, #tpu.memory_space<vmem>>) target_semaphore(%arg20 : memref<!tpu.dma_semaphore, #tpu.memory_space<semaphore_mem>>)
    %mul3A_103 = arith.constant 1024 : i32
    %mul3A_104 = arith.muli %add3A, %mul3A_103 : i32
    %add3A_105 = arith.constant 163840 : i32
    %add3A_106 = arith.addi %add3A_105, %mul3A_104 : i32
    %dma_start3A_107 = arith.constant 5120 : i32
    %dma_start3A_108 = tpu.memref_slice %arg9[%dma_start3A_107] : memref<25600xi32, #tpu.memory_space<vmem>> -> memref<1024xi32, #tpu.memory_space<vmem>>
    %dma_start3A_109 = tpu.memref_slice %arg2[%add3A_106] : memref<819200xi32, #tpu.memory_space<hbm>> -> memref<1024xi32, #tpu.memory_space<hbm>>
    %dma_start3A_110 = arith.constant 5120 : i32
    %dma_start3A_111 = tpu.memref_slice %arg9[%dma_start3A_110] : memref<25600xi32, #tpu.memory_space<vmem>> -> memref<1024xi32, #tpu.memory_space<vmem>>
    %dma_start3A_112 = tpu.memref_slice %arg2[%add3A_106] : memref<819200xi32, #tpu.memory_space<hbm>> -> memref<1024xi32, #tpu.memory_space<hbm>>
    tpu.enqueue_dma source(%dma_start3A_112 : memref<1024xi32, #tpu.memory_space<hbm>>) target(%dma_start3A_111 : memref<1024xi32, #tpu.memory_space<vmem>>) target_semaphore(%arg20 : memref<!tpu.dma_semaphore, #tpu.memory_space<semaphore_mem>>)
    %mul3A_113 = arith.constant 1024 : i32
    %mul3A_114 = arith.muli %add3A, %mul3A_113 : i32
    %add3A_115 = arith.constant 163840 : i32
    %add3A_116 = arith.addi %add3A_115, %mul3A_114 : i32
    %dma_start3A_117 = arith.constant 5120 : i32
    %dma_start3A_118 = tpu.memref_slice %arg10[%dma_start3A_117] : memref<25600xi32, #tpu.memory_space<vmem>> -> memref<1024xi32, #tpu.memory_space<vmem>>
    %dma_start3A_119 = tpu.memref_slice %arg3[%add3A_116] : memref<819200xi32, #tpu.memory_space<hbm>> -> memref<1024xi32, #tpu.memory_space<hbm>>
    %dma_start3A_120 = arith.constant 5120 : i32
    %dma_start3A_121 = tpu.memref_slice %arg10[%dma_start3A_120] : memref<25600xi32, #tpu.memory_space<vmem>> -> memref<1024xi32, #tpu.memory_space<vmem>>
    %dma_start3A_122 = tpu.memref_slice %arg3[%add3A_116] : memref<819200xi32, #tpu.memory_space<hbm>> -> memref<1024xi32, #tpu.memory_space<hbm>>
    tpu.enqueue_dma source(%dma_start3A_122 : memref<1024xi32, #tpu.memory_space<hbm>>) target(%dma_start3A_121 : memref<1024xi32, #tpu.memory_space<vmem>>) target_semaphore(%arg20 : memref<!tpu.dma_semaphore, #tpu.memory_space<semaphore_mem>>)
    %mul3A_123 = arith.constant 1024 : i32
    %mul3A_124 = arith.muli %add3A, %mul3A_123 : i32
    %add3A_125 = arith.constant 196608 : i32
    %add3A_126 = arith.addi %add3A_125, %mul3A_124 : i32
    %dma_start3A_127 = arith.constant 6144 : i32
    %dma_start3A_128 = tpu.memref_slice %arg9[%dma_start3A_127] : memref<25600xi32, #tpu.memory_space<vmem>> -> memref<1024xi32, #tpu.memory_space<vmem>>
    %dma_start3A_129 = tpu.memref_slice %arg2[%add3A_126] : memref<819200xi32, #tpu.memory_space<hbm>> -> memref<1024xi32, #tpu.memory_space<hbm>>
    %dma_start3A_130 = arith.constant 6144 : i32
    %dma_start3A_131 = tpu.memref_slice %arg9[%dma_start3A_130] : memref<25600xi32, #tpu.memory_space<vmem>> -> memref<1024xi32, #tpu.memory_space<vmem>>
    %dma_start3A_132 = tpu.memref_slice %arg2[%add3A_126] : memref<819200xi32, #tpu.memory_space<hbm>> -> memref<1024xi32, #tpu.memory_space<hbm>>
    tpu.enqueue_dma source(%dma_start3A_132 : memref<1024xi32, #tpu.memory_space<hbm>>) target(%dma_start3A_131 : memref<1024xi32, #tpu.memory_space<vmem>>) target_semaphore(%arg20 : memref<!tpu.dma_semaphore, #tpu.memory_space<semaphore_mem>>)
    %mul3A_133 = arith.constant 1024 : i32
    %mul3A_134 = arith.muli %add3A, %mul3A_133 : i32
    %add3A_135 = arith.constant 196608 : i32
    %add3A_136 = arith.addi %add3A_135, %mul3A_134 : i32
    %dma_start3A_137 = arith.constant 6144 : i32
    %dma_start3A_138 = tpu.memref_slice %arg10[%dma_start3A_137] : memref<25600xi32, #tpu.memory_space<vmem>> -> memref<1024xi32, #tpu.memory_space<vmem>>
    %dma_start3A_139 = tpu.memref_slice %arg3[%add3A_136] : memref<819200xi32, #tpu.memory_space<hbm>> -> memref<1024xi32, #tpu.memory_space<hbm>>
    %dma_start3A_140 = arith.constant 6144 : i32
    %dma_start3A_141 = tpu.memref_slice %arg10[%dma_start3A_140] : memref<25600xi32, #tpu.memory_space<vmem>> -> memref<1024xi32, #tpu.memory_space<vmem>>
    %dma_start3A_142 = tpu.memref_slice %arg3[%add3A_136] : memref<819200xi32, #tpu.memory_space<hbm>> -> memref<1024xi32, #tpu.memory_space<hbm>>
    tpu.enqueue_dma source(%dma_start3A_142 : memref<1024xi32, #tpu.memory_space<hbm>>) target(%dma_start3A_141 : memref<1024xi32, #tpu.memory_space<vmem>>) target_semaphore(%arg20 : memref<!tpu.dma_semaphore, #tpu.memory_space<semaphore_mem>>)
    %mul3A_143 = arith.constant 1024 : i32
    %mul3A_144 = arith.muli %add3A, %mul3A_143 : i32
    %add3A_145 = arith.constant 229376 : i32
    %add3A_146 = arith.addi %add3A_145, %mul3A_144 : i32
    %dma_start3A_147 = arith.constant 7168 : i32
    %dma_start3A_148 = tpu.memref_slice %arg9[%dma_start3A_147] : memref<25600xi32, #tpu.memory_space<vmem>> -> memref<1024xi32, #tpu.memory_space<vmem>>
    %dma_start3A_149 = tpu.memref_slice %arg2[%add3A_146] : memref<819200xi32, #tpu.memory_space<hbm>> -> memref<1024xi32, #tpu.memory_space<hbm>>
    %dma_start3A_150 = arith.constant 7168 : i32
    %dma_start3A_151 = tpu.memref_slice %arg9[%dma_start3A_150] : memref<25600xi32, #tpu.memory_space<vmem>> -> memref<1024xi32, #tpu.memory_space<vmem>>
    %dma_start3A_152 = tpu.memref_slice %arg2[%add3A_146] : memref<819200xi32, #tpu.memory_space<hbm>> -> memref<1024xi32, #tpu.memory_space<hbm>>
    tpu.enqueue_dma source(%dma_start3A_152 : memref<1024xi32, #tpu.memory_space<hbm>>) target(%dma_start3A_151 : memref<1024xi32, #tpu.memory_space<vmem>>) target_semaphore(%arg20 : memref<!tpu.dma_semaphore, #tpu.memory_space<semaphore_mem>>)
    %mul3A_153 = arith.constant 1024 : i32
    %mul3A_154 = arith.muli %add3A, %mul3A_153 : i32
    %add3A_155 = arith.constant 229376 : i32
    %add3A_156 = arith.addi %add3A_155, %mul3A_154 : i32
    %dma_start3A_157 = arith.constant 7168 : i32
    %dma_start3A_158 = tpu.memref_slice %arg10[%dma_start3A_157] : memref<25600xi32, #tpu.memory_space<vmem>> -> memref<1024xi32, #tpu.memory_space<vmem>>
    %dma_start3A_159 = tpu.memref_slice %arg3[%add3A_156] : memref<819200xi32, #tpu.memory_space<hbm>> -> memref<1024xi32, #tpu.memory_space<hbm>>
    %dma_start3A_160 = arith.constant 7168 : i32
    %dma_start3A_161 = tpu.memref_slice %arg10[%dma_start3A_160] : memref<25600xi32, #tpu.memory_space<vmem>> -> memref<1024xi32, #tpu.memory_space<vmem>>
    %dma_start3A_162 = tpu.memref_slice %arg3[%add3A_156] : memref<819200xi32, #tpu.memory_space<hbm>> -> memref<1024xi32, #tpu.memory_space<hbm>>
    tpu.enqueue_dma source(%dma_start3A_162 : memref<1024xi32, #tpu.memory_space<hbm>>) target(%dma_start3A_161 : memref<1024xi32, #tpu.memory_space<vmem>>) target_semaphore(%arg20 : memref<!tpu.dma_semaphore, #tpu.memory_space<semaphore_mem>>)
    %mul3A_163 = arith.constant 1024 : i32
    %mul3A_164 = arith.muli %add3A, %mul3A_163 : i32
    %add3A_165 = arith.constant 262144 : i32
    %add3A_166 = arith.addi %add3A_165, %mul3A_164 : i32
    %dma_start3A_167 = arith.constant 8192 : i32
    %dma_start3A_168 = tpu.memref_slice %arg9[%dma_start3A_167] : memref<25600xi32, #tpu.memory_space<vmem>> -> memref<1024xi32, #tpu.memory_space<vmem>>
    %dma_start3A_169 = tpu.memref_slice %arg2[%add3A_166] : memref<819200xi32, #tpu.memory_space<hbm>> -> memref<1024xi32, #tpu.memory_space<hbm>>
    %dma_start3A_170 = arith.constant 8192 : i32
    %dma_start3A_171 = tpu.memref_slice %arg9[%dma_start3A_170] : memref<25600xi32, #tpu.memory_space<vmem>> -> memref<1024xi32, #tpu.memory_space<vmem>>
    %dma_start3A_172 = tpu.memref_slice %arg2[%add3A_166] : memref<819200xi32, #tpu.memory_space<hbm>> -> memref<1024xi32, #tpu.memory_space<hbm>>
    tpu.enqueue_dma source(%dma_start3A_172 : memref<1024xi32, #tpu.memory_space<hbm>>) target(%dma_start3A_171 : memref<1024xi32, #tpu.memory_space<vmem>>) target_semaphore(%arg20 : memref<!tpu.dma_semaphore, #tpu.memory_space<semaphore_mem>>)
    %mul3A_173 = arith.constant 1024 : i32
    %mul3A_174 = arith.muli %add3A, %mul3A_173 : i32
    %add3A_175 = arith.constant 262144 : i32
    %add3A_176 = arith.addi %add3A_175, %mul3A_174 : i32
    %dma_start3A_177 = arith.constant 8192 : i32
    %dma_start3A_178 = tpu.memref_slice %arg10[%dma_start3A_177] : memref<25600xi32, #tpu.memory_space<vmem>> -> memref<1024xi32, #tpu.memory_space<vmem>>
    %dma_start3A_179 = tpu.memref_slice %arg3[%add3A_176] : memref<819200xi32, #tpu.memory_space<hbm>> -> memref<1024xi32, #tpu.memory_space<hbm>>
    %dma_start3A_180 = arith.constant 8192 : i32
    %dma_start3A_181 = tpu.memref_slice %arg10[%dma_start3A_180] : memref<25600xi32, #tpu.memory_space<vmem>> -> memref<1024xi32, #tpu.memory_space<vmem>>
    %dma_start3A_182 = tpu.memref_slice %arg3[%add3A_176] : memref<819200xi32, #tpu.memory_space<hbm>> -> memref<1024xi32, #tpu.memory_space<hbm>>
    tpu.enqueue_dma source(%dma_start3A_182 : memref<1024xi32, #tpu.memory_space<hbm>>) target(%dma_start3A_181 : memref<1024xi32, #tpu.memory_space<vmem>>) target_semaphore(%arg20 : memref<!tpu.dma_semaphore, #tpu.memory_space<semaphore_mem>>)
    %mul3A_183 = arith.constant 1024 : i32
    %mul3A_184 = arith.muli %add3A, %mul3A_183 : i32
    %add3A_185 = arith.constant 294912 : i32
    %add3A_186 = arith.addi %add3A_185, %mul3A_184 : i32
    %dma_start3A_187 = arith.constant 9216 : i32
    %dma_start3A_188 = tpu.memref_slice %arg9[%dma_start3A_187] : memref<25600xi32, #tpu.memory_space<vmem>> -> memref<1024xi32, #tpu.memory_space<vmem>>
    %dma_start3A_189 = tpu.memref_slice %arg2[%add3A_186] : memref<819200xi32, #tpu.memory_space<hbm>> -> memref<1024xi32, #tpu.memory_space<hbm>>
    %dma_start3A_190 = arith.constant 9216 : i32
    %dma_start3A_191 = tpu.memref_slice %arg9[%dma_start3A_190] : memref<25600xi32, #tpu.memory_space<vmem>> -> memref<1024xi32, #tpu.memory_space<vmem>>
    %dma_start3A_192 = tpu.memref_slice %arg2[%add3A_186] : memref<819200xi32, #tpu.memory_space<hbm>> -> memref<1024xi32, #tpu.memory_space<hbm>>
    tpu.enqueue_dma source(%dma_start3A_192 : memref<1024xi32, #tpu.memory_space<hbm>>) target(%dma_start3A_191 : memref<1024xi32, #tpu.memory_space<vmem>>) target_semaphore(%arg20 : memref<!tpu.dma_semaphore, #tpu.memory_space<semaphore_mem>>)
    %mul3A_193 = arith.constant 1024 : i32
    %mul3A_194 = arith.muli %add3A, %mul3A_193 : i32
    %add3A_195 = arith.constant 294912 : i32
    %add3A_196 = arith.addi %add3A_195, %mul3A_194 : i32
    %dma_start3A_197 = arith.constant 9216 : i32
    %dma_start3A_198 = tpu.memref_slice %arg10[%dma_start3A_197] : memref<25600xi32, #tpu.memory_space<vmem>> -> memref<1024xi32, #tpu.memory_space<vmem>>
    %dma_start3A_199 = tpu.memref_slice %arg3[%add3A_196] : memref<819200xi32, #tpu.memory_space<hbm>> -> memref<1024xi32, #tpu.memory_space<hbm>>
    %dma_start3A_200 = arith.constant 9216 : i32
    %dma_start3A_201 = tpu.memref_slice %arg10[%dma_start3A_200] : memref<25600xi32, #tpu.memory_space<vmem>> -> memref<1024xi32, #tpu.memory_space<vmem>>
    %dma_start3A_202 = tpu.memref_slice %arg3[%add3A_196] : memref<819200xi32, #tpu.memory_space<hbm>> -> memref<1024xi32, #tpu.memory_space<hbm>>
    tpu.enqueue_dma source(%dma_start3A_202 : memref<1024xi32, #tpu.memory_space<hbm>>) target(%dma_start3A_201 : memref<1024xi32, #tpu.memory_space<vmem>>) target_semaphore(%arg20 : memref<!tpu.dma_semaphore, #tpu.memory_space<semaphore_mem>>)
    %mul3A_203 = arith.constant 1024 : i32
    %mul3A_204 = arith.muli %add3A, %mul3A_203 : i32
    %add3A_205 = arith.constant 327680 : i32
    %add3A_206 = arith.addi %add3A_205, %mul3A_204 : i32
    %dma_start3A_207 = arith.constant 10240 : i32
    %dma_start3A_208 = tpu.memref_slice %arg9[%dma_start3A_207] : memref<25600xi32, #tpu.memory_space<vmem>> -> memref<1024xi32, #tpu.memory_space<vmem>>
    %dma_start3A_209 = tpu.memref_slice %arg2[%add3A_206] : memref<819200xi32, #tpu.memory_space<hbm>> -> memref<1024xi32, #tpu.memory_space<hbm>>
    %dma_start3A_210 = arith.constant 10240 : i32
    %dma_start3A_211 = tpu.memref_slice %arg9[%dma_start3A_210] : memref<25600xi32, #tpu.memory_space<vmem>> -> memref<1024xi32, #tpu.memory_space<vmem>>
    %dma_start3A_212 = tpu.memref_slice %arg2[%add3A_206] : memref<819200xi32, #tpu.memory_space<hbm>> -> memref<1024xi32, #tpu.memory_space<hbm>>
    tpu.enqueue_dma source(%dma_start3A_212 : memref<1024xi32, #tpu.memory_space<hbm>>) target(%dma_start3A_211 : memref<1024xi32, #tpu.memory_space<vmem>>) target_semaphore(%arg20 : memref<!tpu.dma_semaphore, #tpu.memory_space<semaphore_mem>>)
    %mul3A_213 = arith.constant 1024 : i32
    %mul3A_214 = arith.muli %add3A, %mul3A_213 : i32
    %add3A_215 = arith.constant 327680 : i32
    %add3A_216 = arith.addi %add3A_215, %mul3A_214 : i32
    %dma_start3A_217 = arith.constant 10240 : i32
    %dma_start3A_218 = tpu.memref_slice %arg10[%dma_start3A_217] : memref<25600xi32, #tpu.memory_space<vmem>> -> memref<1024xi32, #tpu.memory_space<vmem>>
    %dma_start3A_219 = tpu.memref_slice %arg3[%add3A_216] : memref<819200xi32, #tpu.memory_space<hbm>> -> memref<1024xi32, #tpu.memory_space<hbm>>
    %dma_start3A_220 = arith.constant 10240 : i32
    %dma_start3A_221 = tpu.memref_slice %arg10[%dma_start3A_220] : memref<25600xi32, #tpu.memory_space<vmem>> -> memref<1024xi32, #tpu.memory_space<vmem>>
    %dma_start3A_222 = tpu.memref_slice %arg3[%add3A_216] : memref<819200xi32, #tpu.memory_space<hbm>> -> memref<1024xi32, #tpu.memory_space<hbm>>
    tpu.enqueue_dma source(%dma_start3A_222 : memref<1024xi32, #tpu.memory_space<hbm>>) target(%dma_start3A_221 : memref<1024xi32, #tpu.memory_space<vmem>>) target_semaphore(%arg20 : memref<!tpu.dma_semaphore, #tpu.memory_space<semaphore_mem>>)
    %mul3A_223 = arith.constant 1024 : i32
    %mul3A_224 = arith.muli %add3A, %mul3A_223 : i32
    %add3A_225 = arith.constant 360448 : i32
    %add3A_226 = arith.addi %add3A_225, %mul3A_224 : i32
    %dma_start3A_227 = arith.constant 11264 : i32
    %dma_start3A_228 = tpu.memref_slice %arg9[%dma_start3A_227] : memref<25600xi32, #tpu.memory_space<vmem>> -> memref<1024xi32, #tpu.memory_space<vmem>>
    %dma_start3A_229 = tpu.memref_slice %arg2[%add3A_226] : memref<819200xi32, #tpu.memory_space<hbm>> -> memref<1024xi32, #tpu.memory_space<hbm>>
    %dma_start3A_230 = arith.constant 11264 : i32
    %dma_start3A_231 = tpu.memref_slice %arg9[%dma_start3A_230] : memref<25600xi32, #tpu.memory_space<vmem>> -> memref<1024xi32, #tpu.memory_space<vmem>>
    %dma_start3A_232 = tpu.memref_slice %arg2[%add3A_226] : memref<819200xi32, #tpu.memory_space<hbm>> -> memref<1024xi32, #tpu.memory_space<hbm>>
    tpu.enqueue_dma source(%dma_start3A_232 : memref<1024xi32, #tpu.memory_space<hbm>>) target(%dma_start3A_231 : memref<1024xi32, #tpu.memory_space<vmem>>) target_semaphore(%arg20 : memref<!tpu.dma_semaphore, #tpu.memory_space<semaphore_mem>>)
    %mul3A_233 = arith.constant 1024 : i32
    %mul3A_234 = arith.muli %add3A, %mul3A_233 : i32
    %add3A_235 = arith.constant 360448 : i32
    %add3A_236 = arith.addi %add3A_235, %mul3A_234 : i32
    %dma_start3A_237 = arith.constant 11264 : i32
    %dma_start3A_238 = tpu.memref_slice %arg10[%dma_start3A_237] : memref<25600xi32, #tpu.memory_space<vmem>> -> memref<1024xi32, #tpu.memory_space<vmem>>
    %dma_start3A_239 = tpu.memref_slice %arg3[%add3A_236] : memref<819200xi32, #tpu.memory_space<hbm>> -> memref<1024xi32, #tpu.memory_space<hbm>>
    %dma_start3A_240 = arith.constant 11264 : i32
    %dma_start3A_241 = tpu.memref_slice %arg10[%dma_start3A_240] : memref<25600xi32, #tpu.memory_space<vmem>> -> memref<1024xi32, #tpu.memory_space<vmem>>
    %dma_start3A_242 = tpu.memref_slice %arg3[%add3A_236] : memref<819200xi32, #tpu.memory_space<hbm>> -> memref<1024xi32, #tpu.memory_space<hbm>>
    tpu.enqueue_dma source(%dma_start3A_242 : memref<1024xi32, #tpu.memory_space<hbm>>) target(%dma_start3A_241 : memref<1024xi32, #tpu.memory_space<vmem>>) target_semaphore(%arg20 : memref<!tpu.dma_semaphore, #tpu.memory_space<semaphore_mem>>)
    %mul3A_243 = arith.constant 1024 : i32
    %mul3A_244 = arith.muli %add3A, %mul3A_243 : i32
    %add3A_245 = arith.constant 393216 : i32
    %add3A_246 = arith.addi %add3A_245, %mul3A_244 : i32
    %dma_start3A_247 = arith.constant 12288 : i32
    %dma_start3A_248 = tpu.memref_slice %arg9[%dma_start3A_247] : memref<25600xi32, #tpu.memory_space<vmem>> -> memref<1024xi32, #tpu.memory_space<vmem>>
    %dma_start3A_249 = tpu.memref_slice %arg2[%add3A_246] : memref<819200xi32, #tpu.memory_space<hbm>> -> memref<1024xi32, #tpu.memory_space<hbm>>
    %dma_start3A_250 = arith.constant 12288 : i32
    %dma_start3A_251 = tpu.memref_slice %arg9[%dma_start3A_250] : memref<25600xi32, #tpu.memory_space<vmem>> -> memref<1024xi32, #tpu.memory_space<vmem>>
    %dma_start3A_252 = tpu.memref_slice %arg2[%add3A_246] : memref<819200xi32, #tpu.memory_space<hbm>> -> memref<1024xi32, #tpu.memory_space<hbm>>
    tpu.enqueue_dma source(%dma_start3A_252 : memref<1024xi32, #tpu.memory_space<hbm>>) target(%dma_start3A_251 : memref<1024xi32, #tpu.memory_space<vmem>>) target_semaphore(%arg20 : memref<!tpu.dma_semaphore, #tpu.memory_space<semaphore_mem>>)
    %mul3A_253 = arith.constant 1024 : i32
    %mul3A_254 = arith.muli %add3A, %mul3A_253 : i32
    %add3A_255 = arith.constant 393216 : i32
    %add3A_256 = arith.addi %add3A_255, %mul3A_254 : i32
    %dma_start3A_257 = arith.constant 12288 : i32
    %dma_start3A_258 = tpu.memref_slice %arg10[%dma_start3A_257] : memref<25600xi32, #tpu.memory_space<vmem>> -> memref<1024xi32, #tpu.memory_space<vmem>>
    %dma_start3A_259 = tpu.memref_slice %arg3[%add3A_256] : memref<819200xi32, #tpu.memory_space<hbm>> -> memref<1024xi32, #tpu.memory_space<hbm>>
    %dma_start3A_260 = arith.constant 12288 : i32
    %dma_start3A_261 = tpu.memref_slice %arg10[%dma_start3A_260] : memref<25600xi32, #tpu.memory_space<vmem>> -> memref<1024xi32, #tpu.memory_space<vmem>>
    %dma_start3A_262 = tpu.memref_slice %arg3[%add3A_256] : memref<819200xi32, #tpu.memory_space<hbm>> -> memref<1024xi32, #tpu.memory_space<hbm>>
    tpu.enqueue_dma source(%dma_start3A_262 : memref<1024xi32, #tpu.memory_space<hbm>>) target(%dma_start3A_261 : memref<1024xi32, #tpu.memory_space<vmem>>) target_semaphore(%arg20 : memref<!tpu.dma_semaphore, #tpu.memory_space<semaphore_mem>>)
    %mul3A_263 = arith.constant 1024 : i32
    %mul3A_264 = arith.muli %add3A, %mul3A_263 : i32
    %add3A_265 = arith.constant 425984 : i32
    %add3A_266 = arith.addi %add3A_265, %mul3A_264 : i32
    %dma_start3A_267 = arith.constant 13312 : i32
    %dma_start3A_268 = tpu.memref_slice %arg9[%dma_start3A_267] : memref<25600xi32, #tpu.memory_space<vmem>> -> memref<1024xi32, #tpu.memory_space<vmem>>
    %dma_start3A_269 = tpu.memref_slice %arg2[%add3A_266] : memref<819200xi32, #tpu.memory_space<hbm>> -> memref<1024xi32, #tpu.memory_space<hbm>>
    %dma_start3A_270 = arith.constant 13312 : i32
    %dma_start3A_271 = tpu.memref_slice %arg9[%dma_start3A_270] : memref<25600xi32, #tpu.memory_space<vmem>> -> memref<1024xi32, #tpu.memory_space<vmem>>
    %dma_start3A_272 = tpu.memref_slice %arg2[%add3A_266] : memref<819200xi32, #tpu.memory_space<hbm>> -> memref<1024xi32, #tpu.memory_space<hbm>>
    tpu.enqueue_dma source(%dma_start3A_272 : memref<1024xi32, #tpu.memory_space<hbm>>) target(%dma_start3A_271 : memref<1024xi32, #tpu.memory_space<vmem>>) target_semaphore(%arg20 : memref<!tpu.dma_semaphore, #tpu.memory_space<semaphore_mem>>)
    %mul3A_273 = arith.constant 1024 : i32
    %mul3A_274 = arith.muli %add3A, %mul3A_273 : i32
    %add3A_275 = arith.constant 425984 : i32
    %add3A_276 = arith.addi %add3A_275, %mul3A_274 : i32
    %dma_start3A_277 = arith.constant 13312 : i32
    %dma_start3A_278 = tpu.memref_slice %arg10[%dma_start3A_277] : memref<25600xi32, #tpu.memory_space<vmem>> -> memref<1024xi32, #tpu.memory_space<vmem>>
    %dma_start3A_279 = tpu.memref_slice %arg3[%add3A_276] : memref<819200xi32, #tpu.memory_space<hbm>> -> memref<1024xi32, #tpu.memory_space<hbm>>
    %dma_start3A_280 = arith.constant 13312 : i32
    %dma_start3A_281 = tpu.memref_slice %arg10[%dma_start3A_280] : memref<25600xi32, #tpu.memory_space<vmem>> -> memref<1024xi32, #tpu.memory_space<vmem>>
    %dma_start3A_282 = tpu.memref_slice %arg3[%add3A_276] : memref<819200xi32, #tpu.memory_space<hbm>> -> memref<1024xi32, #tpu.memory_space<hbm>>
    tpu.enqueue_dma source(%dma_start3A_282 : memref<1024xi32, #tpu.memory_space<hbm>>) target(%dma_start3A_281 : memref<1024xi32, #tpu.memory_space<vmem>>) target_semaphore(%arg20 : memref<!tpu.dma_semaphore, #tpu.memory_space<semaphore_mem>>)
    %mul3A_283 = arith.constant 1024 : i32
    %mul3A_284 = arith.muli %add3A, %mul3A_283 : i32
    %add3A_285 = arith.constant 458752 : i32
    %add3A_286 = arith.addi %add3A_285, %mul3A_284 : i32
    %dma_start3A_287 = arith.constant 14336 : i32
    %dma_start3A_288 = tpu.memref_slice %arg9[%dma_start3A_287] : memref<25600xi32, #tpu.memory_space<vmem>> -> memref<1024xi32, #tpu.memory_space<vmem>>
    %dma_start3A_289 = tpu.memref_slice %arg2[%add3A_286] : memref<819200xi32, #tpu.memory_space<hbm>> -> memref<1024xi32, #tpu.memory_space<hbm>>
    %dma_start3A_290 = arith.constant 14336 : i32
    %dma_start3A_291 = tpu.memref_slice %arg9[%dma_start3A_290] : memref<25600xi32, #tpu.memory_space<vmem>> -> memref<1024xi32, #tpu.memory_space<vmem>>
    %dma_start3A_292 = tpu.memref_slice %arg2[%add3A_286] : memref<819200xi32, #tpu.memory_space<hbm>> -> memref<1024xi32, #tpu.memory_space<hbm>>
    tpu.enqueue_dma source(%dma_start3A_292 : memref<1024xi32, #tpu.memory_space<hbm>>) target(%dma_start3A_291 : memref<1024xi32, #tpu.memory_space<vmem>>) target_semaphore(%arg20 : memref<!tpu.dma_semaphore, #tpu.memory_space<semaphore_mem>>)
    %mul3A_293 = arith.constant 1024 : i32
    %mul3A_294 = arith.muli %add3A, %mul3A_293 : i32
    %add3A_295 = arith.constant 458752 : i32
    %add3A_296 = arith.addi %add3A_295, %mul3A_294 : i32
    %dma_start3A_297 = arith.constant 14336 : i32
    %dma_start3A_298 = tpu.memref_slice %arg10[%dma_start3A_297] : memref<25600xi32, #tpu.memory_space<vmem>> -> memref<1024xi32, #tpu.memory_space<vmem>>
    %dma_start3A_299 = tpu.memref_slice %arg3[%add3A_296] : memref<819200xi32, #tpu.memory_space<hbm>> -> memref<1024xi32, #tpu.memory_space<hbm>>
    %dma_start3A_300 = arith.constant 14336 : i32
    %dma_start3A_301 = tpu.memref_slice %arg10[%dma_start3A_300] : memref<25600xi32, #tpu.memory_space<vmem>> -> memref<1024xi32, #tpu.memory_space<vmem>>
    %dma_start3A_302 = tpu.memref_slice %arg3[%add3A_296] : memref<819200xi32, #tpu.memory_space<hbm>> -> memref<1024xi32, #tpu.memory_space<hbm>>
    tpu.enqueue_dma source(%dma_start3A_302 : memref<1024xi32, #tpu.memory_space<hbm>>) target(%dma_start3A_301 : memref<1024xi32, #tpu.memory_space<vmem>>) target_semaphore(%arg20 : memref<!tpu.dma_semaphore, #tpu.memory_space<semaphore_mem>>)
    %mul3A_303 = arith.constant 1024 : i32
    %mul3A_304 = arith.muli %add3A, %mul3A_303 : i32
    %add3A_305 = arith.constant 491520 : i32
    %add3A_306 = arith.addi %add3A_305, %mul3A_304 : i32
    %dma_start3A_307 = arith.constant 15360 : i32
    %dma_start3A_308 = tpu.memref_slice %arg9[%dma_start3A_307] : memref<25600xi32, #tpu.memory_space<vmem>> -> memref<1024xi32, #tpu.memory_space<vmem>>
    %dma_start3A_309 = tpu.memref_slice %arg2[%add3A_306] : memref<819200xi32, #tpu.memory_space<hbm>> -> memref<1024xi32, #tpu.memory_space<hbm>>
    %dma_start3A_310 = arith.constant 15360 : i32
    %dma_start3A_311 = tpu.memref_slice %arg9[%dma_start3A_310] : memref<25600xi32, #tpu.memory_space<vmem>> -> memref<1024xi32, #tpu.memory_space<vmem>>
    %dma_start3A_312 = tpu.memref_slice %arg2[%add3A_306] : memref<819200xi32, #tpu.memory_space<hbm>> -> memref<1024xi32, #tpu.memory_space<hbm>>
    tpu.enqueue_dma source(%dma_start3A_312 : memref<1024xi32, #tpu.memory_space<hbm>>) target(%dma_start3A_311 : memref<1024xi32, #tpu.memory_space<vmem>>) target_semaphore(%arg20 : memref<!tpu.dma_semaphore, #tpu.memory_space<semaphore_mem>>)
    %mul3A_313 = arith.constant 1024 : i32
    %mul3A_314 = arith.muli %add3A, %mul3A_313 : i32
    %add3A_315 = arith.constant 491520 : i32
    %add3A_316 = arith.addi %add3A_315, %mul3A_314 : i32
    %dma_start3A_317 = arith.constant 15360 : i32
    %dma_start3A_318 = tpu.memref_slice %arg10[%dma_start3A_317] : memref<25600xi32, #tpu.memory_space<vmem>> -> memref<1024xi32, #tpu.memory_space<vmem>>
    %dma_start3A_319 = tpu.memref_slice %arg3[%add3A_316] : memref<819200xi32, #tpu.memory_space<hbm>> -> memref<1024xi32, #tpu.memory_space<hbm>>
    %dma_start3A_320 = arith.constant 15360 : i32
    %dma_start3A_321 = tpu.memref_slice %arg10[%dma_start3A_320] : memref<25600xi32, #tpu.memory_space<vmem>> -> memref<1024xi32, #tpu.memory_space<vmem>>
    %dma_start3A_322 = tpu.memref_slice %arg3[%add3A_316] : memref<819200xi32, #tpu.memory_space<hbm>> -> memref<1024xi32, #tpu.memory_space<hbm>>
    tpu.enqueue_dma source(%dma_start3A_322 : memref<1024xi32, #tpu.memory_space<hbm>>) target(%dma_start3A_321 : memref<1024xi32, #tpu.memory_space<vmem>>) target_semaphore(%arg20 : memref<!tpu.dma_semaphore, #tpu.memory_space<semaphore_mem>>)
    %mul3A_323 = arith.constant 1024 : i32
    %mul3A_324 = arith.muli %add3A, %mul3A_323 : i32
    %add3A_325 = arith.constant 524288 : i32
    %add3A_326 = arith.addi %add3A_325, %mul3A_324 : i32
    %dma_start3A_327 = arith.constant 16384 : i32
    %dma_start3A_328 = tpu.memref_slice %arg9[%dma_start3A_327] : memref<25600xi32, #tpu.memory_space<vmem>> -> memref<1024xi32, #tpu.memory_space<vmem>>
    %dma_start3A_329 = tpu.memref_slice %arg2[%add3A_326] : memref<819200xi32, #tpu.memory_space<hbm>> -> memref<1024xi32, #tpu.memory_space<hbm>>
    %dma_start3A_330 = arith.constant 16384 : i32
    %dma_start3A_331 = tpu.memref_slice %arg9[%dma_start3A_330] : memref<25600xi32, #tpu.memory_space<vmem>> -> memref<1024xi32, #tpu.memory_space<vmem>>
    %dma_start3A_332 = tpu.memref_slice %arg2[%add3A_326] : memref<819200xi32, #tpu.memory_space<hbm>> -> memref<1024xi32, #tpu.memory_space<hbm>>
    tpu.enqueue_dma source(%dma_start3A_332 : memref<1024xi32, #tpu.memory_space<hbm>>) target(%dma_start3A_331 : memref<1024xi32, #tpu.memory_space<vmem>>) target_semaphore(%arg20 : memref<!tpu.dma_semaphore, #tpu.memory_space<semaphore_mem>>)
    %mul3A_333 = arith.constant 1024 : i32
    %mul3A_334 = arith.muli %add3A, %mul3A_333 : i32
    %add3A_335 = arith.constant 524288 : i32
    %add3A_336 = arith.addi %add3A_335, %mul3A_334 : i32
    %dma_start3A_337 = arith.constant 16384 : i32
    %dma_start3A_338 = tpu.memref_slice %arg10[%dma_start3A_337] : memref<25600xi32, #tpu.memory_space<vmem>> -> memref<1024xi32, #tpu.memory_space<vmem>>
    %dma_start3A_339 = tpu.memref_slice %arg3[%add3A_336] : memref<819200xi32, #tpu.memory_space<hbm>> -> memref<1024xi32, #tpu.memory_space<hbm>>
    %dma_start3A_340 = arith.constant 16384 : i32
    %dma_start3A_341 = tpu.memref_slice %arg10[%dma_start3A_340] : memref<25600xi32, #tpu.memory_space<vmem>> -> memref<1024xi32, #tpu.memory_space<vmem>>
    %dma_start3A_342 = tpu.memref_slice %arg3[%add3A_336] : memref<819200xi32, #tpu.memory_space<hbm>> -> memref<1024xi32, #tpu.memory_space<hbm>>
    tpu.enqueue_dma source(%dma_start3A_342 : memref<1024xi32, #tpu.memory_space<hbm>>) target(%dma_start3A_341 : memref<1024xi32, #tpu.memory_space<vmem>>) target_semaphore(%arg20 : memref<!tpu.dma_semaphore, #tpu.memory_space<semaphore_mem>>)
    %mul3A_343 = arith.constant 1024 : i32
    %mul3A_344 = arith.muli %add3A, %mul3A_343 : i32
    %add3A_345 = arith.constant 557056 : i32
    %add3A_346 = arith.addi %add3A_345, %mul3A_344 : i32
    %dma_start3A_347 = arith.constant 17408 : i32
    %dma_start3A_348 = tpu.memref_slice %arg9[%dma_start3A_347] : memref<25600xi32, #tpu.memory_space<vmem>> -> memref<1024xi32, #tpu.memory_space<vmem>>
    %dma_start3A_349 = tpu.memref_slice %arg2[%add3A_346] : memref<819200xi32, #tpu.memory_space<hbm>> -> memref<1024xi32, #tpu.memory_space<hbm>>
    %dma_start3A_350 = arith.constant 17408 : i32
    %dma_start3A_351 = tpu.memref_slice %arg9[%dma_start3A_350] : memref<25600xi32, #tpu.memory_space<vmem>> -> memref<1024xi32, #tpu.memory_space<vmem>>
    %dma_start3A_352 = tpu.memref_slice %arg2[%add3A_346] : memref<819200xi32, #tpu.memory_space<hbm>> -> memref<1024xi32, #tpu.memory_space<hbm>>
    tpu.enqueue_dma source(%dma_start3A_352 : memref<1024xi32, #tpu.memory_space<hbm>>) target(%dma_start3A_351 : memref<1024xi32, #tpu.memory_space<vmem>>) target_semaphore(%arg20 : memref<!tpu.dma_semaphore, #tpu.memory_space<semaphore_mem>>)
    %mul3A_353 = arith.constant 1024 : i32
    %mul3A_354 = arith.muli %add3A, %mul3A_353 : i32
    %add3A_355 = arith.constant 557056 : i32
    %add3A_356 = arith.addi %add3A_355, %mul3A_354 : i32
    %dma_start3A_357 = arith.constant 17408 : i32
    %dma_start3A_358 = tpu.memref_slice %arg10[%dma_start3A_357] : memref<25600xi32, #tpu.memory_space<vmem>> -> memref<1024xi32, #tpu.memory_space<vmem>>
    %dma_start3A_359 = tpu.memref_slice %arg3[%add3A_356] : memref<819200xi32, #tpu.memory_space<hbm>> -> memref<1024xi32, #tpu.memory_space<hbm>>
    %dma_start3A_360 = arith.constant 17408 : i32
    %dma_start3A_361 = tpu.memref_slice %arg10[%dma_start3A_360] : memref<25600xi32, #tpu.memory_space<vmem>> -> memref<1024xi32, #tpu.memory_space<vmem>>
    %dma_start3A_362 = tpu.memref_slice %arg3[%add3A_356] : memref<819200xi32, #tpu.memory_space<hbm>> -> memref<1024xi32, #tpu.memory_space<hbm>>
    tpu.enqueue_dma source(%dma_start3A_362 : memref<1024xi32, #tpu.memory_space<hbm>>) target(%dma_start3A_361 : memref<1024xi32, #tpu.memory_space<vmem>>) target_semaphore(%arg20 : memref<!tpu.dma_semaphore, #tpu.memory_space<semaphore_mem>>)
    %mul3A_363 = arith.constant 1024 : i32
    %mul3A_364 = arith.muli %add3A, %mul3A_363 : i32
    %add3A_365 = arith.constant 589824 : i32
    %add3A_366 = arith.addi %add3A_365, %mul3A_364 : i32
    %dma_start3A_367 = arith.constant 18432 : i32
    %dma_start3A_368 = tpu.memref_slice %arg9[%dma_start3A_367] : memref<25600xi32, #tpu.memory_space<vmem>> -> memref<1024xi32, #tpu.memory_space<vmem>>
    %dma_start3A_369 = tpu.memref_slice %arg2[%add3A_366] : memref<819200xi32, #tpu.memory_space<hbm>> -> memref<1024xi32, #tpu.memory_space<hbm>>
    %dma_start3A_370 = arith.constant 18432 : i32
    %dma_start3A_371 = tpu.memref_slice %arg9[%dma_start3A_370] : memref<25600xi32, #tpu.memory_space<vmem>> -> memref<1024xi32, #tpu.memory_space<vmem>>
    %dma_start3A_372 = tpu.memref_slice %arg2[%add3A_366] : memref<819200xi32, #tpu.memory_space<hbm>> -> memref<1024xi32, #tpu.memory_space<hbm>>
    tpu.enqueue_dma source(%dma_start3A_372 : memref<1024xi32, #tpu.memory_space<hbm>>) target(%dma_start3A_371 : memref<1024xi32, #tpu.memory_space<vmem>>) target_semaphore(%arg20 : memref<!tpu.dma_semaphore, #tpu.memory_space<semaphore_mem>>)
    %mul3A_373 = arith.constant 1024 : i32
    %mul3A_374 = arith.muli %add3A, %mul3A_373 : i32
    %add3A_375 = arith.constant 589824 : i32
    %add3A_376 = arith.addi %add3A_375, %mul3A_374 : i32
    %dma_start3A_377 = arith.constant 18432 : i32
    %dma_start3A_378 = tpu.memref_slice %arg10[%dma_start3A_377] : memref<25600xi32, #tpu.memory_space<vmem>> -> memref<1024xi32, #tpu.memory_space<vmem>>
    %dma_start3A_379 = tpu.memref_slice %arg3[%add3A_376] : memref<819200xi32, #tpu.memory_space<hbm>> -> memref<1024xi32, #tpu.memory_space<hbm>>
    %dma_start3A_380 = arith.constant 18432 : i32
    %dma_start3A_381 = tpu.memref_slice %arg10[%dma_start3A_380] : memref<25600xi32, #tpu.memory_space<vmem>> -> memref<1024xi32, #tpu.memory_space<vmem>>
    %dma_start3A_382 = tpu.memref_slice %arg3[%add3A_376] : memref<819200xi32, #tpu.memory_space<hbm>> -> memref<1024xi32, #tpu.memory_space<hbm>>
    tpu.enqueue_dma source(%dma_start3A_382 : memref<1024xi32, #tpu.memory_space<hbm>>) target(%dma_start3A_381 : memref<1024xi32, #tpu.memory_space<vmem>>) target_semaphore(%arg20 : memref<!tpu.dma_semaphore, #tpu.memory_space<semaphore_mem>>)
    %mul3A_383 = arith.constant 1024 : i32
    %mul3A_384 = arith.muli %add3A, %mul3A_383 : i32
    %add3A_385 = arith.constant 622592 : i32
    %add3A_386 = arith.addi %add3A_385, %mul3A_384 : i32
    %dma_start3A_387 = arith.constant 19456 : i32
    %dma_start3A_388 = tpu.memref_slice %arg9[%dma_start3A_387] : memref<25600xi32, #tpu.memory_space<vmem>> -> memref<1024xi32, #tpu.memory_space<vmem>>
    %dma_start3A_389 = tpu.memref_slice %arg2[%add3A_386] : memref<819200xi32, #tpu.memory_space<hbm>> -> memref<1024xi32, #tpu.memory_space<hbm>>
    %dma_start3A_390 = arith.constant 19456 : i32
    %dma_start3A_391 = tpu.memref_slice %arg9[%dma_start3A_390] : memref<25600xi32, #tpu.memory_space<vmem>> -> memref<1024xi32, #tpu.memory_space<vmem>>
    %dma_start3A_392 = tpu.memref_slice %arg2[%add3A_386] : memref<819200xi32, #tpu.memory_space<hbm>> -> memref<1024xi32, #tpu.memory_space<hbm>>
    tpu.enqueue_dma source(%dma_start3A_392 : memref<1024xi32, #tpu.memory_space<hbm>>) target(%dma_start3A_391 : memref<1024xi32, #tpu.memory_space<vmem>>) target_semaphore(%arg20 : memref<!tpu.dma_semaphore, #tpu.memory_space<semaphore_mem>>)
    %mul3A_393 = arith.constant 1024 : i32
    %mul3A_394 = arith.muli %add3A, %mul3A_393 : i32
    %add3A_395 = arith.constant 622592 : i32
    %add3A_396 = arith.addi %add3A_395, %mul3A_394 : i32
    %dma_start3A_397 = arith.constant 19456 : i32
    %dma_start3A_398 = tpu.memref_slice %arg10[%dma_start3A_397] : memref<25600xi32, #tpu.memory_space<vmem>> -> memref<1024xi32, #tpu.memory_space<vmem>>
    %dma_start3A_399 = tpu.memref_slice %arg3[%add3A_396] : memref<819200xi32, #tpu.memory_space<hbm>> -> memref<1024xi32, #tpu.memory_space<hbm>>
    %dma_start3A_400 = arith.constant 19456 : i32
    %dma_start3A_401 = tpu.memref_slice %arg10[%dma_start3A_400] : memref<25600xi32, #tpu.memory_space<vmem>> -> memref<1024xi32, #tpu.memory_space<vmem>>
    %dma_start3A_402 = tpu.memref_slice %arg3[%add3A_396] : memref<819200xi32, #tpu.memory_space<hbm>> -> memref<1024xi32, #tpu.memory_space<hbm>>
    tpu.enqueue_dma source(%dma_start3A_402 : memref<1024xi32, #tpu.memory_space<hbm>>) target(%dma_start3A_401 : memref<1024xi32, #tpu.memory_space<vmem>>) target_semaphore(%arg20 : memref<!tpu.dma_semaphore, #tpu.memory_space<semaphore_mem>>)
    %mul3A_403 = arith.constant 1024 : i32
    %mul3A_404 = arith.muli %add3A, %mul3A_403 : i32
    %add3A_405 = arith.constant 655360 : i32
    %add3A_406 = arith.addi %add3A_405, %mul3A_404 : i32
    %dma_start3A_407 = arith.constant 20480 : i32
    %dma_start3A_408 = tpu.memref_slice %arg9[%dma_start3A_407] : memref<25600xi32, #tpu.memory_space<vmem>> -> memref<1024xi32, #tpu.memory_space<vmem>>
    %dma_start3A_409 = tpu.memref_slice %arg2[%add3A_406] : memref<819200xi32, #tpu.memory_space<hbm>> -> memref<1024xi32, #tpu.memory_space<hbm>>
    %dma_start3A_410 = arith.constant 20480 : i32
    %dma_start3A_411 = tpu.memref_slice %arg9[%dma_start3A_410] : memref<25600xi32, #tpu.memory_space<vmem>> -> memref<1024xi32, #tpu.memory_space<vmem>>
    %dma_start3A_412 = tpu.memref_slice %arg2[%add3A_406] : memref<819200xi32, #tpu.memory_space<hbm>> -> memref<1024xi32, #tpu.memory_space<hbm>>
    tpu.enqueue_dma source(%dma_start3A_412 : memref<1024xi32, #tpu.memory_space<hbm>>) target(%dma_start3A_411 : memref<1024xi32, #tpu.memory_space<vmem>>) target_semaphore(%arg20 : memref<!tpu.dma_semaphore, #tpu.memory_space<semaphore_mem>>)
    %mul3A_413 = arith.constant 1024 : i32
    %mul3A_414 = arith.muli %add3A, %mul3A_413 : i32
    %add3A_415 = arith.constant 655360 : i32
    %add3A_416 = arith.addi %add3A_415, %mul3A_414 : i32
    %dma_start3A_417 = arith.constant 20480 : i32
    %dma_start3A_418 = tpu.memref_slice %arg10[%dma_start3A_417] : memref<25600xi32, #tpu.memory_space<vmem>> -> memref<1024xi32, #tpu.memory_space<vmem>>
    %dma_start3A_419 = tpu.memref_slice %arg3[%add3A_416] : memref<819200xi32, #tpu.memory_space<hbm>> -> memref<1024xi32, #tpu.memory_space<hbm>>
    %dma_start3A_420 = arith.constant 20480 : i32
    %dma_start3A_421 = tpu.memref_slice %arg10[%dma_start3A_420] : memref<25600xi32, #tpu.memory_space<vmem>> -> memref<1024xi32, #tpu.memory_space<vmem>>
    %dma_start3A_422 = tpu.memref_slice %arg3[%add3A_416] : memref<819200xi32, #tpu.memory_space<hbm>> -> memref<1024xi32, #tpu.memory_space<hbm>>
    tpu.enqueue_dma source(%dma_start3A_422 : memref<1024xi32, #tpu.memory_space<hbm>>) target(%dma_start3A_421 : memref<1024xi32, #tpu.memory_space<vmem>>) target_semaphore(%arg20 : memref<!tpu.dma_semaphore, #tpu.memory_space<semaphore_mem>>)
    %mul3A_423 = arith.constant 1024 : i32
    %mul3A_424 = arith.muli %add3A, %mul3A_423 : i32
    %add3A_425 = arith.constant 688128 : i32
    %add3A_426 = arith.addi %add3A_425, %mul3A_424 : i32
    %dma_start3A_427 = arith.constant 21504 : i32
    %dma_start3A_428 = tpu.memref_slice %arg9[%dma_start3A_427] : memref<25600xi32, #tpu.memory_space<vmem>> -> memref<1024xi32, #tpu.memory_space<vmem>>
    %dma_start3A_429 = tpu.memref_slice %arg2[%add3A_426] : memref<819200xi32, #tpu.memory_space<hbm>> -> memref<1024xi32, #tpu.memory_space<hbm>>
    %dma_start3A_430 = arith.constant 21504 : i32
    %dma_start3A_431 = tpu.memref_slice %arg9[%dma_start3A_430] : memref<25600xi32, #tpu.memory_space<vmem>> -> memref<1024xi32, #tpu.memory_space<vmem>>
    %dma_start3A_432 = tpu.memref_slice %arg2[%add3A_426] : memref<819200xi32, #tpu.memory_space<hbm>> -> memref<1024xi32, #tpu.memory_space<hbm>>
    tpu.enqueue_dma source(%dma_start3A_432 : memref<1024xi32, #tpu.memory_space<hbm>>) target(%dma_start3A_431 : memref<1024xi32, #tpu.memory_space<vmem>>) target_semaphore(%arg20 : memref<!tpu.dma_semaphore, #tpu.memory_space<semaphore_mem>>)
    %mul3A_433 = arith.constant 1024 : i32
    %mul3A_434 = arith.muli %add3A, %mul3A_433 : i32
    %add3A_435 = arith.constant 688128 : i32
    %add3A_436 = arith.addi %add3A_435, %mul3A_434 : i32
    %dma_start3A_437 = arith.constant 21504 : i32
    %dma_start3A_438 = tpu.memref_slice %arg10[%dma_start3A_437] : memref<25600xi32, #tpu.memory_space<vmem>> -> memref<1024xi32, #tpu.memory_space<vmem>>
    %dma_start3A_439 = tpu.memref_slice %arg3[%add3A_436] : memref<819200xi32, #tpu.memory_space<hbm>> -> memref<1024xi32, #tpu.memory_space<hbm>>
    %dma_start3A_440 = arith.constant 21504 : i32
    %dma_start3A_441 = tpu.memref_slice %arg10[%dma_start3A_440] : memref<25600xi32, #tpu.memory_space<vmem>> -> memref<1024xi32, #tpu.memory_space<vmem>>
    %dma_start3A_442 = tpu.memref_slice %arg3[%add3A_436] : memref<819200xi32, #tpu.memory_space<hbm>> -> memref<1024xi32, #tpu.memory_space<hbm>>
    tpu.enqueue_dma source(%dma_start3A_442 : memref<1024xi32, #tpu.memory_space<hbm>>) target(%dma_start3A_441 : memref<1024xi32, #tpu.memory_space<vmem>>) target_semaphore(%arg20 : memref<!tpu.dma_semaphore, #tpu.memory_space<semaphore_mem>>)
    %mul3A_443 = arith.constant 1024 : i32
    %mul3A_444 = arith.muli %add3A, %mul3A_443 : i32
    %add3A_445 = arith.constant 720896 : i32
    %add3A_446 = arith.addi %add3A_445, %mul3A_444 : i32
    %dma_start3A_447 = arith.constant 22528 : i32
    %dma_start3A_448 = tpu.memref_slice %arg9[%dma_start3A_447] : memref<25600xi32, #tpu.memory_space<vmem>> -> memref<1024xi32, #tpu.memory_space<vmem>>
    %dma_start3A_449 = tpu.memref_slice %arg2[%add3A_446] : memref<819200xi32, #tpu.memory_space<hbm>> -> memref<1024xi32, #tpu.memory_space<hbm>>
    %dma_start3A_450 = arith.constant 22528 : i32
    %dma_start3A_451 = tpu.memref_slice %arg9[%dma_start3A_450] : memref<25600xi32, #tpu.memory_space<vmem>> -> memref<1024xi32, #tpu.memory_space<vmem>>
    %dma_start3A_452 = tpu.memref_slice %arg2[%add3A_446] : memref<819200xi32, #tpu.memory_space<hbm>> -> memref<1024xi32, #tpu.memory_space<hbm>>
    tpu.enqueue_dma source(%dma_start3A_452 : memref<1024xi32, #tpu.memory_space<hbm>>) target(%dma_start3A_451 : memref<1024xi32, #tpu.memory_space<vmem>>) target_semaphore(%arg20 : memref<!tpu.dma_semaphore, #tpu.memory_space<semaphore_mem>>)
    %mul3A_453 = arith.constant 1024 : i32
    %mul3A_454 = arith.muli %add3A, %mul3A_453 : i32
    %add3A_455 = arith.constant 720896 : i32
    %add3A_456 = arith.addi %add3A_455, %mul3A_454 : i32
    %dma_start3A_457 = arith.constant 22528 : i32
    %dma_start3A_458 = tpu.memref_slice %arg10[%dma_start3A_457] : memref<25600xi32, #tpu.memory_space<vmem>> -> memref<1024xi32, #tpu.memory_space<vmem>>
    %dma_start3A_459 = tpu.memref_slice %arg3[%add3A_456] : memref<819200xi32, #tpu.memory_space<hbm>> -> memref<1024xi32, #tpu.memory_space<hbm>>
    %dma_start3A_460 = arith.constant 22528 : i32
    %dma_start3A_461 = tpu.memref_slice %arg10[%dma_start3A_460] : memref<25600xi32, #tpu.memory_space<vmem>> -> memref<1024xi32, #tpu.memory_space<vmem>>
    %dma_start3A_462 = tpu.memref_slice %arg3[%add3A_456] : memref<819200xi32, #tpu.memory_space<hbm>> -> memref<1024xi32, #tpu.memory_space<hbm>>
    tpu.enqueue_dma source(%dma_start3A_462 : memref<1024xi32, #tpu.memory_space<hbm>>) target(%dma_start3A_461 : memref<1024xi32, #tpu.memory_space<vmem>>) target_semaphore(%arg20 : memref<!tpu.dma_semaphore, #tpu.memory_space<semaphore_mem>>)
    %mul3A_463 = arith.constant 1024 : i32
    %mul3A_464 = arith.muli %add3A, %mul3A_463 : i32
    %add3A_465 = arith.constant 753664 : i32
    %add3A_466 = arith.addi %add3A_465, %mul3A_464 : i32
    %dma_start3A_467 = arith.constant 23552 : i32
    %dma_start3A_468 = tpu.memref_slice %arg9[%dma_start3A_467] : memref<25600xi32, #tpu.memory_space<vmem>> -> memref<1024xi32, #tpu.memory_space<vmem>>
    %dma_start3A_469 = tpu.memref_slice %arg2[%add3A_466] : memref<819200xi32, #tpu.memory_space<hbm>> -> memref<1024xi32, #tpu.memory_space<hbm>>
    %dma_start3A_470 = arith.constant 23552 : i32
    %dma_start3A_471 = tpu.memref_slice %arg9[%dma_start3A_470] : memref<25600xi32, #tpu.memory_space<vmem>> -> memref<1024xi32, #tpu.memory_space<vmem>>
    %dma_start3A_472 = tpu.memref_slice %arg2[%add3A_466] : memref<819200xi32, #tpu.memory_space<hbm>> -> memref<1024xi32, #tpu.memory_space<hbm>>
    tpu.enqueue_dma source(%dma_start3A_472 : memref<1024xi32, #tpu.memory_space<hbm>>) target(%dma_start3A_471 : memref<1024xi32, #tpu.memory_space<vmem>>) target_semaphore(%arg20 : memref<!tpu.dma_semaphore, #tpu.memory_space<semaphore_mem>>)
    %mul3A_473 = arith.constant 1024 : i32
    %mul3A_474 = arith.muli %add3A, %mul3A_473 : i32
    %add3A_475 = arith.constant 753664 : i32
    %add3A_476 = arith.addi %add3A_475, %mul3A_474 : i32
    %dma_start3A_477 = arith.constant 23552 : i32
    %dma_start3A_478 = tpu.memref_slice %arg10[%dma_start3A_477] : memref<25600xi32, #tpu.memory_space<vmem>> -> memref<1024xi32, #tpu.memory_space<vmem>>
    %dma_start3A_479 = tpu.memref_slice %arg3[%add3A_476] : memref<819200xi32, #tpu.memory_space<hbm>> -> memref<1024xi32, #tpu.memory_space<hbm>>
    %dma_start3A_480 = arith.constant 23552 : i32
    %dma_start3A_481 = tpu.memref_slice %arg10[%dma_start3A_480] : memref<25600xi32, #tpu.memory_space<vmem>> -> memref<1024xi32, #tpu.memory_space<vmem>>
    %dma_start3A_482 = tpu.memref_slice %arg3[%add3A_476] : memref<819200xi32, #tpu.memory_space<hbm>> -> memref<1024xi32, #tpu.memory_space<hbm>>
    tpu.enqueue_dma source(%dma_start3A_482 : memref<1024xi32, #tpu.memory_space<hbm>>) target(%dma_start3A_481 : memref<1024xi32, #tpu.memory_space<vmem>>) target_semaphore(%arg20 : memref<!tpu.dma_semaphore, #tpu.memory_space<semaphore_mem>>)
    %mul3A_483 = arith.constant 1024 : i32
    %mul3A_484 = arith.muli %add3A, %mul3A_483 : i32
    %add3A_485 = arith.constant 786432 : i32
    %add3A_486 = arith.addi %add3A_485, %mul3A_484 : i32
    %dma_start3A_487 = arith.constant 24576 : i32
    %dma_start3A_488 = tpu.memref_slice %arg9[%dma_start3A_487] : memref<25600xi32, #tpu.memory_space<vmem>> -> memref<1024xi32, #tpu.memory_space<vmem>>
    %dma_start3A_489 = tpu.memref_slice %arg2[%add3A_486] : memref<819200xi32, #tpu.memory_space<hbm>> -> memref<1024xi32, #tpu.memory_space<hbm>>
    %dma_start3A_490 = arith.constant 24576 : i32
    %dma_start3A_491 = tpu.memref_slice %arg9[%dma_start3A_490] : memref<25600xi32, #tpu.memory_space<vmem>> -> memref<1024xi32, #tpu.memory_space<vmem>>
    %dma_start3A_492 = tpu.memref_slice %arg2[%add3A_486] : memref<819200xi32, #tpu.memory_space<hbm>> -> memref<1024xi32, #tpu.memory_space<hbm>>
    tpu.enqueue_dma source(%dma_start3A_492 : memref<1024xi32, #tpu.memory_space<hbm>>) target(%dma_start3A_491 : memref<1024xi32, #tpu.memory_space<vmem>>) target_semaphore(%arg20 : memref<!tpu.dma_semaphore, #tpu.memory_space<semaphore_mem>>)
    %mul3A_493 = arith.constant 1024 : i32
    %mul3A_494 = arith.muli %add3A, %mul3A_493 : i32
    %add3A_495 = arith.constant 786432 : i32
    %add3A_496 = arith.addi %add3A_495, %mul3A_494 : i32
    %dma_start3A_497 = arith.constant 24576 : i32
    %dma_start3A_498 = tpu.memref_slice %arg10[%dma_start3A_497] : memref<25600xi32, #tpu.memory_space<vmem>> -> memref<1024xi32, #tpu.memory_space<vmem>>
    %dma_start3A_499 = tpu.memref_slice %arg3[%add3A_496] : memref<819200xi32, #tpu.memory_space<hbm>> -> memref<1024xi32, #tpu.memory_space<hbm>>
    %dma_start3A_500 = arith.constant 24576 : i32
    %dma_start3A_501 = tpu.memref_slice %arg10[%dma_start3A_500] : memref<25600xi32, #tpu.memory_space<vmem>> -> memref<1024xi32, #tpu.memory_space<vmem>>
    %dma_start3A_502 = tpu.memref_slice %arg3[%add3A_496] : memref<819200xi32, #tpu.memory_space<hbm>> -> memref<1024xi32, #tpu.memory_space<hbm>>
    tpu.enqueue_dma source(%dma_start3A_502 : memref<1024xi32, #tpu.memory_space<hbm>>) target(%dma_start3A_501 : memref<1024xi32, #tpu.memory_space<vmem>>) target_semaphore(%arg20 : memref<!tpu.dma_semaphore, #tpu.memory_space<semaphore_mem>>)
    "tpu.region"() ({
      %run_scoped3A = tpu.sem_alloc : memref<!tpu.dma_semaphore, #tpu.memory_space<semaphore_mem>>
      %dma_start3A_565 = arith.constant 0 : i32
      %dma_start3A_566 = tpu.memref_slice %arg4[%dma_start3A_565] : memref<16384xf32, #tpu.memory_space<hbm>> -> memref<6400xf32, #tpu.memory_space<hbm>>
      %dma_start3A_567 = arith.constant 0 : i32
      %dma_start3A_568 = tpu.memref_slice %arg4[%dma_start3A_567] : memref<16384xf32, #tpu.memory_space<hbm>> -> memref<6400xf32, #tpu.memory_space<hbm>>
      tpu.enqueue_dma source(%dma_start3A_568 : memref<6400xf32, #tpu.memory_space<hbm>>) target(%arg16 : memref<6400xf32, #tpu.memory_space<vmem>>) target_semaphore(%run_scoped3A : memref<!tpu.dma_semaphore, #tpu.memory_space<semaphore_mem>>)
      %dma_wait3A_569 = arith.constant 0 : i32
      %dma_wait3A_570 = tpu.memref_slice %arg4[%dma_wait3A_569] : memref<16384xf32, #tpu.memory_space<hbm>> -> memref<6400xf32, #tpu.memory_space<hbm>>
      %dma_wait3A_571 = arith.constant 0 : i32
      %dma_wait3A_572 = tpu.memref_slice %arg4[%dma_wait3A_571] : memref<16384xf32, #tpu.memory_space<hbm>> -> memref<6400xf32, #tpu.memory_space<hbm>>
      tpu.wait_dma2 semaphore(%run_scoped3A : memref<!tpu.dma_semaphore, #tpu.memory_space<semaphore_mem>>) src(%dma_wait3A_572 : memref<6400xf32, #tpu.memory_space<hbm>>) dst(%arg16 : memref<6400xf32, #tpu.memory_space<vmem>>)
      tpu.yield
    }) : () -> ()
    "tpu.region"() ({
      %run_scoped3A = tpu.sem_alloc : memref<!tpu.dma_semaphore, #tpu.memory_space<semaphore_mem>>
      tpu.enqueue_dma source(%arg7 : memref<32xf32, #tpu.memory_space<hbm>>) target(%arg17 : memref<32xf32, #tpu.memory_space<vmem>>) target_semaphore(%run_scoped3A : memref<!tpu.dma_semaphore, #tpu.memory_space<semaphore_mem>>)
      tpu.wait_dma2 semaphore(%run_scoped3A : memref<!tpu.dma_semaphore, #tpu.memory_space<semaphore_mem>>) src(%arg7 : memref<32xf32, #tpu.memory_space<hbm>>) dst(%arg17 : memref<32xf32, #tpu.memory_space<vmem>>)
      tpu.yield
    }) : () -> ()
    %dma_wait3A = arith.constant 0 : i32
    %dma_wait3A_503 = tpu.memref_slice %arg2[%dma_wait3A] : memref<819200xi32, #tpu.memory_space<hbm>> -> memref<25600xi32, #tpu.memory_space<hbm>>
    %dma_wait3A_504 = arith.constant 0 : i32
    %dma_wait3A_505 = tpu.memref_slice %arg2[%dma_wait3A_504] : memref<819200xi32, #tpu.memory_space<hbm>> -> memref<25600xi32, #tpu.memory_space<hbm>>
    tpu.wait_dma2 semaphore(%arg20 : memref<!tpu.dma_semaphore, #tpu.memory_space<semaphore_mem>>) src(%dma_wait3A_505 : memref<25600xi32, #tpu.memory_space<hbm>>) dst(%arg9 : memref<25600xi32, #tpu.memory_space<vmem>>)
    %dma_wait3A_506 = arith.constant 0 : i32
    %dma_wait3A_507 = tpu.memref_slice %arg3[%dma_wait3A_506] : memref<819200xi32, #tpu.memory_space<hbm>> -> memref<25600xi32, #tpu.memory_space<hbm>>
    %dma_wait3A_508 = arith.constant 0 : i32
    %dma_wait3A_509 = tpu.memref_slice %arg3[%dma_wait3A_508] : memref<819200xi32, #tpu.memory_space<hbm>> -> memref<25600xi32, #tpu.memory_space<hbm>>
    tpu.wait_dma2 semaphore(%arg20 : memref<!tpu.dma_semaphore, #tpu.memory_space<semaphore_mem>>) src(%dma_wait3A_509 : memref<25600xi32, #tpu.memory_space<hbm>>) dst(%arg10 : memref<25600xi32, #tpu.memory_space<vmem>>)
    %scan3A = arith.constant 0 : i32
    %scan3A_510 = arith.constant 0 : i32
    %scan3A_511 = arith.constant 32 : i32
    %scan3A_512 = arith.addi %scan3A_510, %scan3A_511 : i32
    %scan3A_513 = arith.constant 1 : i32
    scf.for %scan3A_565 = %scan3A_510 to %scan3A_512 step %scan3A_513  : i32 {
      %broadcast_in_dim3A = vector.broadcast %scan3A_565 : i32 to vector<16xi32>
      %gather3A = tpu.vector_load_idx %arg17[%broadcast_in_dim3A] : memref<32xf32, #tpu.memory_space<vmem>>[vector<16xi32>], vector<16xf32>,
      %jit3A = arith.constant 8 : i32
      %div3A = arith.divsi %scan3A_565, %jit3A : i32
      %sign3A = arith.constant 0 : i32
      %sign3A_566 = arith.cmpi sgt, %scan3A_565, %sign3A : i32
      %sign3A_567 = arith.extui %sign3A_566 : i1 to i32
      %sign3A_568 = arith.constant 0 : i32
      %sign3A_569 = arith.cmpi slt, %scan3A_565, %sign3A_568 : i32
      %sign3A_570 = arith.extui %sign3A_569 : i1 to i32
      %sign3A_571 = arith.subi %sign3A_567, %sign3A_570 : i32
      %sign3A_572 = arith.constant 0 : i32
      %sign3A_573 = arith.cmpi sgt, %jit3A, %sign3A_572 : i32
      %sign3A_574 = arith.extui %sign3A_573 : i1 to i32
      %sign3A_575 = arith.constant 0 : i32
      %sign3A_576 = arith.cmpi slt, %jit3A, %sign3A_575 : i32
      %sign3A_577 = arith.extui %sign3A_576 : i1 to i32
      %sign3A_578 = arith.subi %sign3A_574, %sign3A_577 : i32
      %ne3A = arith.cmpi ne, %sign3A_571, %sign3A_578 : i32
      %rem3A = arith.remsi %scan3A_565, %jit3A : i32
      %ne3A_579 = arith.constant 0 : i32
      %ne3A_580 = arith.cmpi ne, %rem3A, %ne3A_579 : i32
      %and3A = arith.andi %ne3A, %ne3A_580 : i1
      %sub3A = arith.constant 1 : i32
      %sub3A_581 = arith.subi %div3A, %sub3A : i32
      %select_n3A = arith.select %and3A, %sub3A_581, %div3A : i32
      %mul3A_582 = arith.constant 1024 : i32
      %mul3A_583 = arith.muli %select_n3A, %mul3A_582 : i32
      %jit3A_584 = arith.constant 8 : i32
      %eq3A = arith.constant 0 : i32
      %eq3A_585 = arith.cmpi eq, %jit3A_584, %eq3A : i32
      %jit3A_586 = arith.constant 1 : i32
      %select_n3A_587 = arith.select %eq3A_585, %jit3A_586, %jit3A_584 : i32
      %rem3A_588 = arith.remsi %scan3A_565, %select_n3A_587 : i32
      %ne3A_589 = arith.constant 0 : i32
      %ne3A_590 = arith.cmpi ne, %rem3A_588, %ne3A_589 : i32
      %lt3A = arith.constant 0 : i32
      %lt3A_591 = arith.cmpi slt, %rem3A_588, %lt3A : i32
      %lt3A_592 = arith.constant 0 : i32
      %lt3A_593 = arith.cmpi slt, %select_n3A_587, %lt3A_592 : i32
      %ne3A_594 = arith.xori %lt3A_591, %lt3A_593 : i1
      %and3A_595 = arith.andi %ne3A_594, %ne3A_590 : i1
      %add3A_596 = arith.addi %rem3A_588, %select_n3A_587 : i32
      %select_n3A_597 = arith.select %and3A_595, %add3A_596, %rem3A_588 : i32
      %mul3A_598 = arith.constant 128 : i32
      %mul3A_599 = arith.muli %select_n3A_597, %mul3A_598 : i32
      %add3A_600 = arith.addi %mul3A_583, %mul3A_599 : i32
      %add3A_601 = arith.constant 0 : i32
      %add3A_602 = arith.addi %add3A_600, %add3A_601 : i32
      %swap3A = arith.index_cast %add3A_602 : i32 to index
      %swap3A_603 = tpu.vector_load %arg18[%swap3A] {strides = array<i32>} : memref<4096xf32, #tpu.memory_space<vmem>>, vector<16xf32>,
      tpu.vector_store %arg18[%swap3A], %gather3A {strides = array<i32>} : memref<4096xf32, #tpu.memory_space<vmem>>, vector<16xf32>,
      %add3A_604 = arith.constant 16 : i32
      %add3A_605 = arith.addi %add3A_600, %add3A_604 : i32
      %swap3A_606 = arith.index_cast %add3A_605 : i32 to index
      %swap3A_607 = tpu.vector_load %arg18[%swap3A_606] {strides = array<i32>} : memref<4096xf32, #tpu.memory_space<vmem>>, vector<16xf32>,
      tpu.vector_store %arg18[%swap3A_606], %gather3A {strides = array<i32>} : memref<4096xf32, #tpu.memory_space<vmem>>, vector<16xf32>,
      %add3A_608 = arith.constant 32 : i32
      %add3A_609 = arith.addi %add3A_600, %add3A_608 : i32
      %swap3A_610 = arith.index_cast %add3A_609 : i32 to index
      %swap3A_611 = tpu.vector_load %arg18[%swap3A_610] {strides = array<i32>} : memref<4096xf32, #tpu.memory_space<vmem>>, vector<16xf32>,
      tpu.vector_store %arg18[%swap3A_610], %gather3A {strides = array<i32>} : memref<4096xf32, #tpu.memory_space<vmem>>, vector<16xf32>,
      %add3A_612 = arith.constant 48 : i32
      %add3A_613 = arith.addi %add3A_600, %add3A_612 : i32
      %swap3A_614 = arith.index_cast %add3A_613 : i32 to index
      %swap3A_615 = tpu.vector_load %arg18[%swap3A_614] {strides = array<i32>} : memref<4096xf32, #tpu.memory_space<vmem>>, vector<16xf32>,
      tpu.vector_store %arg18[%swap3A_614], %gather3A {strides = array<i32>} : memref<4096xf32, #tpu.memory_space<vmem>>, vector<16xf32>,
      %add3A_616 = arith.constant 64 : i32
      %add3A_617 = arith.addi %add3A_600, %add3A_616 : i32
      %swap3A_618 = arith.index_cast %add3A_617 : i32 to index
      %swap3A_619 = tpu.vector_load %arg18[%swap3A_618] {strides = array<i32>} : memref<4096xf32, #tpu.memory_space<vmem>>, vector<16xf32>,
      tpu.vector_store %arg18[%swap3A_618], %gather3A {strides = array<i32>} : memref<4096xf32, #tpu.memory_space<vmem>>, vector<16xf32>,
      %add3A_620 = arith.constant 80 : i32
      %add3A_621 = arith.addi %add3A_600, %add3A_620 : i32
      %swap3A_622 = arith.index_cast %add3A_621 : i32 to index
      %swap3A_623 = tpu.vector_load %arg18[%swap3A_622] {strides = array<i32>} : memref<4096xf32, #tpu.memory_space<vmem>>, vector<16xf32>,
      tpu.vector_store %arg18[%swap3A_622], %gather3A {strides = array<i32>} : memref<4096xf32, #tpu.memory_space<vmem>>, vector<16xf32>,
      %add3A_624 = arith.constant 96 : i32
      %add3A_625 = arith.addi %add3A_600, %add3A_624 : i32
      %swap3A_626 = arith.index_cast %add3A_625 : i32 to index
      %swap3A_627 = tpu.vector_load %arg18[%swap3A_626] {strides = array<i32>} : memref<4096xf32, #tpu.memory_space<vmem>>, vector<16xf32>,
      tpu.vector_store %arg18[%swap3A_626], %gather3A {strides = array<i32>} : memref<4096xf32, #tpu.memory_space<vmem>>, vector<16xf32>,
      %add3A_628 = arith.constant 112 : i32
      %add3A_629 = arith.addi %add3A_600, %add3A_628 : i32
      %swap3A_630 = arith.index_cast %add3A_629 : i32 to index
      %swap3A_631 = tpu.vector_load %arg18[%swap3A_630] {strides = array<i32>} : memref<4096xf32, #tpu.memory_space<vmem>>, vector<16xf32>,
      tpu.vector_store %arg18[%swap3A_630], %gather3A {strides = array<i32>} : memref<4096xf32, #tpu.memory_space<vmem>>, vector<16xf32>,
    }
    %scan3A_514 = arith.constant 32 : i32
    %mul3A_515 = arith.constant 1024 : i32
    %mul3A_516 = arith.muli %add3A, %mul3A_515 : i32
    %add3A_517 = arith.constant 0 : i32
    %add3A_518 = arith.addi %add3A_517, %mul3A_516 : i32
    "tpu.region"() ({
      %run_scoped3A = tpu.sem_alloc : memref<!tpu.dma_semaphore, #tpu.memory_space<semaphore_mem>>
      %dma_start3A_565 = arith.constant 0 : i32
      %dma_start3A_566 = tpu.memref_slice %arg18[%dma_start3A_565] : memref<4096xf32, #tpu.memory_space<vmem>> -> memref<1024xf32, #tpu.memory_space<vmem>>
      %dma_start3A_567 = tpu.memref_slice %arg8[%add3A_518] : memref<26345472xf32, #tpu.memory_space<hbm>> -> memref<1024xf32, #tpu.memory_space<hbm>>
      %dma_start3A_568 = tpu.memref_slice %arg8[%add3A_518] : memref<26345472xf32, #tpu.memory_space<hbm>> -> memref<1024xf32, #tpu.memory_space<hbm>>
      %dma_start3A_569 = arith.constant 0 : i32
      %dma_start3A_570 = tpu.memref_slice %arg18[%dma_start3A_569] : memref<4096xf32, #tpu.memory_space<vmem>> -> memref<1024xf32, #tpu.memory_space<vmem>>
      tpu.enqueue_dma source(%dma_start3A_570 : memref<1024xf32, #tpu.memory_space<vmem>>) target(%dma_start3A_568 : memref<1024xf32, #tpu.memory_space<hbm>>) target_semaphore(%run_scoped3A : memref<!tpu.dma_semaphore, #tpu.memory_space<semaphore_mem>>)
      %dma_wait3A_571 = arith.constant 0 : i32
      %dma_wait3A_572 = tpu.memref_slice %arg18[%dma_wait3A_571] : memref<4096xf32, #tpu.memory_space<vmem>> -> memref<1024xf32, #tpu.memory_space<vmem>>
      %dma_wait3A_573 = tpu.memref_slice %arg8[%add3A_518] : memref<26345472xf32, #tpu.memory_space<hbm>> -> memref<1024xf32, #tpu.memory_space<hbm>>
      %dma_wait3A_574 = tpu.memref_slice %arg8[%add3A_518] : memref<26345472xf32, #tpu.memory_space<hbm>> -> memref<1024xf32, #tpu.memory_space<hbm>>
      %dma_wait3A_575 = arith.constant 0 : i32
      %dma_wait3A_576 = tpu.memref_slice %arg18[%dma_wait3A_575] : memref<4096xf32, #tpu.memory_space<vmem>> -> memref<1024xf32, #tpu.memory_space<vmem>>
      tpu.wait_dma2 semaphore(%run_scoped3A : memref<!tpu.dma_semaphore, #tpu.memory_space<semaphore_mem>>) src(%dma_wait3A_576 : memref<1024xf32, #tpu.memory_space<vmem>>) dst(%dma_wait3A_574 : memref<1024xf32, #tpu.memory_space<hbm>>)
      tpu.yield
    }) : () -> ()
    %mul3A_519 = arith.constant 1024 : i32
    %mul3A_520 = arith.muli %add3A, %mul3A_519 : i32
    %add3A_521 = arith.constant 32768 : i32
    %add3A_522 = arith.addi %add3A_521, %mul3A_520 : i32
    "tpu.region"() ({
      %run_scoped3A = tpu.sem_alloc : memref<!tpu.dma_semaphore, #tpu.memory_space<semaphore_mem>>
      %dma_start3A_565 = arith.constant 1024 : i32
      %dma_start3A_566 = tpu.memref_slice %arg18[%dma_start3A_565] : memref<4096xf32, #tpu.memory_space<vmem>> -> memref<1024xf32, #tpu.memory_space<vmem>>
      %dma_start3A_567 = tpu.memref_slice %arg8[%add3A_522] : memref<26345472xf32, #tpu.memory_space<hbm>> -> memref<1024xf32, #tpu.memory_space<hbm>>
      %dma_start3A_568 = tpu.memref_slice %arg8[%add3A_522] : memref<26345472xf32, #tpu.memory_space<hbm>> -> memref<1024xf32, #tpu.memory_space<hbm>>
      %dma_start3A_569 = arith.constant 1024 : i32
      %dma_start3A_570 = tpu.memref_slice %arg18[%dma_start3A_569] : memref<4096xf32, #tpu.memory_space<vmem>> -> memref<1024xf32, #tpu.memory_space<vmem>>
      tpu.enqueue_dma source(%dma_start3A_570 : memref<1024xf32, #tpu.memory_space<vmem>>) target(%dma_start3A_568 : memref<1024xf32, #tpu.memory_space<hbm>>) target_semaphore(%run_scoped3A : memref<!tpu.dma_semaphore, #tpu.memory_space<semaphore_mem>>)
      %dma_wait3A_571 = arith.constant 1024 : i32
      %dma_wait3A_572 = tpu.memref_slice %arg18[%dma_wait3A_571] : memref<4096xf32, #tpu.memory_space<vmem>> -> memref<1024xf32, #tpu.memory_space<vmem>>
      %dma_wait3A_573 = tpu.memref_slice %arg8[%add3A_522] : memref<26345472xf32, #tpu.memory_space<hbm>> -> memref<1024xf32, #tpu.memory_space<hbm>>
      %dma_wait3A_574 = tpu.memref_slice %arg8[%add3A_522] : memref<26345472xf32, #tpu.memory_space<hbm>> -> memref<1024xf32, #tpu.memory_space<hbm>>
      %dma_wait3A_575 = arith.constant 1024 : i32
      %dma_wait3A_576 = tpu.memref_slice %arg18[%dma_wait3A_575] : memref<4096xf32, #tpu.memory_space<vmem>> -> memref<1024xf32, #tpu.memory_space<vmem>>
      tpu.wait_dma2 semaphore(%run_scoped3A : memref<!tpu.dma_semaphore, #tpu.memory_space<semaphore_mem>>) src(%dma_wait3A_576 : memref<1024xf32, #tpu.memory_space<vmem>>) dst(%dma_wait3A_574 : memref<1024xf32, #tpu.memory_space<hbm>>)
      tpu.yield
    }) : () -> ()
    %mul3A_523 = arith.constant 1024 : i32
    %mul3A_524 = arith.muli %add3A, %mul3A_523 : i32
    %add3A_525 = arith.constant 65536 : i32
    %add3A_526 = arith.addi %add3A_525, %mul3A_524 : i32
    "tpu.region"() ({
      %run_scoped3A = tpu.sem_alloc : memref<!tpu.dma_semaphore, #tpu.memory_space<semaphore_mem>>
      %dma_start3A_565 = arith.constant 2048 : i32
      %dma_start3A_566 = tpu.memref_slice %arg18[%dma_start3A_565] : memref<4096xf32, #tpu.memory_space<vmem>> -> memref<1024xf32, #tpu.memory_space<vmem>>
      %dma_start3A_567 = tpu.memref_slice %arg8[%add3A_526] : memref<26345472xf32, #tpu.memory_space<hbm>> -> memref<1024xf32, #tpu.memory_space<hbm>>
      %dma_start3A_568 = tpu.memref_slice %arg8[%add3A_526] : memref<26345472xf32, #tpu.memory_space<hbm>> -> memref<1024xf32, #tpu.memory_space<hbm>>
      %dma_start3A_569 = arith.constant 2048 : i32
      %dma_start3A_570 = tpu.memref_slice %arg18[%dma_start3A_569] : memref<4096xf32, #tpu.memory_space<vmem>> -> memref<1024xf32, #tpu.memory_space<vmem>>
      tpu.enqueue_dma source(%dma_start3A_570 : memref<1024xf32, #tpu.memory_space<vmem>>) target(%dma_start3A_568 : memref<1024xf32, #tpu.memory_space<hbm>>) target_semaphore(%run_scoped3A : memref<!tpu.dma_semaphore, #tpu.memory_space<semaphore_mem>>)
      %dma_wait3A_571 = arith.constant 2048 : i32
      %dma_wait3A_572 = tpu.memref_slice %arg18[%dma_wait3A_571] : memref<4096xf32, #tpu.memory_space<vmem>> -> memref<1024xf32, #tpu.memory_space<vmem>>
      %dma_wait3A_573 = tpu.memref_slice %arg8[%add3A_526] : memref<26345472xf32, #tpu.memory_space<hbm>> -> memref<1024xf32, #tpu.memory_space<hbm>>
      %dma_wait3A_574 = tpu.memref_slice %arg8[%add3A_526] : memref<26345472xf32, #tpu.memory_space<hbm>> -> memref<1024xf32, #tpu.memory_space<hbm>>
      %dma_wait3A_575 = arith.constant 2048 : i32
      %dma_wait3A_576 = tpu.memref_slice %arg18[%dma_wait3A_575] : memref<4096xf32, #tpu.memory_space<vmem>> -> memref<1024xf32, #tpu.memory_space<vmem>>
      tpu.wait_dma2 semaphore(%run_scoped3A : memref<!tpu.dma_semaphore, #tpu.memory_space<semaphore_mem>>) src(%dma_wait3A_576 : memref<1024xf32, #tpu.memory_space<vmem>>) dst(%dma_wait3A_574 : memref<1024xf32, #tpu.memory_space<hbm>>)
      tpu.yield
    }) : () -> ()
    %mul3A_527 = arith.constant 1024 : i32
    %mul3A_528 = arith.muli %add3A, %mul3A_527 : i32
    %add3A_529 = arith.constant 98304 : i32
    %add3A_530 = arith.addi %add3A_529, %mul3A_528 : i32
    "tpu.region"() ({
      %run_scoped3A = tpu.sem_alloc : memref<!tpu.dma_semaphore, #tpu.memory_space<semaphore_mem>>
      %dma_start3A_565 = arith.constant 3072 : i32
      %dma_start3A_566 = tpu.memref_slice %arg18[%dma_start3A_565] : memref<4096xf32, #tpu.memory_space<vmem>> -> memref<1024xf32, #tpu.memory_space<vmem>>
      %dma_start3A_567 = tpu.memref_slice %arg8[%add3A_530] : memref<26345472xf32, #tpu.memory_space<hbm>> -> memref<1024xf32, #tpu.memory_space<hbm>>
      %dma_start3A_568 = tpu.memref_slice %arg8[%add3A_530] : memref<26345472xf32, #tpu.memory_space<hbm>> -> memref<1024xf32, #tpu.memory_space<hbm>>
      %dma_start3A_569 = arith.constant 3072 : i32
      %dma_start3A_570 = tpu.memref_slice %arg18[%dma_start3A_569] : memref<4096xf32, #tpu.memory_space<vmem>> -> memref<1024xf32, #tpu.memory_space<vmem>>
      tpu.enqueue_dma source(%dma_start3A_570 : memref<1024xf32, #tpu.memory_space<vmem>>) target(%dma_start3A_568 : memref<1024xf32, #tpu.memory_space<hbm>>) target_semaphore(%run_scoped3A : memref<!tpu.dma_semaphore, #tpu.memory_space<semaphore_mem>>)
      %dma_wait3A_571 = arith.constant 3072 : i32
      %dma_wait3A_572 = tpu.memref_slice %arg18[%dma_wait3A_571] : memref<4096xf32, #tpu.memory_space<vmem>> -> memref<1024xf32, #tpu.memory_space<vmem>>
      %dma_wait3A_573 = tpu.memref_slice %arg8[%add3A_530] : memref<26345472xf32, #tpu.memory_space<hbm>> -> memref<1024xf32, #tpu.memory_space<hbm>>
      %dma_wait3A_574 = tpu.memref_slice %arg8[%add3A_530] : memref<26345472xf32, #tpu.memory_space<hbm>> -> memref<1024xf32, #tpu.memory_space<hbm>>
      %dma_wait3A_575 = arith.constant 3072 : i32
      %dma_wait3A_576 = tpu.memref_slice %arg18[%dma_wait3A_575] : memref<4096xf32, #tpu.memory_space<vmem>> -> memref<1024xf32, #tpu.memory_space<vmem>>
      tpu.wait_dma2 semaphore(%run_scoped3A : memref<!tpu.dma_semaphore, #tpu.memory_space<semaphore_mem>>) src(%dma_wait3A_576 : memref<1024xf32, #tpu.memory_space<vmem>>) dst(%dma_wait3A_574 : memref<1024xf32, #tpu.memory_space<hbm>>)
      tpu.yield
    }) : () -> ()
    %dma_start3A_531 = arith.constant 0 : i32
    %dma_start3A_532 = tpu.memref_slice %arg9[%dma_start3A_531] : memref<25600xi32, #tpu.memory_space<vmem>> -> memref<128xi32, #tpu.memory_space<vmem>>
    %dma_start3A_533 = arith.constant 0 : i32
    %dma_start3A_534 = arith.constant 0 : i32
    %dma_start3A_535 = tpu.memref_slice %arg5[%dma_start3A_533, %dma_start3A_534] : memref<100000x32xf32, #tpu.memory_space<hbm>> -> memref<100000x32xf32, #tpu.memory_space<hbm>>
    tpu.enqueue_indirect_dma source(%dma_start3A_535 : memref<100000x32xf32, #tpu.memory_space<hbm>>) target(%arg11 : memref<128x32xf32, #tpu.memory_space<vmem>>) offsets(%dma_start3A_532 : memref<128xi32, #tpu.memory_space<vmem>>) semaphore(%arg21 : memref<!tpu.dma_semaphore, #tpu.memory_space<semaphore_mem>>)
    %dma_start3A_536 = arith.constant 0 : i32
    %dma_start3A_537 = tpu.memref_slice %arg10[%dma_start3A_536] : memref<25600xi32, #tpu.memory_space<vmem>> -> memref<128xi32, #tpu.memory_space<vmem>>
    %dma_start3A_538 = arith.constant 0 : i32
    %dma_start3A_539 = arith.constant 0 : i32
    %dma_start3A_540 = tpu.memref_slice %arg6[%dma_start3A_538, %dma_start3A_539] : memref<100000x32xf32, #tpu.memory_space<hbm>> -> memref<100000x32xf32, #tpu.memory_space<hbm>>
    tpu.enqueue_indirect_dma source(%dma_start3A_540 : memref<100000x32xf32, #tpu.memory_space<hbm>>) target(%arg12 : memref<128x32xf32, #tpu.memory_space<vmem>>) offsets(%dma_start3A_537 : memref<128xi32, #tpu.memory_space<vmem>>) semaphore(%arg21 : memref<!tpu.dma_semaphore, #tpu.memory_space<semaphore_mem>>)
    %dma_start3A_541 = arith.constant 128 : i32
    %dma_start3A_542 = tpu.memref_slice %arg9[%dma_start3A_541] : memref<25600xi32, #tpu.memory_space<vmem>> -> memref<128xi32, #tpu.memory_space<vmem>>
    %dma_start3A_543 = arith.constant 0 : i32
    %dma_start3A_544 = arith.constant 0 : i32
    %dma_start3A_545 = tpu.memref_slice %arg5[%dma_start3A_543, %dma_start3A_544] : memref<100000x32xf32, #tpu.memory_space<hbm>> -> memref<100000x32xf32, #tpu.memory_space<hbm>>
    tpu.enqueue_indirect_dma source(%dma_start3A_545 : memref<100000x32xf32, #tpu.memory_space<hbm>>) target(%arg13 : memref<128x32xf32, #tpu.memory_space<vmem>>) offsets(%dma_start3A_542 : memref<128xi32, #tpu.memory_space<vmem>>) semaphore(%arg22 : memref<!tpu.dma_semaphore, #tpu.memory_space<semaphore_mem>>)
    %dma_start3A_546 = arith.constant 128 : i32
    %dma_start3A_547 = tpu.memref_slice %arg10[%dma_start3A_546] : memref<25600xi32, #tpu.memory_space<vmem>> -> memref<128xi32, #tpu.memory_space<vmem>>
    %dma_start3A_548 = arith.constant 0 : i32
    %dma_start3A_549 = arith.constant 0 : i32
    %dma_start3A_550 = tpu.memref_slice %arg6[%dma_start3A_548, %dma_start3A_549] : memref<100000x32xf32, #tpu.memory_space<hbm>> -> memref<100000x32xf32, #tpu.memory_space<hbm>>
    tpu.enqueue_indirect_dma source(%dma_start3A_550 : memref<100000x32xf32, #tpu.memory_space<hbm>>) target(%arg14 : memref<128x32xf32, #tpu.memory_space<vmem>>) offsets(%dma_start3A_547 : memref<128xi32, #tpu.memory_space<vmem>>) semaphore(%arg22 : memref<!tpu.dma_semaphore, #tpu.memory_space<semaphore_mem>>)
    %scan3A_551 = arith.constant 0 : i32
    %scan3A_552 = arith.constant 0 : i32
    %scan3A_553 = arith.constant 100 : i32
    %scan3A_554 = arith.addi %scan3A_552, %scan3A_553 : i32
    %scan3A_555 = arith.constant 1 : i32
    scf.for %scan3A_565 = %scan3A_552 to %scan3A_554 step %scan3A_555  : i32 {
      %mul3A_566 = arith.constant 2 : i32
      %mul3A_567 = arith.muli %mul3A_566, %scan3A_565 : i32
      %dma_wait3A_568 = arith.constant 0 : i32
      %dma_wait3A_569 = arith.constant 0 : i32
      %dma_wait3A_570 = tpu.memref_slice %arg5[%dma_wait3A_568, %dma_wait3A_569] : memref<100000x32xf32, #tpu.memory_space<hbm>> -> memref<128x32xf32, #tpu.memory_space<hbm>>
      %dma_wait3A_571 = arith.constant 0 : i32
      %dma_wait3A_572 = arith.constant 0 : i32
      %dma_wait3A_573 = tpu.memref_slice %arg5[%dma_wait3A_571, %dma_wait3A_572] : memref<100000x32xf32, #tpu.memory_space<hbm>> -> memref<128x32xf32, #tpu.memory_space<hbm>>
      tpu.wait_dma2 semaphore(%arg21 : memref<!tpu.dma_semaphore, #tpu.memory_space<semaphore_mem>>) src(%dma_wait3A_573 : memref<128x32xf32, #tpu.memory_space<hbm>>) dst(%arg11 : memref<128x32xf32, #tpu.memory_space<vmem>>)
      %dma_wait3A_574 = arith.constant 0 : i32
      %dma_wait3A_575 = arith.constant 0 : i32
      %dma_wait3A_576 = tpu.memref_slice %arg6[%dma_wait3A_574, %dma_wait3A_575] : memref<100000x32xf32, #tpu.memory_space<hbm>> -> memref<128x32xf32, #tpu.memory_space<hbm>>
      %dma_wait3A_577 = arith.constant 0 : i32
      %dma_wait3A_578 = arith.constant 0 : i32
      %dma_wait3A_579 = tpu.memref_slice %arg6[%dma_wait3A_577, %dma_wait3A_578] : memref<100000x32xf32, #tpu.memory_space<hbm>> -> memref<128x32xf32, #tpu.memory_space<hbm>>
      tpu.wait_dma2 semaphore(%arg21 : memref<!tpu.dma_semaphore, #tpu.memory_space<semaphore_mem>>) src(%dma_wait3A_579 : memref<128x32xf32, #tpu.memory_space<hbm>>) dst(%arg12 : memref<128x32xf32, #tpu.memory_space<vmem>>)
      %gt3A = arith.constant 0 : i32
      %gt3A_580 = arith.cmpi sgt, %scan3A_565, %gt3A : i32
      %convert_element_type3A = arith.extui %gt3A_580 : i1 to i32
      %cond3A = arith.constant 0 : i32
      %cond3A_581 = arith.cmpi ne, %convert_element_type3A, %cond3A : i32
      scf.if %cond3A_581 {
        %dma_wait3A_762 = arith.constant 0 : i32
        %dma_wait3A_763 = tpu.memref_slice %arg8[%dma_wait3A_762] : memref<26345472xf32, #tpu.memory_space<hbm>> -> memref<4096xf32, #tpu.memory_space<hbm>>
        %dma_wait3A_764 = arith.constant 0 : i32
        %dma_wait3A_765 = tpu.memref_slice %arg8[%dma_wait3A_764] : memref<26345472xf32, #tpu.memory_space<hbm>> -> memref<4096xf32, #tpu.memory_space<hbm>>
        tpu.wait_dma2 semaphore(%arg23 : memref<!tpu.dma_semaphore, #tpu.memory_space<semaphore_mem>>) src(%arg18 : memref<4096xf32, #tpu.memory_space<vmem>>) dst(%dma_wait3A_765 : memref<4096xf32, #tpu.memory_space<hbm>>)
      } else {
      }
      %mul3A_582 = arith.constant 32 : i32
      %mul3A_583 = arith.muli %mul3A_567, %mul3A_582 : i32
      %get3A = arith.index_cast %mul3A_583 : i32 to index
      %get3A_584 = tpu.vector_load %arg16[%get3A] {strides = array<i32>} : memref<6400xf32, #tpu.memory_space<vmem>>, vector<16xf32>,
      %mul3A_585 = arith.constant 32 : i32
      %mul3A_586 = arith.muli %mul3A_567, %mul3A_585 : i32
      %add3A_587 = arith.constant 16 : i32
      %add3A_588 = arith.addi %mul3A_586, %add3A_587 : i32
      %get3A_589 = arith.index_cast %add3A_588 : i32 to index
      %get3A_590 = tpu.vector_load %arg16[%get3A_589] {strides = array<i32>} : memref<6400xf32, #tpu.memory_space<vmem>>, vector<16xf32>,
      %parallel_loop3A = arith.constant 0 : i32
      %parallel_loop3A_591 = arith.constant 128 : i32
      %parallel_loop3A_592 = arith.constant 1 : i32
      scf.for %parallel_loop3A_762 = %parallel_loop3A to %parallel_loop3A_591 step %parallel_loop3A_592  : i32 {
        %parallel_loop3A_763 = arith.index_cast %parallel_loop3A_762 : i32 to index
        %parallel_loop3A_764 = arith.constant 0 : index
        %parallel_loop3A_765 = tpu.vector_load %arg11[%parallel_loop3A_763, %parallel_loop3A_764] {strides = array<i32>} : memref<128x32xf32, #tpu.memory_space<vmem>>, vector<16xf32>,
        %parallel_loop3A_766 = arith.index_cast %parallel_loop3A_762 : i32 to index
        %parallel_loop3A_767 = arith.constant 0 : index
        %parallel_loop3A_768 = tpu.vector_load %arg12[%parallel_loop3A_766, %parallel_loop3A_767] {strides = array<i32>} : memref<128x32xf32, #tpu.memory_space<vmem>>, vector<16xf32>,
        %parallel_loop3A_769 = arith.addf %parallel_loop3A_765, %parallel_loop3A_768 : vector<16xf32>
        %parallel_loop3A_770 = arith.addf %parallel_loop3A_769, %get3A_584 : vector<16xf32>
        %parallel_loop3A_771 = arith.constant 33 : i32
        %parallel_loop3A_772 = arith.muli %parallel_loop3A_762, %parallel_loop3A_771 : i32
        %parallel_loop3A_773 = arith.index_cast %parallel_loop3A_772 : i32 to index
        %parallel_loop3A_774 = tpu.vector_load %arg15[%parallel_loop3A_773] {strides = array<i32>} : memref<4224xf32, #tpu.memory_space<vmem>>, vector<16xf32>,
        tpu.vector_store %arg15[%parallel_loop3A_773], %parallel_loop3A_770 {strides = array<i32>} : memref<4224xf32, #tpu.memory_space<vmem>>, vector<16xf32>,
        %parallel_loop3A_775 = arith.index_cast %parallel_loop3A_762 : i32 to index
        %parallel_loop3A_776 = arith.constant 16 : index
        %parallel_loop3A_777 = tpu.vector_load %arg11[%parallel_loop3A_775, %parallel_loop3A_776] {strides = array<i32>} : memref<128x32xf32, #tpu.memory_space<vmem>>, vector<16xf32>,
        %parallel_loop3A_778 = arith.index_cast %parallel_loop3A_762 : i32 to index
        %parallel_loop3A_779 = arith.constant 16 : index
        %parallel_loop3A_780 = tpu.vector_load %arg12[%parallel_loop3A_778, %parallel_loop3A_779] {strides = array<i32>} : memref<128x32xf32, #tpu.memory_space<vmem>>, vector<16xf32>,
        %parallel_loop3A_781 = arith.addf %parallel_loop3A_777, %parallel_loop3A_780 : vector<16xf32>
        %parallel_loop3A_782 = arith.addf %parallel_loop3A_781, %get3A_590 : vector<16xf32>
        %parallel_loop3A_783 = arith.constant 33 : i32
        %parallel_loop3A_784 = arith.muli %parallel_loop3A_762, %parallel_loop3A_783 : i32
        %parallel_loop3A_785 = arith.constant 16 : i32
        %parallel_loop3A_786 = arith.addi %parallel_loop3A_784, %parallel_loop3A_785 : i32
        %parallel_loop3A_787 = arith.index_cast %parallel_loop3A_786 : i32 to index
        %parallel_loop3A_788 = tpu.vector_load %arg15[%parallel_loop3A_787] {strides = array<i32>} : memref<4224xf32, #tpu.memory_space<vmem>>, vector<16xf32>,
        tpu.vector_store %arg15[%parallel_loop3A_787], %parallel_loop3A_782 {strides = array<i32>} : memref<4224xf32, #tpu.memory_space<vmem>>, vector<16xf32>,
      } {sc.loop_unroll_factor = 8 : i64, sc.parallel_access}
      %lt3A = arith.constant 99 : i32
      %lt3A_593 = arith.cmpi slt, %scan3A_565, %lt3A : i32
      %convert_element_type3A_594 = arith.extui %lt3A_593 : i1 to i32
      %cond3A_595 = arith.constant 0 : i32
      %cond3A_596 = arith.cmpi ne, %convert_element_type3A_594, %cond3A_595 : i32
      scf.if %cond3A_596 {
        %add3A_762 = arith.constant 2 : i32
        %add3A_763 = arith.addi %mul3A_567, %add3A_762 : i32
        %mul3A_764 = arith.constant 128 : i32
        %mul3A_765 = arith.muli %add3A_763, %mul3A_764 : i32
        %dma_start3A_766 = tpu.memref_slice %arg9[%mul3A_765] : memref<25600xi32, #tpu.memory_space<vmem>> -> memref<128xi32, #tpu.memory_space<vmem>>
        %dma_start3A_767 = arith.constant 0 : i32
        %dma_start3A_768 = arith.constant 0 : i32
        %dma_start3A_769 = tpu.memref_slice %arg5[%dma_start3A_767, %dma_start3A_768] : memref<100000x32xf32, #tpu.memory_space<hbm>> -> memref<100000x32xf32, #tpu.memory_space<hbm>>
        tpu.enqueue_indirect_dma source(%dma_start3A_769 : memref<100000x32xf32, #tpu.memory_space<hbm>>) target(%arg11 : memref<128x32xf32, #tpu.memory_space<vmem>>) offsets(%dma_start3A_766 : memref<128xi32, #tpu.memory_space<vmem>>) semaphore(%arg21 : memref<!tpu.dma_semaphore, #tpu.memory_space<semaphore_mem>>)
        %mul3A_770 = arith.constant 128 : i32
        %mul3A_771 = arith.muli %add3A_763, %mul3A_770 : i32
        %dma_start3A_772 = tpu.memref_slice %arg10[%mul3A_771] : memref<25600xi32, #tpu.memory_space<vmem>> -> memref<128xi32, #tpu.memory_space<vmem>>
        %dma_start3A_773 = arith.constant 0 : i32
        %dma_start3A_774 = arith.constant 0 : i32
        %dma_start3A_775 = tpu.memref_slice %arg6[%dma_start3A_773, %dma_start3A_774] : memref<100000x32xf32, #tpu.memory_space<hbm>> -> memref<100000x32xf32, #tpu.memory_space<hbm>>
        tpu.enqueue_indirect_dma source(%dma_start3A_775 : memref<100000x32xf32, #tpu.memory_space<hbm>>) target(%arg12 : memref<128x32xf32, #tpu.memory_space<vmem>>) offsets(%dma_start3A_772 : memref<128xi32, #tpu.memory_space<vmem>>) semaphore(%arg21 : memref<!tpu.dma_semaphore, #tpu.memory_space<semaphore_mem>>)
      } else {
      }
      %parallel_loop3A_597 = arith.constant 0 : i32
      %parallel_loop3A_598 = arith.constant 32 : i32
      %parallel_loop3A_599 = arith.constant 1 : i32
      scf.for %parallel_loop3A_762 = %parallel_loop3A_597 to %parallel_loop3A_598 step %parallel_loop3A_599  : i32 {
        %parallel_loop3A_763 = arith.constant 8 : i32
        %parallel_loop3A_764 = arith.divsi %parallel_loop3A_762, %parallel_loop3A_763 : i32
        %parallel_loop3A_765 = arith.constant 0 : i32
        %parallel_loop3A_766 = arith.cmpi sgt, %parallel_loop3A_762, %parallel_loop3A_765 : i32
        %parallel_loop3A_767 = arith.extui %parallel_loop3A_766 : i1 to i32
        %parallel_loop3A_768 = arith.constant 0 : i32
        %parallel_loop3A_769 = arith.cmpi slt, %parallel_loop3A_762, %parallel_loop3A_768 : i32
        %parallel_loop3A_770 = arith.extui %parallel_loop3A_769 : i1 to i32
        %parallel_loop3A_771 = arith.subi %parallel_loop3A_767, %parallel_loop3A_770 : i32
        %parallel_loop3A_772 = arith.constant 0 : i32
        %parallel_loop3A_773 = arith.cmpi sgt, %parallel_loop3A_763, %parallel_loop3A_772 : i32
        %parallel_loop3A_774 = arith.extui %parallel_loop3A_773 : i1 to i32
        %parallel_loop3A_775 = arith.constant 0 : i32
        %parallel_loop3A_776 = arith.cmpi slt, %parallel_loop3A_763, %parallel_loop3A_775 : i32
        %parallel_loop3A_777 = arith.extui %parallel_loop3A_776 : i1 to i32
        %parallel_loop3A_778 = arith.subi %parallel_loop3A_774, %parallel_loop3A_777 : i32
        %parallel_loop3A_779 = arith.cmpi ne, %parallel_loop3A_771, %parallel_loop3A_778 : i32
        %parallel_loop3A_780 = arith.remsi %parallel_loop3A_762, %parallel_loop3A_763 : i32
        %parallel_loop3A_781 = arith.constant 0 : i32
        %parallel_loop3A_782 = arith.cmpi ne, %parallel_loop3A_780, %parallel_loop3A_781 : i32
        %parallel_loop3A_783 = arith.andi %parallel_loop3A_779, %parallel_loop3A_782 : i1
        %parallel_loop3A_784 = arith.constant 1 : i32
        %parallel_loop3A_785 = arith.subi %parallel_loop3A_764, %parallel_loop3A_784 : i32
        %parallel_loop3A_786 = arith.select %parallel_loop3A_783, %parallel_loop3A_785, %parallel_loop3A_764 : i32
        %parallel_loop3A_787 = arith.constant 1024 : i32
        %parallel_loop3A_788 = arith.muli %parallel_loop3A_786, %parallel_loop3A_787 : i32
        %parallel_loop3A_789 = arith.constant 8 : i32
        %parallel_loop3A_790 = arith.constant 0 : i32
        %parallel_loop3A_791 = arith.cmpi eq, %parallel_loop3A_789, %parallel_loop3A_790 : i32
        %parallel_loop3A_792 = arith.constant 1 : i32
        %parallel_loop3A_793 = arith.select %parallel_loop3A_791, %parallel_loop3A_792, %parallel_loop3A_789 : i32
        %parallel_loop3A_794 = arith.remsi %parallel_loop3A_762, %parallel_loop3A_793 : i32
        %parallel_loop3A_795 = arith.constant 0 : i32
        %parallel_loop3A_796 = arith.cmpi ne, %parallel_loop3A_794, %parallel_loop3A_795 : i32
        %parallel_loop3A_797 = arith.constant 0 : i32
        %parallel_loop3A_798 = arith.cmpi slt, %parallel_loop3A_794, %parallel_loop3A_797 : i32
        %parallel_loop3A_799 = arith.constant 0 : i32
        %parallel_loop3A_800 = arith.cmpi slt, %parallel_loop3A_793, %parallel_loop3A_799 : i32
        %parallel_loop3A_801 = arith.xori %parallel_loop3A_798, %parallel_loop3A_800 : i1
        %parallel_loop3A_802 = arith.andi %parallel_loop3A_801, %parallel_loop3A_796 : i1
        %parallel_loop3A_803 = arith.addi %parallel_loop3A_794, %parallel_loop3A_793 : i32
        %parallel_loop3A_804 = arith.select %parallel_loop3A_802, %parallel_loop3A_803, %parallel_loop3A_794 : i32
        %parallel_loop3A_805 = arith.constant 128 : i32
        %parallel_loop3A_806 = arith.muli %parallel_loop3A_804, %parallel_loop3A_805 : i32
        %parallel_loop3A_807 = arith.addi %parallel_loop3A_788, %parallel_loop3A_806 : i32
        %parallel_loop3A_808 = arith.constant 0 : i32
        %parallel_loop3A_809 = arith.addi %parallel_loop3A_808, %parallel_loop3A_762 : i32
        %parallel_loop3A_810 = vector.broadcast %parallel_loop3A_809 : i32 to vector<16xi32>
        %parallel_loop3A_811 = arith.addi %mul3A_3, %parallel_loop3A_810 : vector<16xi32>
        %parallel_loop3A_812 = tpu.vector_load_idx %arg15[%parallel_loop3A_811] : memref<4224xf32, #tpu.memory_space<vmem>>[vector<16xi32>], vector<16xf32>,
        %parallel_loop3A_813 = arith.constant 0 : i32
        %parallel_loop3A_814 = arith.addi %parallel_loop3A_807, %parallel_loop3A_813 : i32
        %parallel_loop3A_815 = arith.index_cast %parallel_loop3A_814 : i32 to index
        %parallel_loop3A_816 = tpu.vector_load %arg18[%parallel_loop3A_815] {strides = array<i32>} : memref<4096xf32, #tpu.memory_space<vmem>>, vector<16xf32>,
        tpu.vector_store %arg18[%parallel_loop3A_815], %parallel_loop3A_812 {strides = array<i32>} : memref<4096xf32, #tpu.memory_space<vmem>>, vector<16xf32>,
        %parallel_loop3A_817 = arith.constant 528 : i32
        %parallel_loop3A_818 = arith.addi %parallel_loop3A_817, %parallel_loop3A_762 : i32
        %parallel_loop3A_819 = vector.broadcast %parallel_loop3A_818 : i32 to vector<16xi32>
        %parallel_loop3A_820 = arith.addi %mul3A_3, %parallel_loop3A_819 : vector<16xi32>
        %parallel_loop3A_821 = tpu.vector_load_idx %arg15[%parallel_loop3A_820] : memref<4224xf32, #tpu.memory_space<vmem>>[vector<16xi32>], vector<16xf32>,
        %parallel_loop3A_822 = arith.constant 16 : i32
        %parallel_loop3A_823 = arith.addi %parallel_loop3A_807, %parallel_loop3A_822 : i32
        %parallel_loop3A_824 = arith.index_cast %parallel_loop3A_823 : i32 to index
        %parallel_loop3A_825 = tpu.vector_load %arg18[%parallel_loop3A_824] {strides = array<i32>} : memref<4096xf32, #tpu.memory_space<vmem>>, vector<16xf32>,
        tpu.vector_store %arg18[%parallel_loop3A_824], %parallel_loop3A_821 {strides = array<i32>} : memref<4096xf32, #tpu.memory_space<vmem>>, vector<16xf32>,
        %parallel_loop3A_826 = arith.constant 1056 : i32
        %parallel_loop3A_827 = arith.addi %parallel_loop3A_826, %parallel_loop3A_762 : i32
        %parallel_loop3A_828 = vector.broadcast %parallel_loop3A_827 : i32 to vector<16xi32>
        %parallel_loop3A_829 = arith.addi %mul3A_3, %parallel_loop3A_828 : vector<16xi32>
        %parallel_loop3A_830 = tpu.vector_load_idx %arg15[%parallel_loop3A_829] : memref<4224xf32, #tpu.memory_space<vmem>>[vector<16xi32>], vector<16xf32>,
        %parallel_loop3A_831 = arith.constant 32 : i32
        %parallel_loop3A_832 = arith.addi %parallel_loop3A_807, %parallel_loop3A_831 : i32
        %parallel_loop3A_833 = arith.index_cast %parallel_loop3A_832 : i32 to index
        %parallel_loop3A_834 = tpu.vector_load %arg18[%parallel_loop3A_833] {strides = array<i32>} : memref<4096xf32, #tpu.memory_space<vmem>>, vector<16xf32>,
        tpu.vector_store %arg18[%parallel_loop3A_833], %parallel_loop3A_830 {strides = array<i32>} : memref<4096xf32, #tpu.memory_space<vmem>>, vector<16xf32>,
        %parallel_loop3A_835 = arith.constant 1584 : i32
        %parallel_loop3A_836 = arith.addi %parallel_loop3A_835, %parallel_loop3A_762 : i32
        %parallel_loop3A_837 = vector.broadcast %parallel_loop3A_836 : i32 to vector<16xi32>
        %parallel_loop3A_838 = arith.addi %mul3A_3, %parallel_loop3A_837 : vector<16xi32>
        %parallel_loop3A_839 = tpu.vector_load_idx %arg15[%parallel_loop3A_838] : memref<4224xf32, #tpu.memory_space<vmem>>[vector<16xi32>], vector<16xf32>,
        %parallel_loop3A_840 = arith.constant 48 : i32
        %parallel_loop3A_841 = arith.addi %parallel_loop3A_807, %parallel_loop3A_840 : i32
        %parallel_loop3A_842 = arith.index_cast %parallel_loop3A_841 : i32 to index
        %parallel_loop3A_843 = tpu.vector_load %arg18[%parallel_loop3A_842] {strides = array<i32>} : memref<4096xf32, #tpu.memory_space<vmem>>, vector<16xf32>,
        tpu.vector_store %arg18[%parallel_loop3A_842], %parallel_loop3A_839 {strides = array<i32>} : memref<4096xf32, #tpu.memory_space<vmem>>, vector<16xf32>,
        %parallel_loop3A_844 = arith.constant 2112 : i32
        %parallel_loop3A_845 = arith.addi %parallel_loop3A_844, %parallel_loop3A_762 : i32
        %parallel_loop3A_846 = vector.broadcast %parallel_loop3A_845 : i32 to vector<16xi32>
        %parallel_loop3A_847 = arith.addi %mul3A_3, %parallel_loop3A_846 : vector<16xi32>
        %parallel_loop3A_848 = tpu.vector_load_idx %arg15[%parallel_loop3A_847] : memref<4224xf32, #tpu.memory_space<vmem>>[vector<16xi32>], vector<16xf32>,
        %parallel_loop3A_849 = arith.constant 64 : i32
        %parallel_loop3A_850 = arith.addi %parallel_loop3A_807, %parallel_loop3A_849 : i32
        %parallel_loop3A_851 = arith.index_cast %parallel_loop3A_850 : i32 to index
        %parallel_loop3A_852 = tpu.vector_load %arg18[%parallel_loop3A_851] {strides = array<i32>} : memref<4096xf32, #tpu.memory_space<vmem>>, vector<16xf32>,
        tpu.vector_store %arg18[%parallel_loop3A_851], %parallel_loop3A_848 {strides = array<i32>} : memref<4096xf32, #tpu.memory_space<vmem>>, vector<16xf32>,
        %parallel_loop3A_853 = arith.constant 2640 : i32
        %parallel_loop3A_854 = arith.addi %parallel_loop3A_853, %parallel_loop3A_762 : i32
        %parallel_loop3A_855 = vector.broadcast %parallel_loop3A_854 : i32 to vector<16xi32>
        %parallel_loop3A_856 = arith.addi %mul3A_3, %parallel_loop3A_855 : vector<16xi32>
        %parallel_loop3A_857 = tpu.vector_load_idx %arg15[%parallel_loop3A_856] : memref<4224xf32, #tpu.memory_space<vmem>>[vector<16xi32>], vector<16xf32>,
        %parallel_loop3A_858 = arith.constant 80 : i32
        %parallel_loop3A_859 = arith.addi %parallel_loop3A_807, %parallel_loop3A_858 : i32
        %parallel_loop3A_860 = arith.index_cast %parallel_loop3A_859 : i32 to index
        %parallel_loop3A_861 = tpu.vector_load %arg18[%parallel_loop3A_860] {strides = array<i32>} : memref<4096xf32, #tpu.memory_space<vmem>>, vector<16xf32>,
        tpu.vector_store %arg18[%parallel_loop3A_860], %parallel_loop3A_857 {strides = array<i32>} : memref<4096xf32, #tpu.memory_space<vmem>>, vector<16xf32>,
        %parallel_loop3A_862 = arith.constant 3168 : i32
        %parallel_loop3A_863 = arith.addi %parallel_loop3A_862, %parallel_loop3A_762 : i32
        %parallel_loop3A_864 = vector.broadcast %parallel_loop3A_863 : i32 to vector<16xi32>
        %parallel_loop3A_865 = arith.addi %mul3A_3, %parallel_loop3A_864 : vector<16xi32>
        %parallel_loop3A_866 = tpu.vector_load_idx %arg15[%parallel_loop3A_865] : memref<4224xf32, #tpu.memory_space<vmem>>[vector<16xi32>], vector<16xf32>,
        %parallel_loop3A_867 = arith.constant 96 : i32
        %parallel_loop3A_868 = arith.addi %parallel_loop3A_807, %parallel_loop3A_867 : i32
        %parallel_loop3A_869 = arith.index_cast %parallel_loop3A_868 : i32 to index
        %parallel_loop3A_870 = tpu.vector_load %arg18[%parallel_loop3A_869] {strides = array<i32>} : memref<4096xf32, #tpu.memory_space<vmem>>, vector<16xf32>,
        tpu.vector_store %arg18[%parallel_loop3A_869], %parallel_loop3A_866 {strides = array<i32>} : memref<4096xf32, #tpu.memory_space<vmem>>, vector<16xf32>,
        %parallel_loop3A_871 = arith.constant 3696 : i32
        %parallel_loop3A_872 = arith.addi %parallel_loop3A_871, %parallel_loop3A_762 : i32
        %parallel_loop3A_873 = vector.broadcast %parallel_loop3A_872 : i32 to vector<16xi32>
        %parallel_loop3A_874 = arith.addi %mul3A_3, %parallel_loop3A_873 : vector<16xi32>
        %parallel_loop3A_875 = tpu.vector_load_idx %arg15[%parallel_loop3A_874] : memref<4224xf32, #tpu.memory_space<vmem>>[vector<16xi32>], vector<16xf32>,
        %parallel_loop3A_876 = arith.constant 112 : i32
        %parallel_loop3A_877 = arith.addi %parallel_loop3A_807, %parallel_loop3A_876 : i32
        %parallel_loop3A_878 = arith.index_cast %parallel_loop3A_877 : i32 to index
        %parallel_loop3A_879 = tpu.vector_load %arg18[%parallel_loop3A_878] {strides = array<i32>} : memref<4096xf32, #tpu.memory_space<vmem>>, vector<16xf32>,
        tpu.vector_store %arg18[%parallel_loop3A_878], %parallel_loop3A_875 {strides = array<i32>} : memref<4096xf32, #tpu.memory_space<vmem>>, vector<16xf32>,
      } {sc.loop_unroll_factor = 4 : i64, sc.parallel_access}
      %add3A_600 = arith.constant 1 : i32
      %add3A_601 = arith.addi %mul3A_567, %add3A_600 : i32
      %mul3A_602 = arith.constant 131072 : i32
      %mul3A_603 = arith.muli %add3A_601, %mul3A_602 : i32
      %add3A_604 = arith.constant 0 : i32
      %add3A_605 = arith.addi %mul3A_603, %add3A_604 : i32
      %mul3A_606 = arith.constant 1024 : i32
      %mul3A_607 = arith.muli %add3A, %mul3A_606 : i32
      %add3A_608 = arith.addi %add3A_605, %mul3A_607 : i32
      %dma_start3A_609 = arith.constant 0 : i32
      %dma_start3A_610 = tpu.memref_slice %arg18[%dma_start3A_609] : memref<4096xf32, #tpu.memory_space<vmem>> -> memref<1024xf32, #tpu.memory_space<vmem>>
      %dma_start3A_611 = tpu.memref_slice %arg8[%add3A_608] : memref<26345472xf32, #tpu.memory_space<hbm>> -> memref<1024xf32, #tpu.memory_space<hbm>>
      %dma_start3A_612 = tpu.memref_slice %arg8[%add3A_608] : memref<26345472xf32, #tpu.memory_space<hbm>> -> memref<1024xf32, #tpu.memory_space<hbm>>
      %dma_start3A_613 = arith.constant 0 : i32
      %dma_start3A_614 = tpu.memref_slice %arg18[%dma_start3A_613] : memref<4096xf32, #tpu.memory_space<vmem>> -> memref<1024xf32, #tpu.memory_space<vmem>>
      tpu.enqueue_dma source(%dma_start3A_614 : memref<1024xf32, #tpu.memory_space<vmem>>) target(%dma_start3A_612 : memref<1024xf32, #tpu.memory_space<hbm>>) target_semaphore(%arg23 : memref<!tpu.dma_semaphore, #tpu.memory_space<semaphore_mem>>)
      %add3A_615 = arith.constant 1 : i32
      %add3A_616 = arith.addi %mul3A_567, %add3A_615 : i32
      %mul3A_617 = arith.constant 131072 : i32
      %mul3A_618 = arith.muli %add3A_616, %mul3A_617 : i32
      %add3A_619 = arith.constant 32768 : i32
      %add3A_620 = arith.addi %mul3A_618, %add3A_619 : i32
      %mul3A_621 = arith.constant 1024 : i32
      %mul3A_622 = arith.muli %add3A, %mul3A_621 : i32
      %add3A_623 = arith.addi %add3A_620, %mul3A_622 : i32
      %dma_start3A_624 = arith.constant 1024 : i32
      %dma_start3A_625 = tpu.memref_slice %arg18[%dma_start3A_624] : memref<4096xf32, #tpu.memory_space<vmem>> -> memref<1024xf32, #tpu.memory_space<vmem>>
      %dma_start3A_626 = tpu.memref_slice %arg8[%add3A_623] : memref<26345472xf32, #tpu.memory_space<hbm>> -> memref<1024xf32, #tpu.memory_space<hbm>>
      %dma_start3A_627 = tpu.memref_slice %arg8[%add3A_623] : memref<26345472xf32, #tpu.memory_space<hbm>> -> memref<1024xf32, #tpu.memory_space<hbm>>
      %dma_start3A_628 = arith.constant 1024 : i32
      %dma_start3A_629 = tpu.memref_slice %arg18[%dma_start3A_628] : memref<4096xf32, #tpu.memory_space<vmem>> -> memref<1024xf32, #tpu.memory_space<vmem>>
      tpu.enqueue_dma source(%dma_start3A_629 : memref<1024xf32, #tpu.memory_space<vmem>>) target(%dma_start3A_627 : memref<1024xf32, #tpu.memory_space<hbm>>) target_semaphore(%arg23 : memref<!tpu.dma_semaphore, #tpu.memory_space<semaphore_mem>>)
      %add3A_630 = arith.constant 1 : i32
      %add3A_631 = arith.addi %mul3A_567, %add3A_630 : i32
      %mul3A_632 = arith.constant 131072 : i32
      %mul3A_633 = arith.muli %add3A_631, %mul3A_632 : i32
      %add3A_634 = arith.constant 65536 : i32
      %add3A_635 = arith.addi %mul3A_633, %add3A_634 : i32
      %mul3A_636 = arith.constant 1024 : i32
      %mul3A_637 = arith.muli %add3A, %mul3A_636 : i32
      %add3A_638 = arith.addi %add3A_635, %mul3A_637 : i32
      %dma_start3A_639 = arith.constant 2048 : i32
      %dma_start3A_640 = tpu.memref_slice %arg18[%dma_start3A_639] : memref<4096xf32, #tpu.memory_space<vmem>> -> memref<1024xf32, #tpu.memory_space<vmem>>
      %dma_start3A_641 = tpu.memref_slice %arg8[%add3A_638] : memref<26345472xf32, #tpu.memory_space<hbm>> -> memref<1024xf32, #tpu.memory_space<hbm>>
      %dma_start3A_642 = tpu.memref_slice %arg8[%add3A_638] : memref<26345472xf32, #tpu.memory_space<hbm>> -> memref<1024xf32, #tpu.memory_space<hbm>>
      %dma_start3A_643 = arith.constant 2048 : i32
      %dma_start3A_644 = tpu.memref_slice %arg18[%dma_start3A_643] : memref<4096xf32, #tpu.memory_space<vmem>> -> memref<1024xf32, #tpu.memory_space<vmem>>
      tpu.enqueue_dma source(%dma_start3A_644 : memref<1024xf32, #tpu.memory_space<vmem>>) target(%dma_start3A_642 : memref<1024xf32, #tpu.memory_space<hbm>>) target_semaphore(%arg23 : memref<!tpu.dma_semaphore, #tpu.memory_space<semaphore_mem>>)
      %add3A_645 = arith.constant 1 : i32
      %add3A_646 = arith.addi %mul3A_567, %add3A_645 : i32
      %mul3A_647 = arith.constant 131072 : i32
      %mul3A_648 = arith.muli %add3A_646, %mul3A_647 : i32
      %add3A_649 = arith.constant 98304 : i32
      %add3A_650 = arith.addi %mul3A_648, %add3A_649 : i32
      %mul3A_651 = arith.constant 1024 : i32
      %mul3A_652 = arith.muli %add3A, %mul3A_651 : i32
      %add3A_653 = arith.addi %add3A_650, %mul3A_652 : i32
      %dma_start3A_654 = arith.constant 3072 : i32
      %dma_start3A_655 = tpu.memref_slice %arg18[%dma_start3A_654] : memref<4096xf32, #tpu.memory_space<vmem>> -> memref<1024xf32, #tpu.memory_space<vmem>>
      %dma_start3A_656 = tpu.memref_slice %arg8[%add3A_653] : memref<26345472xf32, #tpu.memory_space<hbm>> -> memref<1024xf32, #tpu.memory_space<hbm>>
      %dma_start3A_657 = tpu.memref_slice %arg8[%add3A_653] : memref<26345472xf32, #tpu.memory_space<hbm>> -> memref<1024xf32, #tpu.memory_space<hbm>>
      %dma_start3A_658 = arith.constant 3072 : i32
      %dma_start3A_659 = tpu.memref_slice %arg18[%dma_start3A_658] : memref<4096xf32, #tpu.memory_space<vmem>> -> memref<1024xf32, #tpu.memory_space<vmem>>
      tpu.enqueue_dma source(%dma_start3A_659 : memref<1024xf32, #tpu.memory_space<vmem>>) target(%dma_start3A_657 : memref<1024xf32, #tpu.memory_space<hbm>>) target_semaphore(%arg23 : memref<!tpu.dma_semaphore, #tpu.memory_space<semaphore_mem>>)
      %dma_wait3A_660 = arith.constant 0 : i32
      %dma_wait3A_661 = arith.constant 0 : i32
      %dma_wait3A_662 = tpu.memref_slice %arg5[%dma_wait3A_660, %dma_wait3A_661] : memref<100000x32xf32, #tpu.memory_space<hbm>> -> memref<128x32xf32, #tpu.memory_space<hbm>>
      %dma_wait3A_663 = arith.constant 0 : i32
      %dma_wait3A_664 = arith.constant 0 : i32
      %dma_wait3A_665 = tpu.memref_slice %arg5[%dma_wait3A_663, %dma_wait3A_664] : memref<100000x32xf32, #tpu.memory_space<hbm>> -> memref<128x32xf32, #tpu.memory_space<hbm>>
      tpu.wait_dma2 semaphore(%arg22 : memref<!tpu.dma_semaphore, #tpu.memory_space<semaphore_mem>>) src(%dma_wait3A_665 : memref<128x32xf32, #tpu.memory_space<hbm>>) dst(%arg13 : memref<128x32xf32, #tpu.memory_space<vmem>>)
      %dma_wait3A_666 = arith.constant 0 : i32
      %dma_wait3A_667 = arith.constant 0 : i32
      %dma_wait3A_668 = tpu.memref_slice %arg6[%dma_wait3A_666, %dma_wait3A_667] : memref<100000x32xf32, #tpu.memory_space<hbm>> -> memref<128x32xf32, #tpu.memory_space<hbm>>
      %dma_wait3A_669 = arith.constant 0 : i32
      %dma_wait3A_670 = arith.constant 0 : i32
      %dma_wait3A_671 = tpu.memref_slice %arg6[%dma_wait3A_669, %dma_wait3A_670] : memref<100000x32xf32, #tpu.memory_space<hbm>> -> memref<128x32xf32, #tpu.memory_space<hbm>>
      tpu.wait_dma2 semaphore(%arg22 : memref<!tpu.dma_semaphore, #tpu.memory_space<semaphore_mem>>) src(%dma_wait3A_671 : memref<128x32xf32, #tpu.memory_space<hbm>>) dst(%arg14 : memref<128x32xf32, #tpu.memory_space<vmem>>)
      %gt3A_672 = arith.constant 0 : i32
      %gt3A_673 = arith.cmpi sgt, %scan3A_565, %gt3A_672 : i32
      %convert_element_type3A_674 = arith.extui %gt3A_673 : i1 to i32
      %cond3A_675 = arith.constant 0 : i32
      %cond3A_676 = arith.cmpi ne, %convert_element_type3A_674, %cond3A_675 : i32
      scf.if %cond3A_676 {
        %dma_wait3A_762 = arith.constant 0 : i32
        %dma_wait3A_763 = tpu.memref_slice %arg8[%dma_wait3A_762] : memref<26345472xf32, #tpu.memory_space<hbm>> -> memref<4096xf32, #tpu.memory_space<hbm>>
        %dma_wait3A_764 = arith.constant 0 : i32
        %dma_wait3A_765 = tpu.memref_slice %arg8[%dma_wait3A_764] : memref<26345472xf32, #tpu.memory_space<hbm>> -> memref<4096xf32, #tpu.memory_space<hbm>>
        tpu.wait_dma2 semaphore(%arg24 : memref<!tpu.dma_semaphore, #tpu.memory_space<semaphore_mem>>) src(%arg19 : memref<4096xf32, #tpu.memory_space<vmem>>) dst(%dma_wait3A_765 : memref<4096xf32, #tpu.memory_space<hbm>>)
      } else {
      }
      %add3A_677 = arith.constant 1 : i32
      %add3A_678 = arith.addi %mul3A_567, %add3A_677 : i32
      %mul3A_679 = arith.constant 32 : i32
      %mul3A_680 = arith.muli %add3A_678, %mul3A_679 : i32
      %get3A_681 = arith.index_cast %mul3A_680 : i32 to index
      %get3A_682 = tpu.vector_load %arg16[%get3A_681] {strides = array<i32>} : memref<6400xf32, #tpu.memory_space<vmem>>, vector<16xf32>,
      %mul3A_683 = arith.constant 32 : i32
      %mul3A_684 = arith.muli %add3A_678, %mul3A_683 : i32
      %add3A_685 = arith.constant 16 : i32
      %add3A_686 = arith.addi %mul3A_684, %add3A_685 : i32
      %get3A_687 = arith.index_cast %add3A_686 : i32 to index
      %get3A_688 = tpu.vector_load %arg16[%get3A_687] {strides = array<i32>} : memref<6400xf32, #tpu.memory_space<vmem>>, vector<16xf32>,
      %parallel_loop3A_689 = arith.constant 0 : i32
      %parallel_loop3A_690 = arith.constant 128 : i32
      %parallel_loop3A_691 = arith.constant 1 : i32
      scf.for %parallel_loop3A_762 = %parallel_loop3A_689 to %parallel_loop3A_690 step %parallel_loop3A_691  : i32 {
        %parallel_loop3A_763 = arith.index_cast %parallel_loop3A_762 : i32 to index
        %parallel_loop3A_764 = arith.constant 0 : index
        %parallel_loop3A_765 = tpu.vector_load %arg13[%parallel_loop3A_763, %parallel_loop3A_764] {strides = array<i32>} : memref<128x32xf32, #tpu.memory_space<vmem>>, vector<16xf32>,
        %parallel_loop3A_766 = arith.index_cast %parallel_loop3A_762 : i32 to index
        %parallel_loop3A_767 = arith.constant 0 : index
        %parallel_loop3A_768 = tpu.vector_load %arg14[%parallel_loop3A_766, %parallel_loop3A_767] {strides = array<i32>} : memref<128x32xf32, #tpu.memory_space<vmem>>, vector<16xf32>,
        %parallel_loop3A_769 = arith.addf %parallel_loop3A_765, %parallel_loop3A_768 : vector<16xf32>
        %parallel_loop3A_770 = arith.addf %parallel_loop3A_769, %get3A_682 : vector<16xf32>
        %parallel_loop3A_771 = arith.constant 33 : i32
        %parallel_loop3A_772 = arith.muli %parallel_loop3A_762, %parallel_loop3A_771 : i32
        %parallel_loop3A_773 = arith.index_cast %parallel_loop3A_772 : i32 to index
        %parallel_loop3A_774 = tpu.vector_load %arg15[%parallel_loop3A_773] {strides = array<i32>} : memref<4224xf32, #tpu.memory_space<vmem>>, vector<16xf32>,
        tpu.vector_store %arg15[%parallel_loop3A_773], %parallel_loop3A_770 {strides = array<i32>} : memref<4224xf32, #tpu.memory_space<vmem>>, vector<16xf32>,
        %parallel_loop3A_775 = arith.index_cast %parallel_loop3A_762 : i32 to index
        %parallel_loop3A_776 = arith.constant 16 : index
        %parallel_loop3A_777 = tpu.vector_load %arg13[%parallel_loop3A_775, %parallel_loop3A_776] {strides = array<i32>} : memref<128x32xf32, #tpu.memory_space<vmem>>, vector<16xf32>,
        %parallel_loop3A_778 = arith.index_cast %parallel_loop3A_762 : i32 to index
        %parallel_loop3A_779 = arith.constant 16 : index
        %parallel_loop3A_780 = tpu.vector_load %arg14[%parallel_loop3A_778, %parallel_loop3A_779] {strides = array<i32>} : memref<128x32xf32, #tpu.memory_space<vmem>>, vector<16xf32>,
        %parallel_loop3A_781 = arith.addf %parallel_loop3A_777, %parallel_loop3A_780 : vector<16xf32>
        %parallel_loop3A_782 = arith.addf %parallel_loop3A_781, %get3A_688 : vector<16xf32>
        %parallel_loop3A_783 = arith.constant 33 : i32
        %parallel_loop3A_784 = arith.muli %parallel_loop3A_762, %parallel_loop3A_783 : i32
        %parallel_loop3A_785 = arith.constant 16 : i32
        %parallel_loop3A_786 = arith.addi %parallel_loop3A_784, %parallel_loop3A_785 : i32
        %parallel_loop3A_787 = arith.index_cast %parallel_loop3A_786 : i32 to index
        %parallel_loop3A_788 = tpu.vector_load %arg15[%parallel_loop3A_787] {strides = array<i32>} : memref<4224xf32, #tpu.memory_space<vmem>>, vector<16xf32>,
        tpu.vector_store %arg15[%parallel_loop3A_787], %parallel_loop3A_782 {strides = array<i32>} : memref<4224xf32, #tpu.memory_space<vmem>>, vector<16xf32>,
      } {sc.loop_unroll_factor = 8 : i64, sc.parallel_access}
      %lt3A_692 = arith.constant 99 : i32
      %lt3A_693 = arith.cmpi slt, %scan3A_565, %lt3A_692 : i32
      %convert_element_type3A_694 = arith.extui %lt3A_693 : i1 to i32
      %cond3A_695 = arith.constant 0 : i32
      %cond3A_696 = arith.cmpi ne, %convert_element_type3A_694, %cond3A_695 : i32
      scf.if %cond3A_696 {
        %add3A_762 = arith.constant 3 : i32
        %add3A_763 = arith.addi %mul3A_567, %add3A_762 : i32
        %mul3A_764 = arith.constant 128 : i32
        %mul3A_765 = arith.muli %add3A_763, %mul3A_764 : i32
        %dma_start3A_766 = tpu.memref_slice %arg9[%mul3A_765] : memref<25600xi32, #tpu.memory_space<vmem>> -> memref<128xi32, #tpu.memory_space<vmem>>
        %dma_start3A_767 = arith.constant 0 : i32
        %dma_start3A_768 = arith.constant 0 : i32
        %dma_start3A_769 = tpu.memref_slice %arg5[%dma_start3A_767, %dma_start3A_768] : memref<100000x32xf32, #tpu.memory_space<hbm>> -> memref<100000x32xf32, #tpu.memory_space<hbm>>
        tpu.enqueue_indirect_dma source(%dma_start3A_769 : memref<100000x32xf32, #tpu.memory_space<hbm>>) target(%arg13 : memref<128x32xf32, #tpu.memory_space<vmem>>) offsets(%dma_start3A_766 : memref<128xi32, #tpu.memory_space<vmem>>) semaphore(%arg22 : memref<!tpu.dma_semaphore, #tpu.memory_space<semaphore_mem>>)
        %mul3A_770 = arith.constant 128 : i32
        %mul3A_771 = arith.muli %add3A_763, %mul3A_770 : i32
        %dma_start3A_772 = tpu.memref_slice %arg10[%mul3A_771] : memref<25600xi32, #tpu.memory_space<vmem>> -> memref<128xi32, #tpu.memory_space<vmem>>
        %dma_start3A_773 = arith.constant 0 : i32
        %dma_start3A_774 = arith.constant 0 : i32
        %dma_start3A_775 = tpu.memref_slice %arg6[%dma_start3A_773, %dma_start3A_774] : memref<100000x32xf32, #tpu.memory_space<hbm>> -> memref<100000x32xf32, #tpu.memory_space<hbm>>
        tpu.enqueue_indirect_dma source(%dma_start3A_775 : memref<100000x32xf32, #tpu.memory_space<hbm>>) target(%arg14 : memref<128x32xf32, #tpu.memory_space<vmem>>) offsets(%dma_start3A_772 : memref<128xi32, #tpu.memory_space<vmem>>) semaphore(%arg22 : memref<!tpu.dma_semaphore, #tpu.memory_space<semaphore_mem>>)
      } else {
      }
      %parallel_loop3A_697 = arith.constant 0 : i32
      %parallel_loop3A_698 = arith.constant 32 : i32
      %parallel_loop3A_699 = arith.constant 1 : i32
      scf.for %parallel_loop3A_762 = %parallel_loop3A_697 to %parallel_loop3A_698 step %parallel_loop3A_699  : i32 {
        %parallel_loop3A_763 = arith.constant 8 : i32
        %parallel_loop3A_764 = arith.divsi %parallel_loop3A_762, %parallel_loop3A_763 : i32
        %parallel_loop3A_765 = arith.constant 0 : i32
        %parallel_loop3A_766 = arith.cmpi sgt, %parallel_loop3A_762, %parallel_loop3A_765 : i32
        %parallel_loop3A_767 = arith.extui %parallel_loop3A_766 : i1 to i32
        %parallel_loop3A_768 = arith.constant 0 : i32
        %parallel_loop3A_769 = arith.cmpi slt, %parallel_loop3A_762, %parallel_loop3A_768 : i32
        %parallel_loop3A_770 = arith.extui %parallel_loop3A_769 : i1 to i32
        %parallel_loop3A_771 = arith.subi %parallel_loop3A_767, %parallel_loop3A_770 : i32
        %parallel_loop3A_772 = arith.constant 0 : i32
        %parallel_loop3A_773 = arith.cmpi sgt, %parallel_loop3A_763, %parallel_loop3A_772 : i32
        %parallel_loop3A_774 = arith.extui %parallel_loop3A_773 : i1 to i32
        %parallel_loop3A_775 = arith.constant 0 : i32
        %parallel_loop3A_776 = arith.cmpi slt, %parallel_loop3A_763, %parallel_loop3A_775 : i32
        %parallel_loop3A_777 = arith.extui %parallel_loop3A_776 : i1 to i32
        %parallel_loop3A_778 = arith.subi %parallel_loop3A_774, %parallel_loop3A_777 : i32
        %parallel_loop3A_779 = arith.cmpi ne, %parallel_loop3A_771, %parallel_loop3A_778 : i32
        %parallel_loop3A_780 = arith.remsi %parallel_loop3A_762, %parallel_loop3A_763 : i32
        %parallel_loop3A_781 = arith.constant 0 : i32
        %parallel_loop3A_782 = arith.cmpi ne, %parallel_loop3A_780, %parallel_loop3A_781 : i32
        %parallel_loop3A_783 = arith.andi %parallel_loop3A_779, %parallel_loop3A_782 : i1
        %parallel_loop3A_784 = arith.constant 1 : i32
        %parallel_loop3A_785 = arith.subi %parallel_loop3A_764, %parallel_loop3A_784 : i32
        %parallel_loop3A_786 = arith.select %parallel_loop3A_783, %parallel_loop3A_785, %parallel_loop3A_764 : i32
        %parallel_loop3A_787 = arith.constant 1024 : i32
        %parallel_loop3A_788 = arith.muli %parallel_loop3A_786, %parallel_loop3A_787 : i32
        %parallel_loop3A_789 = arith.constant 8 : i32
        %parallel_loop3A_790 = arith.constant 0 : i32
        %parallel_loop3A_791 = arith.cmpi eq, %parallel_loop3A_789, %parallel_loop3A_790 : i32
        %parallel_loop3A_792 = arith.constant 1 : i32
        %parallel_loop3A_793 = arith.select %parallel_loop3A_791, %parallel_loop3A_792, %parallel_loop3A_789 : i32
        %parallel_loop3A_794 = arith.remsi %parallel_loop3A_762, %parallel_loop3A_793 : i32
        %parallel_loop3A_795 = arith.constant 0 : i32
        %parallel_loop3A_796 = arith.cmpi ne, %parallel_loop3A_794, %parallel_loop3A_795 : i32
        %parallel_loop3A_797 = arith.constant 0 : i32
        %parallel_loop3A_798 = arith.cmpi slt, %parallel_loop3A_794, %parallel_loop3A_797 : i32
        %parallel_loop3A_799 = arith.constant 0 : i32
        %parallel_loop3A_800 = arith.cmpi slt, %parallel_loop3A_793, %parallel_loop3A_799 : i32
        %parallel_loop3A_801 = arith.xori %parallel_loop3A_798, %parallel_loop3A_800 : i1
        %parallel_loop3A_802 = arith.andi %parallel_loop3A_801, %parallel_loop3A_796 : i1
        %parallel_loop3A_803 = arith.addi %parallel_loop3A_794, %parallel_loop3A_793 : i32
        %parallel_loop3A_804 = arith.select %parallel_loop3A_802, %parallel_loop3A_803, %parallel_loop3A_794 : i32
        %parallel_loop3A_805 = arith.constant 128 : i32
        %parallel_loop3A_806 = arith.muli %parallel_loop3A_804, %parallel_loop3A_805 : i32
        %parallel_loop3A_807 = arith.addi %parallel_loop3A_788, %parallel_loop3A_806 : i32
        %parallel_loop3A_808 = arith.constant 0 : i32
        %parallel_loop3A_809 = arith.addi %parallel_loop3A_808, %parallel_loop3A_762 : i32
        %parallel_loop3A_810 = vector.broadcast %parallel_loop3A_809 : i32 to vector<16xi32>
        %parallel_loop3A_811 = arith.addi %mul3A_3, %parallel_loop3A_810 : vector<16xi32>
        %parallel_loop3A_812 = tpu.vector_load_idx %arg15[%parallel_loop3A_811] : memref<4224xf32, #tpu.memory_space<vmem>>[vector<16xi32>], vector<16xf32>,
        %parallel_loop3A_813 = arith.constant 0 : i32
        %parallel_loop3A_814 = arith.addi %parallel_loop3A_807, %parallel_loop3A_813 : i32
        %parallel_loop3A_815 = arith.index_cast %parallel_loop3A_814 : i32 to index
        %parallel_loop3A_816 = tpu.vector_load %arg19[%parallel_loop3A_815] {strides = array<i32>} : memref<4096xf32, #tpu.memory_space<vmem>>, vector<16xf32>,
        tpu.vector_store %arg19[%parallel_loop3A_815], %parallel_loop3A_812 {strides = array<i32>} : memref<4096xf32, #tpu.memory_space<vmem>>, vector<16xf32>,
        %parallel_loop3A_817 = arith.constant 528 : i32
        %parallel_loop3A_818 = arith.addi %parallel_loop3A_817, %parallel_loop3A_762 : i32
        %parallel_loop3A_819 = vector.broadcast %parallel_loop3A_818 : i32 to vector<16xi32>
        %parallel_loop3A_820 = arith.addi %mul3A_3, %parallel_loop3A_819 : vector<16xi32>
        %parallel_loop3A_821 = tpu.vector_load_idx %arg15[%parallel_loop3A_820] : memref<4224xf32, #tpu.memory_space<vmem>>[vector<16xi32>], vector<16xf32>,
        %parallel_loop3A_822 = arith.constant 16 : i32
        %parallel_loop3A_823 = arith.addi %parallel_loop3A_807, %parallel_loop3A_822 : i32
        %parallel_loop3A_824 = arith.index_cast %parallel_loop3A_823 : i32 to index
        %parallel_loop3A_825 = tpu.vector_load %arg19[%parallel_loop3A_824] {strides = array<i32>} : memref<4096xf32, #tpu.memory_space<vmem>>, vector<16xf32>,
        tpu.vector_store %arg19[%parallel_loop3A_824], %parallel_loop3A_821 {strides = array<i32>} : memref<4096xf32, #tpu.memory_space<vmem>>, vector<16xf32>,
        %parallel_loop3A_826 = arith.constant 1056 : i32
        %parallel_loop3A_827 = arith.addi %parallel_loop3A_826, %parallel_loop3A_762 : i32
        %parallel_loop3A_828 = vector.broadcast %parallel_loop3A_827 : i32 to vector<16xi32>
        %parallel_loop3A_829 = arith.addi %mul3A_3, %parallel_loop3A_828 : vector<16xi32>
        %parallel_loop3A_830 = tpu.vector_load_idx %arg15[%parallel_loop3A_829] : memref<4224xf32, #tpu.memory_space<vmem>>[vector<16xi32>], vector<16xf32>,
        %parallel_loop3A_831 = arith.constant 32 : i32
        %parallel_loop3A_832 = arith.addi %parallel_loop3A_807, %parallel_loop3A_831 : i32
        %parallel_loop3A_833 = arith.index_cast %parallel_loop3A_832 : i32 to index
        %parallel_loop3A_834 = tpu.vector_load %arg19[%parallel_loop3A_833] {strides = array<i32>} : memref<4096xf32, #tpu.memory_space<vmem>>, vector<16xf32>,
        tpu.vector_store %arg19[%parallel_loop3A_833], %parallel_loop3A_830 {strides = array<i32>} : memref<4096xf32, #tpu.memory_space<vmem>>, vector<16xf32>,
        %parallel_loop3A_835 = arith.constant 1584 : i32
        %parallel_loop3A_836 = arith.addi %parallel_loop3A_835, %parallel_loop3A_762 : i32
        %parallel_loop3A_837 = vector.broadcast %parallel_loop3A_836 : i32 to vector<16xi32>
        %parallel_loop3A_838 = arith.addi %mul3A_3, %parallel_loop3A_837 : vector<16xi32>
        %parallel_loop3A_839 = tpu.vector_load_idx %arg15[%parallel_loop3A_838] : memref<4224xf32, #tpu.memory_space<vmem>>[vector<16xi32>], vector<16xf32>,
        %parallel_loop3A_840 = arith.constant 48 : i32
        %parallel_loop3A_841 = arith.addi %parallel_loop3A_807, %parallel_loop3A_840 : i32
        %parallel_loop3A_842 = arith.index_cast %parallel_loop3A_841 : i32 to index
        %parallel_loop3A_843 = tpu.vector_load %arg19[%parallel_loop3A_842] {strides = array<i32>} : memref<4096xf32, #tpu.memory_space<vmem>>, vector<16xf32>,
        tpu.vector_store %arg19[%parallel_loop3A_842], %parallel_loop3A_839 {strides = array<i32>} : memref<4096xf32, #tpu.memory_space<vmem>>, vector<16xf32>,
        %parallel_loop3A_844 = arith.constant 2112 : i32
        %parallel_loop3A_845 = arith.addi %parallel_loop3A_844, %parallel_loop3A_762 : i32
        %parallel_loop3A_846 = vector.broadcast %parallel_loop3A_845 : i32 to vector<16xi32>
        %parallel_loop3A_847 = arith.addi %mul3A_3, %parallel_loop3A_846 : vector<16xi32>
        %parallel_loop3A_848 = tpu.vector_load_idx %arg15[%parallel_loop3A_847] : memref<4224xf32, #tpu.memory_space<vmem>>[vector<16xi32>], vector<16xf32>,
        %parallel_loop3A_849 = arith.constant 64 : i32
        %parallel_loop3A_850 = arith.addi %parallel_loop3A_807, %parallel_loop3A_849 : i32
        %parallel_loop3A_851 = arith.index_cast %parallel_loop3A_850 : i32 to index
        %parallel_loop3A_852 = tpu.vector_load %arg19[%parallel_loop3A_851] {strides = array<i32>} : memref<4096xf32, #tpu.memory_space<vmem>>, vector<16xf32>,
        tpu.vector_store %arg19[%parallel_loop3A_851], %parallel_loop3A_848 {strides = array<i32>} : memref<4096xf32, #tpu.memory_space<vmem>>, vector<16xf32>,
        %parallel_loop3A_853 = arith.constant 2640 : i32
        %parallel_loop3A_854 = arith.addi %parallel_loop3A_853, %parallel_loop3A_762 : i32
        %parallel_loop3A_855 = vector.broadcast %parallel_loop3A_854 : i32 to vector<16xi32>
        %parallel_loop3A_856 = arith.addi %mul3A_3, %parallel_loop3A_855 : vector<16xi32>
        %parallel_loop3A_857 = tpu.vector_load_idx %arg15[%parallel_loop3A_856] : memref<4224xf32, #tpu.memory_space<vmem>>[vector<16xi32>], vector<16xf32>,
        %parallel_loop3A_858 = arith.constant 80 : i32
        %parallel_loop3A_859 = arith.addi %parallel_loop3A_807, %parallel_loop3A_858 : i32
        %parallel_loop3A_860 = arith.index_cast %parallel_loop3A_859 : i32 to index
        %parallel_loop3A_861 = tpu.vector_load %arg19[%parallel_loop3A_860] {strides = array<i32>} : memref<4096xf32, #tpu.memory_space<vmem>>, vector<16xf32>,
        tpu.vector_store %arg19[%parallel_loop3A_860], %parallel_loop3A_857 {strides = array<i32>} : memref<4096xf32, #tpu.memory_space<vmem>>, vector<16xf32>,
        %parallel_loop3A_862 = arith.constant 3168 : i32
        %parallel_loop3A_863 = arith.addi %parallel_loop3A_862, %parallel_loop3A_762 : i32
        %parallel_loop3A_864 = vector.broadcast %parallel_loop3A_863 : i32 to vector<16xi32>
        %parallel_loop3A_865 = arith.addi %mul3A_3, %parallel_loop3A_864 : vector<16xi32>
        %parallel_loop3A_866 = tpu.vector_load_idx %arg15[%parallel_loop3A_865] : memref<4224xf32, #tpu.memory_space<vmem>>[vector<16xi32>], vector<16xf32>,
        %parallel_loop3A_867 = arith.constant 96 : i32
        %parallel_loop3A_868 = arith.addi %parallel_loop3A_807, %parallel_loop3A_867 : i32
        %parallel_loop3A_869 = arith.index_cast %parallel_loop3A_868 : i32 to index
        %parallel_loop3A_870 = tpu.vector_load %arg19[%parallel_loop3A_869] {strides = array<i32>} : memref<4096xf32, #tpu.memory_space<vmem>>, vector<16xf32>,
        tpu.vector_store %arg19[%parallel_loop3A_869], %parallel_loop3A_866 {strides = array<i32>} : memref<4096xf32, #tpu.memory_space<vmem>>, vector<16xf32>,
        %parallel_loop3A_871 = arith.constant 3696 : i32
        %parallel_loop3A_872 = arith.addi %parallel_loop3A_871, %parallel_loop3A_762 : i32
        %parallel_loop3A_873 = vector.broadcast %parallel_loop3A_872 : i32 to vector<16xi32>
        %parallel_loop3A_874 = arith.addi %mul3A_3, %parallel_loop3A_873 : vector<16xi32>
        %parallel_loop3A_875 = tpu.vector_load_idx %arg15[%parallel_loop3A_874] : memref<4224xf32, #tpu.memory_space<vmem>>[vector<16xi32>], vector<16xf32>,
        %parallel_loop3A_876 = arith.constant 112 : i32
        %parallel_loop3A_877 = arith.addi %parallel_loop3A_807, %parallel_loop3A_876 : i32
        %parallel_loop3A_878 = arith.index_cast %parallel_loop3A_877 : i32 to index
        %parallel_loop3A_879 = tpu.vector_load %arg19[%parallel_loop3A_878] {strides = array<i32>} : memref<4096xf32, #tpu.memory_space<vmem>>, vector<16xf32>,
        tpu.vector_store %arg19[%parallel_loop3A_878], %parallel_loop3A_875 {strides = array<i32>} : memref<4096xf32, #tpu.memory_space<vmem>>, vector<16xf32>,
      } {sc.loop_unroll_factor = 4 : i64, sc.parallel_access}
      %add3A_700 = arith.constant 1 : i32
      %add3A_701 = arith.addi %mul3A_567, %add3A_700 : i32
      %add3A_702 = arith.constant 1 : i32
      %add3A_703 = arith.addi %add3A_701, %add3A_702 : i32
      %mul3A_704 = arith.constant 131072 : i32
      %mul3A_705 = arith.muli %add3A_703, %mul3A_704 : i32
      %add3A_706 = arith.constant 0 : i32
      %add3A_707 = arith.addi %mul3A_705, %add3A_706 : i32
      %mul3A_708 = arith.constant 1024 : i32
      %mul3A_709 = arith.muli %add3A, %mul3A_708 : i32
      %add3A_710 = arith.addi %add3A_707, %mul3A_709 : i32
      %dma_start3A_711 = arith.constant 0 : i32
      %dma_start3A_712 = tpu.memref_slice %arg19[%dma_start3A_711] : memref<4096xf32, #tpu.memory_space<vmem>> -> memref<1024xf32, #tpu.memory_space<vmem>>
      %dma_start3A_713 = tpu.memref_slice %arg8[%add3A_710] : memref<26345472xf32, #tpu.memory_space<hbm>> -> memref<1024xf32, #tpu.memory_space<hbm>>
      %dma_start3A_714 = tpu.memref_slice %arg8[%add3A_710] : memref<26345472xf32, #tpu.memory_space<hbm>> -> memref<1024xf32, #tpu.memory_space<hbm>>
      %dma_start3A_715 = arith.constant 0 : i32
      %dma_start3A_716 = tpu.memref_slice %arg19[%dma_start3A_715] : memref<4096xf32, #tpu.memory_space<vmem>> -> memref<1024xf32, #tpu.memory_space<vmem>>
      tpu.enqueue_dma source(%dma_start3A_716 : memref<1024xf32, #tpu.memory_space<vmem>>) target(%dma_start3A_714 : memref<1024xf32, #tpu.memory_space<hbm>>) target_semaphore(%arg24 : memref<!tpu.dma_semaphore, #tpu.memory_space<semaphore_mem>>)
      %add3A_717 = arith.constant 1 : i32
      %add3A_718 = arith.addi %add3A_701, %add3A_717 : i32
      %mul3A_719 = arith.constant 131072 : i32
      %mul3A_720 = arith.muli %add3A_718, %mul3A_719 : i32
      %add3A_721 = arith.constant 32768 : i32
      %add3A_722 = arith.addi %mul3A_720, %add3A_721 : i32
      %mul3A_723 = arith.constant 1024 : i32
      %mul3A_724 = arith.muli %add3A, %mul3A_723 : i32
      %add3A_725 = arith.addi %add3A_722, %mul3A_724 : i32
      %dma_start3A_726 = arith.constant 1024 : i32
      %dma_start3A_727 = tpu.memref_slice %arg19[%dma_start3A_726] : memref<4096xf32, #tpu.memory_space<vmem>> -> memref<1024xf32, #tpu.memory_space<vmem>>
      %dma_start3A_728 = tpu.memref_slice %arg8[%add3A_725] : memref<26345472xf32, #tpu.memory_space<hbm>> -> memref<1024xf32, #tpu.memory_space<hbm>>
      %dma_start3A_729 = tpu.memref_slice %arg8[%add3A_725] : memref<26345472xf32, #tpu.memory_space<hbm>> -> memref<1024xf32, #tpu.memory_space<hbm>>
      %dma_start3A_730 = arith.constant 1024 : i32
      %dma_start3A_731 = tpu.memref_slice %arg19[%dma_start3A_730] : memref<4096xf32, #tpu.memory_space<vmem>> -> memref<1024xf32, #tpu.memory_space<vmem>>
      tpu.enqueue_dma source(%dma_start3A_731 : memref<1024xf32, #tpu.memory_space<vmem>>) target(%dma_start3A_729 : memref<1024xf32, #tpu.memory_space<hbm>>) target_semaphore(%arg24 : memref<!tpu.dma_semaphore, #tpu.memory_space<semaphore_mem>>)
      %add3A_732 = arith.constant 1 : i32
      %add3A_733 = arith.addi %add3A_701, %add3A_732 : i32
      %mul3A_734 = arith.constant 131072 : i32
      %mul3A_735 = arith.muli %add3A_733, %mul3A_734 : i32
      %add3A_736 = arith.constant 65536 : i32
      %add3A_737 = arith.addi %mul3A_735, %add3A_736 : i32
      %mul3A_738 = arith.constant 1024 : i32
      %mul3A_739 = arith.muli %add3A, %mul3A_738 : i32
      %add3A_740 = arith.addi %add3A_737, %mul3A_739 : i32
      %dma_start3A_741 = arith.constant 2048 : i32
      %dma_start3A_742 = tpu.memref_slice %arg19[%dma_start3A_741] : memref<4096xf32, #tpu.memory_space<vmem>> -> memref<1024xf32, #tpu.memory_space<vmem>>
      %dma_start3A_743 = tpu.memref_slice %arg8[%add3A_740] : memref<26345472xf32, #tpu.memory_space<hbm>> -> memref<1024xf32, #tpu.memory_space<hbm>>
      %dma_start3A_744 = tpu.memref_slice %arg8[%add3A_740] : memref<26345472xf32, #tpu.memory_space<hbm>> -> memref<1024xf32, #tpu.memory_space<hbm>>
      %dma_start3A_745 = arith.constant 2048 : i32
      %dma_start3A_746 = tpu.memref_slice %arg19[%dma_start3A_745] : memref<4096xf32, #tpu.memory_space<vmem>> -> memref<1024xf32, #tpu.memory_space<vmem>>
      tpu.enqueue_dma source(%dma_start3A_746 : memref<1024xf32, #tpu.memory_space<vmem>>) target(%dma_start3A_744 : memref<1024xf32, #tpu.memory_space<hbm>>) target_semaphore(%arg24 : memref<!tpu.dma_semaphore, #tpu.memory_space<semaphore_mem>>)
      %add3A_747 = arith.constant 1 : i32
      %add3A_748 = arith.addi %add3A_701, %add3A_747 : i32
      %mul3A_749 = arith.constant 131072 : i32
      %mul3A_750 = arith.muli %add3A_748, %mul3A_749 : i32
      %add3A_751 = arith.constant 98304 : i32
      %add3A_752 = arith.addi %mul3A_750, %add3A_751 : i32
      %mul3A_753 = arith.constant 1024 : i32
      %mul3A_754 = arith.muli %add3A, %mul3A_753 : i32
      %add3A_755 = arith.addi %add3A_752, %mul3A_754 : i32
      %dma_start3A_756 = arith.constant 3072 : i32
      %dma_start3A_757 = tpu.memref_slice %arg19[%dma_start3A_756] : memref<4096xf32, #tpu.memory_space<vmem>> -> memref<1024xf32, #tpu.memory_space<vmem>>
      %dma_start3A_758 = tpu.memref_slice %arg8[%add3A_755] : memref<26345472xf32, #tpu.memory_space<hbm>> -> memref<1024xf32, #tpu.memory_space<hbm>>
      %dma_start3A_759 = tpu.memref_slice %arg8[%add3A_755] : memref<26345472xf32, #tpu.memory_space<hbm>> -> memref<1024xf32, #tpu.memory_space<hbm>>
      %dma_start3A_760 = arith.constant 3072 : i32
      %dma_start3A_761 = tpu.memref_slice %arg19[%dma_start3A_760] : memref<4096xf32, #tpu.memory_space<vmem>> -> memref<1024xf32, #tpu.memory_space<vmem>>
      tpu.enqueue_dma source(%dma_start3A_761 : memref<1024xf32, #tpu.memory_space<vmem>>) target(%dma_start3A_759 : memref<1024xf32, #tpu.memory_space<hbm>>) target_semaphore(%arg24 : memref<!tpu.dma_semaphore, #tpu.memory_space<semaphore_mem>>)
    }
    %scan3A_556 = arith.constant 100 : i32
    %dma_wait3A_557 = arith.constant 0 : i32
    %dma_wait3A_558 = tpu.memref_slice %arg8[%dma_wait3A_557] : memref<26345472xf32, #tpu.memory_space<hbm>> -> memref<4096xf32, #tpu.memory_space<hbm>>
    %dma_wait3A_559 = arith.constant 0 : i32
    %dma_wait3A_560 = tpu.memref_slice %arg8[%dma_wait3A_559] : memref<26345472xf32, #tpu.memory_space<hbm>> -> memref<4096xf32, #tpu.memory_space<hbm>>
    tpu.wait_dma2 semaphore(%arg23 : memref<!tpu.dma_semaphore, #tpu.memory_space<semaphore_mem>>) src(%arg18 : memref<4096xf32, #tpu.memory_space<vmem>>) dst(%dma_wait3A_560 : memref<4096xf32, #tpu.memory_space<hbm>>)
    %dma_wait3A_561 = arith.constant 0 : i32
    %dma_wait3A_562 = tpu.memref_slice %arg8[%dma_wait3A_561] : memref<26345472xf32, #tpu.memory_space<hbm>> -> memref<4096xf32, #tpu.memory_space<hbm>>
    %dma_wait3A_563 = arith.constant 0 : i32
    %dma_wait3A_564 = tpu.memref_slice %arg8[%dma_wait3A_563] : memref<26345472xf32, #tpu.memory_space<hbm>> -> memref<4096xf32, #tpu.memory_space<hbm>>
    tpu.wait_dma2 semaphore(%arg24 : memref<!tpu.dma_semaphore, #tpu.memory_space<semaphore_mem>>) src(%arg19 : memref<4096xf32, #tpu.memory_space<vmem>>) dst(%dma_wait3A_564 : memref<4096xf32, #tpu.memory_space<hbm>>)
    return
  }
}

</mosaic_0001>

<sc_bundles>
// kernel: kernel.3.cloned.1.call-start
scs
__scs_entry_jumppad:
0x0: {  	(pc) =	sbr.rel $0x88, $3  }
0x1: {  	(tag) =	ssettag $0x0;
	lr =	simm.s32 $0x1  }
0x2: {  	[smem:$0x3F9B] =	sst lr;
	_ =	strace $0xD0000000  }
0x3: {  	_ = 	snop  }
0x4: {  	_ = 	snop  }
0x5: {  	_ = 	snop  }
0x6: {  	_ = 	snop  }
0x7: {  	_ = 	snop  }
__scs_overlays_trampoline_lowered:
0x8: {  	[smem:$0x3FAA] =	sst s0  }
0x9: {  	[smem:$0x3FAB] =	sst s1  }
0xa: {  	[smem:$0x3FAC] =	sst s2  }
0xb: {  	[smem:$0x3FAD] =	sst s3  }
0xc: {  	[smem:$0x3FAE] =	sst s4  }
0xd: {  	[smem:$0x3FAF] =	sst s5  }
0xe: {  	[smem:$0x3FB0] =	sst s6  }
0xf: {  	[smem:$0x3FB1] =	sst s7  }
0x10: {  	[smem:$0x3FB2] =	sst s8  }
0x11: {  	[smem:$0x3FB3] =	sst s9;
	s0 =	simm.s32 @!p0 $0x0  }
0x12: {  	s1 =	sld [smem:$0x3F99];
	s0 =	simm.s32 @p0 $0x1  }
0x13: {  	[smem:$0x3FB4] =	sst s0;
	s0 =	simm.s32 @!p1 $0x0  }
0x14: {  	s2 =	sld [smem:$0x3F98];
	s0 =	simm.s32 @p1 $0x1  }
0x15: {  	[smem:$0x3FB5] =	sst s0;
	s0 =	simm.s32 @!p2 $0x0  }
0x16: {  	s3 =	sld [smem:$0x3FDB];
	s0 =	simm.s32 @p2 $0x1  }
0x17: {  	s4 =	simm.s32 $0x1BF5;
	[smem:$0x3FB7] =	sst s0  }
0x18: {  	s0 =	sld [smem:$0x3F9A];
	_ =	swait.ge [sflag:s4], $0x0  }
0x19: {  	s7 =	sld [smem:$0x3F9B]  }
0x1a: {  	s8 =	sadd.s32 $0xFFFFE003, lr  }
0x1b: {  	s9 =	sadd.s32 $0xFFFFFEF7, lr;
	s5 =	simm.s32 $0xFFFFFFFF;
	p2 =	slt.u32 s8, $0xFFFFF086  }
0x1c: {  	p1 =	slt.u32 s9, $0xF7A;
	s5 =	simm.s32 @!p2 $0x0  }
0x1d: {  	s5 =	simm.s32 @p1 $0x1;
	p0 =	seq.s32 s7, s2  }
0x1e: {  	s7 =	smul.u32 @!p0 $0xF7A, s2;
	p2 =	seq.s32 @!p0 s5, $0x0  }
0x1f: {  	s9 =	smul.u32 $0xF7A, s1;
	s8 =	simm.s32 @!p0 $0x1BF5;
	p2 =	por !p2, p0  }
0x20: {  	[sflag:s8] =	ssyncset.s32 @!p0 $0xFFFFF086;
	s6 =	sadd.s32 @!p0 s3, s7;
	s7 =	simm.s32 @!p0 $0x108  }
0x21: {  	s3 =	sadd.s32 s3, s9;
	s6 =	sadd.s32 @!p0 $0x88, s6;
	s7 =	simm.s32 @p2 $0x1082  }
0x22: {  	[simem:s7], [sflag:s8] =	dma.local @!p0 [hbm:s6], $0xF7A  }
0x23: {  	s9 =	sor.u32 $0xD0000000, s2;
	s6 =	simm.s32 $0x108;
	_ =	swait.ge @!p0 [sflag:s8], $0x0  }
0x24: {  	s3 =	sadd.s32 $0x88, s3;
	s6 =	simm.s32 @!p1 $0x1082;
	[sflag:s4] =	ssyncset.s32 $0xFFFFF086  }
0x25: {  	[simem:s6], [sflag:s4] =	dma.local [hbm:s3], $0xF7A  }
0x26: {  	[smem:$0x3F9B] =	sst s1;
	(tag) =	ssettag s2;
	_ =	strace s9  }
0x27: {  	s1 =	sld [smem:$0x3FAB]  }
0x28: {  	s2 =	sld [smem:$0x3FAC]  }
0x29: {  	s4 =	sld [smem:$0x3FAE]  }
0x2a: {  	p0 =	seq.s32 s5, $0x0;
	s5 =	sld [smem:$0x3FAF]  }
0x2b: {  	s6 =	sld [smem:$0x3FB0]  }
0x2c: {  	s7 =	sld [smem:$0x3FB1]  }
0x2d: {  	s3 =	simm.s32 $0x108;
	s8 =	sld [smem:$0x3FB2]  }
0x2e: {  	s3 =	simm.s32 @!p0 $0x1082;
	s9 =	sld [smem:$0x3FB3]  }
0x2f: {  	lr =	sadd.s32 s0, s3;
	s0 =	sld [smem:$0x3FAA]  }
0x30: {  	s3 =	sld [smem:$0x3FAD]  }
0x31: {  	[smem:$0x3FB6] =	sst s10  }
0x32: {  	s10 =	sld [smem:$0x3FB4];
	_ =	sdelay $0x3  }
0x33: {  	p0 =	seq.s32 s10, $0x1;
	s10 =	sld [smem:$0x3FB6];
	_ =	sdelay $0x3  }
0x34: {  	[smem:$0x3FB6] =	sst s10  }
0x35: {  	s10 =	sld [smem:$0x3FB5];
	_ =	sdelay $0x3  }
0x36: {  	p1 =	seq.s32 s10, $0x1;
	s10 =	sld [smem:$0x3FB6];
	_ =	sdelay $0x3  }
0x37: {  	[smem:$0x3FB6] =	sst s10  }
0x38: {  	s10 =	sld [smem:$0x3FB7]  }
0x39: {  	_ = 	snop;
	(pc) =	sbr.ind lr, $3  }
0x3a: {  	_ = 	snop  }
0x3b: {  	_ = 	snop  }
0x3c: {  	p2 =	seq.s32 s10, $0x1;
	s10 =	sld [smem:$0x3FB6]  }
0x3d: {  	_ =	shalt  }
0x3e: {  	_ =	shalt  }
0x3f: {  	_ =	shalt  }
0x40: {  	_ =	shalt  }
0x41: {  	_ =	shalt  }
0x42: {  	_ =	shalt  }
0x43: {  	_ =	shalt  }
0x44: {  	_ =	shalt  }
0x45: {  	_ =	shalt  }
0x46: {  	_ =	shalt  }
0x47: {  	_ =	shalt  }
0x48: {  	_ =	shalt  }
0x49: {  	_ =	shalt  }
0x4a: {  	_ =	shalt  }
0x4b: {  	_ =	shalt  }
0x4c: {  	_ =	shalt  }
0x4d: {  	_ =	shalt  }
0x4e: {  	_ =	shalt  }
0x4f: {  	_ =	shalt  }
0x50: {  	_ =	shalt  }
0x51: {  	_ =	shalt  }
0x52: {  	_ =	shalt  }
0x53: {  	_ =	shalt  }
0x54: {  	_ =	shalt  }
0x55: {  	_ =	shalt  }
0x56: {  	_ =	shalt  }
0x57: {  	_ =	shalt  }
0x58: {  	_ =	shalt  }
0x59: {  	_ =	shalt  }
0x5a: {  	_ =	shalt  }
0x5b: {  	_ =	shalt  }
0x5c: {  	_ =	shalt  }
0x5d: {  	_ =	shalt  }
0x5e: {  	_ =	shalt  }
0x5f: {  	_ =	shalt  }
0x60: {  	_ =	shalt  }
0x61: {  	_ =	shalt  }
0x62: {  	_ =	shalt  }
0x63: {  	_ =	shalt  }
0x64: {  	_ =	shalt  }
0x65: {  	_ =	shalt  }
0x66: {  	_ =	shalt  }
0x67: {  	_ =	shalt  }
0x68: {  	_ =	shalt  }
0x69: {  	_ =	shalt  }
0x6a: {  	_ =	shalt  }
0x6b: {  	_ =	shalt  }
0x6c: {  	_ =	shalt  }
0x6d: {  	_ =	shalt  }
0x6e: {  	_ =	shalt  }
0x6f: {  	_ =	shalt  }
0x70: {  	_ =	shalt  }
0x71: {  	_ =	shalt  }
0x72: {  	_ =	shalt  }
0x73: {  	_ =	shalt  }
0x74: {  	_ =	shalt  }
0x75: {  	_ =	shalt  }
0x76: {  	_ =	shalt  }
0x77: {  	_ =	shalt  }
0x78: {  	_ =	shalt  }
0x79: {  	_ =	shalt  }
0x7a: {  	_ =	shalt  }
0x7b: {  	_ =	shalt  }
0x7c: {  	_ =	shalt  }
0x7d: {  	_ =	shalt  }
0x7e: {  	_ =	shalt  }
0x7f: {  	_ =	shalt  }
0x80: {  	_ =	shalt  }
0x81: {  	_ =	shalt  }
0x82: {  	_ =	shalt  }
0x83: {  	_ =	shalt  }
0x84: {  	_ =	shalt  }
0x85: {  	_ =	shalt  }
0x86: {  	_ =	shalt  }
0x87: {  	_ =	shalt  }
.Lfunc_end0:
.L_simem_size_0:
called_computation_lowered:
.L_overlay_start_0:
0x88: {  	s2 =	sld [smem:$0x3FD9]  }
0x89: {  	s3 =	sld [smem:$0x3FFE];
	_ =	sdelay $0x1  }
0x8a: {  	s1 =	srdreg.scid  }
0x8b: {  	s0 =	sand.u32 $0x1, s1  }
0x8c: {  	s17 =	sshll.u32 s0, $0xA;
	s2 =	sadd.s32 s3, s2  }
0x8d: {  	s2 =	sadd.s32 s2, s17  }
0x8e: {  	[smem:$0x3FC2] =	sst s2  }
0x8f: {  	_ = 	snop  }
0x90: {  	s2 =	sld [smem:$0x3FC9]  }
0x91: {  	s18 =	sld [smem:$0x3FC8]  }
0x92: {  	s4 =	sld [smem:$0x3FC4]  }
0x93: {  	s5 =	sld [smem:$0x3FD0];
	(tm) =	ssettm $0x1  }
0x94: {  	s6 =	sld [smem:$0x3FFB];
	_ =	sdelay $0x3  }
0x95: {  	_ =	strace s6  }
0x96: {  	s6 =	sld [smem:$0x3FFC];
	_ =	sdelay $0x3  }
0x97: {  	_ =	strace s6  }
0x98: {  	s6 =	sld [smem:$0x3FFD];
	_ =	sdelay $0x3  }
0x99: {  	_ =	strace s6  }
0x9a: {  	_ =	strace $0x8FFFFFFF  }
0x9b: {  	s19 =	sld [smem:$0x3FDB];
	_ =	sdelay $0x1  }
0x9c: {  	s7 =	simm.s32 $_scs_section_size  }
0x9d: {  	s8 =	simm.s32 $_size__tile_overlayer_lowered;
	s9 =	simm.s32 $_tile_overlayer_lowered  }
0x9e: {  	s22 =	simm.s32 $0x1BFF;
	s21 =	sshll.u32 s9, $0x1;
	s6 =	sadd.s32 s7, s19  }
0x9f: {  	s10 =	simm.s32 $0x0;
	s20 =	sshll.u32 s8, $0x1;
	s8 =	sadd.s32 s21, s6  }
0xa0: {  	[timem:s10], [sflag:s22] =	dma.local [hbm:s8], s20  }
0xa1: {  	_ =	swait.ge [sflag:s22], s20  }
0xa2: {  	s7 =	ssub.s32 $0x0, s20;
	[sflag:s22] =	ssyncset.done $0x0  }
0xa3: {  	[sflag:s22] =	ssyncadd.s32 s7;
	_ =	sdelay $0x1  }
0xa4: {  	s23 =	simm.s32 $0x1B8B  }
0xa5: {  	_ =	swait.ge [sflag:s23], $0x1  }
0xa6: {  	[sflag:s23] =	ssyncset.done $0x0  }
0xa7: {  	s25 =	simm.s32 $0x1B8E;
	s24 =	sld [smem:$0x3FFE];
	[sflag:s23] =	ssyncadd.s32 $0xFFFFFFFF  }
0xa8: {  	s26 =	simm.s32 $execute0_lowered;
	[smem:$0x3FD2] =	sst s25  }
0xa9: {  	s8 =	sshll.u32 s26, $0x1;
	_ =	strace $0x80000046;
	[dreg:$0x1] =	wrdreg $0xFFFFFFFF  }
0xaa: {  	s28 =	simm.s32 $_size_execute0_lowered;
	s6 =	sadd.s32 s6, s8;
	[dreg:$0x0] =	wrdreg $0x0  }
0xab: {  	s8 =	sshll.u32 s28, $0x1;
	[dreg:$0x2] =	wrdreg s6  }
0xac: {  	[dreg:$0x3] =	wrdreg s8  }
0xad: {  	[dreg:$0x4] =	wrdreg $0xC0  }
0xae: {  	_ =	task [dreg:s10], $0x5FFFF  }
0xaf: {  	[dreg:$0x1] =	wrdreg $0xFFFFFFFF  }
0xb0: {  	[dreg:$0x0] =	wrdreg $0x60  }
0xb1: {  	[dreg:$0x2] =	wrdreg s2  }
0xb2: {  	[dreg:$0x3] =	wrdreg s18  }
0xb3: {  	[dreg:$0x4] =	wrdreg s24  }
0xb4: {  	[dreg:$0x5] =	wrdreg s4  }
0xb5: {  	[dreg:$0x6] =	wrdreg s5  }
0xb6: {  	[dreg:$0x7] =	wrdreg $0x9  }
0xb7: {  	_ =	task.clear_ibuf [dreg:s10], $0x8FFFF;
	_ =	strace $0x90000046  }
0xb8: {  	s29 =	simm.s32 $0x9;
	_ =	strace $0x80000048  }
0xb9: {  	_ =	swait.ge [sflag:s29], $0x1  }
0xba: {  	[sflag:s29] =	ssyncadd.s32 $0xFFFFFFFF  }
0xbb: {  	_ =	strace $0x90000048  }
0xbc: {  	_ =	sfence  }
0xbd: {  	s30 =	sld [smem:$0x0];
	_ =	sdelay $0x2  }
0xbe: {  	s31 =	sshll.u32 s1, $0xD;
	s1 =	sshrl.u32 s1, $0x2  }
0xbf: {  	s3 =	sand.u32 $0x4000, s31;
	s1 =	sadd.s32 s1, s30  }
0xc0: {  	s0 =	sor.u32 s3, s0;
	s1 =	sshll.u32 s1, $0x11  }
0xc1: {  	s0 =	sor.u32 s1, s0  }
0xc2: {  	s0 =	sadd.s32 $0x8F2B, s0  }
0xc3: {  	[sflag:s0] =	ssyncadd.remote.s32 $0x1  }
0xc4: {  	_ =	sfence.sel $0xFFFF  }
0xc5: {  	[dreg:$0x0] =	wrdreg $0xFFFFFFFF;
	(pc) =	sbr.abs _section_cstart, $3  }
0xc6: {  	[dreg:$0x1] =	wrdreg $0xFFFFFFFF  }
0xc7: {  	_ =	task.clear_ibuf [dreg:s10], $0x2FFFF;
	_ =	strace $0x9FFFFFFF  }
0xc8: {  	(tm) =	ssettm $0x7FFFFFFF  }
0xc9: {  	_ =	shalt  }
tec
execute0_lowered:
.L_overlay_start_1:
0x0: {  	(tag) =	ssettag $0x1  }
0x1: {  	s1 =	rddreg [dreg:$0x0]  }
0x2: {  	s0 =	rddreg [dreg:$0x1]  }
0x3: {  	s2 =	rddreg [dreg:$0x2]  }
0x4: {  	s3 =	rddreg [dreg:$0x4];
	s5 =	srdreg.scid  }
0x5: {  	s4 =	simm.s32 $0x0;
	s6 =	stileid.u32;
	s5 =	sand.u32 $0x1, s5  }
0x6: {  	[smem:$0x7FF] =	sst s4;
	s6 =	sshll.u32 s6, $0xB;
	s7 =	sshll.u32 s5, $0xA  }
0x7: {  	s8 =	sadd.s32 $0x1400, s2;
	_ =	strace $0x80000047;
	s12 =	sor.u32 s7, s6  }
0x8: {  	[dreg:$0x6] =	wrdreg s8;
	s16 =	ssub.s32 $0x2, s5;
	s5 =	sshrl.u32 s12, $0x3  }
0x9: {  	s8 =	sadd.s32 $0x63800, s2;
	s7 =	sadd.s32 $0x1C00, s2;
	s9 =	sor.u32 $0x4000, s5  }
0xa: {  	s17 =	sshrl.u32 s16, $0x1;
	[dreg:$0x7] =	wrdreg s12;
	s18 =	sadd.s32 s1, s9  }
0xb: {  	s19 =	sor.u32 $0x5000, s5;
	s9 =	sadd.s32 s0, s9;
	[dreg:$0x8] =	wrdreg s18  }
0xc: {  	s2 =	ssub.s32 s16, s17;
	s20 =	sadd.s32 s1, s19;
	[dreg:$0x9] =	wrdreg s9  }
0xd: {  	s21 =	sor.u32 $0x6000, s5;
	s6 =	sadd.s32 s0, s19;
	[dreg:$0xa] =	wrdreg s20  }
0xe: {  	s23 =	sor.u32 $0x7000, s5;
	s22 =	sadd.s32 s1, s21;
	[dreg:$0xb] =	wrdreg s6  }
0xf: {  	s25 =	sor.u32 $0x8000, s5;
	s24 =	sadd.s32 s1, s23;
	[dreg:$0xc] =	wrdreg s22  }
0x10: {  	s31 =	sor.u32 $0x9000, s5;
	s26 =	sadd.s32 s1, s25;
	[dreg:$0xe] =	wrdreg s24  }
0x11: {  	s11 =	sor.u32 $0xA000, s5;
	s10 =	sadd.s32 s1, s31;
	[dreg:$0x10] =	wrdreg s26  }
0x12: {  	s14 =	sor.u32 $0xB000, s5;
	s13 =	sadd.s32 s1, s11;
	[dreg:$0x12] =	wrdreg s10  }
0x13: {  	s16 =	sor.u32 $0xC000, s5;
	s15 =	sadd.s32 s1, s14;
	[dreg:$0x14] =	wrdreg s13  }
0x14: {  	s17 =	sadd.s32 s1, s16;
	[dreg:$0x16] =	wrdreg s15  }
0x15: {  	s9 =	sadd.s32 s0, s21;
	[dreg:$0x18] =	wrdreg s17  }
0x16: {  	s6 =	sadd.s32 s0, s23;
	[dreg:$0xd] =	wrdreg s9  }
0x17: {  	[dreg:$0xf] =	wrdreg s6;
	s9 =	sadd.s32 s0, s25  }
0x18: {  	s18 =	sor.u32 $0xD000, s5;
	s6 =	sadd.s32 s0, s31;
	[dreg:$0x11] =	wrdreg s9  }
0x19: {  	s20 =	sor.u32 $0xE000, s5;
	s19 =	sadd.s32 s1, s18;
	[dreg:$0x13] =	wrdreg s6  }
0x1a: {  	s22 =	sor.u32 $0xF000, s5;
	s21 =	sadd.s32 s1, s20;
	[dreg:$0x1a] =	wrdreg s19  }
0x1b: {  	s24 =	sor.u32 $0x10000, s5;
	s23 =	sadd.s32 s1, s22;
	[dreg:$0x1c] =	wrdreg s21  }
0x1c: {  	s26 =	sor.u32 $0x11000, s5;
	s25 =	sadd.s32 s1, s24;
	[dreg:$0x1e] =	wrdreg s23  }
0x1d: {  	s31 =	sadd.s32 s1, s26;
	[smem:$0x7D8] =	sst s25  }
0x1e: {  	s9 =	sadd.s32 s0, s11;
	[smem:$0x7DA] =	sst s31  }
0x1f: {  	s10 =	sor.u32 $0x12000, s5;
	s6 =	sadd.s32 s0, s14;
	[dreg:$0x15] =	wrdreg s9  }
0x20: {  	s13 =	sor.u32 $0x13000, s5;
	s11 =	sadd.s32 s1, s10;
	[dreg:$0x17] =	wrdreg s6  }
0x21: {  	s14 =	sadd.s32 s1, s13;
	[smem:$0x7DC] =	sst s11  }
0x22: {  	s23 =	sadd.s32 s1, s5;
	[smem:$0x7DE] =	sst s14  }
0x23: {  	s9 =	sadd.s32 s0, s16;
	[smem:$0x7E8] =	sst s23  }
0x24: {  	s15 =	sor.u32 $0x14000, s5;
	s6 =	sadd.s32 s0, s18;
	[dreg:$0x19] =	wrdreg s9  }
0x25: {  	s17 =	sor.u32 $0x15000, s5;
	s16 =	sadd.s32 s1, s15;
	[dreg:$0x1b] =	wrdreg s6  }
0x26: {  	s18 =	sadd.s32 s1, s17;
	[smem:$0x7E0] =	sst s16  }
0x27: {  	s23 =	sor.u32 $0x50000, s12;
	[smem:$0x7E2] =	sst s18  }
0x28: {  	s9 =	sadd.s32 s0, s20;
	[smem:$0x7F9] =	sst s23  }
0x29: {  	s19 =	sor.u32 $0x16000, s5;
	s6 =	sadd.s32 s0, s22;
	[dreg:$0x1d] =	wrdreg s9  }
0x2a: {  	s20 =	sadd.s32 s1, s19;
	[dreg:$0x1f] =	wrdreg s6  }
0x2b: {  	s25 =	sor.u32 $0x2000, s5;
	s16 =	sadd.s32 s3, s5;
	[smem:$0x7E4] =	sst s20  }
0x2c: {  	s18 =	sadd.s32 s3, s25;
	[smem:$0x7F2] =	sst s16  }
0x2d: {  	s9 =	sadd.s32 s0, s24;
	[smem:$0x7F4] =	sst s18  }
0x2e: {  	s22 =	sor.u32 $0x1000, s5;
	s6 =	sadd.s32 s0, s26;
	[smem:$0x7D9] =	sst s9  }
0x2f: {  	s24 =	sadd.s32 s1, s22;
	[smem:$0x7DB] =	sst s6  }
0x30: {  	s14 =	sadd.s32 s0, s22;
	[smem:$0x7E9] =	sst s24  }
0x31: {  	s20 =	smax.u32 s2, $0x1;
	[smem:$0x7EF] =	sst s14  }
0x32: {  	s9 =	sadd.s32 s0, s10;
	[smem:$0x7F6] =	sst s20  }
0x33: {  	s21 =	sor.u32 $0x17000, s5;
	s6 =	sadd.s32 s0, s13;
	[smem:$0x7DD] =	sst s9  }
0x34: {  	s10 =	sadd.s32 s1, s21;
	[smem:$0x7DF] =	sst s6  }
0x35: {  	s26 =	sor.u32 $0x3000, s5;
	s13 =	sadd.s32 s1, s25;
	[smem:$0x7E6] =	sst s10  }
0x36: {  	s11 =	sor.u32 $0x18000, s5;
	s31 =	sadd.s32 s1, s26;
	[smem:$0x7EA] =	sst s13  }
0x37: {  	s1 =	sadd.s32 s1, s11;
	[smem:$0x7EB] =	sst s31  }
0x38: {  	s11 =	sadd.s32 s0, s11;
	[smem:$0x7EC] =	sst s1  }
0x39: {  	s24 =	sor.u32 $0x58000, s12;
	[smem:$0x7ED] =	sst s11  }
0x3a: {  	s9 =	sadd.s32 s0, s15;
	[smem:$0x7FA] =	sst s24  }
0x3b: {  	s6 =	sadd.s32 s0, s17;
	[smem:$0x7E1] =	sst s9  }
0x3c: {  	s13 =	sadd.s32 s0, s5;
	[smem:$0x7E3] =	sst s6  }
0x3d: {  	s15 =	sadd.s32 s0, s25;
	[smem:$0x7EE] =	sst s13  }
0x3e: {  	s17 =	sadd.s32 s3, s22;
	[smem:$0x7F0] =	sst s15  }
0x3f: {  	s22 =	sor.u32 $0x48000, s12;
	[smem:$0x7F3] =	sst s17  }
0x40: {  	s25 =	sadd.s32 $0x1000, s3;
	[smem:$0x7F8] =	sst s22  }
0x41: {  	s31 =	sadd.s32 $0x3000, s3;
	[smem:$0x7FB] =	sst s25  }
0x42: {  	s9 =	sadd.s32 s0, s19;
	[smem:$0x7FD] =	sst s31  }
0x43: {  	s28 =	simm.s32 $0x2;
	s6 =	sadd.s32 s0, s21;
	[smem:$0x7E5] =	sst s9  }
0x44: {  	s29 =	simm.s32 $0x10800;
	s0 =	sadd.s32 s0, s26;
	[smem:$0x7E7] =	sst s6  }
0x45: {  	s30 =	simm.s32 $0x3;
	s19 =	sadd.s32 s3, s26;
	[smem:$0x7F1] =	sst s0  }
0x46: {  	v0 =	vlaneseq.u32;
	s2 =	simm.s32 $0x6400;
	s21 =	sor.u32 $0x40000, s12;
	[smem:$0x7F5] =	sst s19  }
0x47: {  	v0 =	vmul.u32 $0x21, v0;
	s20 =	simm.s32 $0x13180;
	s26 =	sadd.s32 $0x2000, s3;
	[smem:$0x7F7] =	sst s21  }
0x48: {  	s5 =	simm.s32 $0x6;
	[smem:$0x7FC] =	sst s26;
	s6 =	simm.s32 $0x0  }
.LBB2_1:
0x49: {  	s0 =	sld [smem:$0x7E8];
	_ =	sdelay $0x1  }
0x4a: {  	s26 =	sld [smem:$0x7EE]  }
0x4b: {  	[tilespmem:s4], [sflag:$0x1] =	stream.linear.gather [hbm4b:s0+s4], $0x400, $0x38;
	[tilespmem:$0x151A0] =	vst v63  }
0x4c: {  	s31 =	sld [smem:$0x7E9]  }
0x4d: {  	[tilespmem:s2], [sflag:$0x1] =	stream.linear.gather [hbm4b:s26+s4], $0x400, $0x38;
	[tilespmem:$0x151A0] =	vst v63  }
0x4e: {  	s1 =	simm.s32 $0x400  }
0x4f: {  	[tilespmem:s1], [sflag:$0x1] =	stream.linear.gather [hbm4b:s31+s4], $0x400, $0x38;
	[tilespmem:$0x151A0] =	vst v63  }
0x50: {  	s1 =	sld [smem:$0x7EF]  }
0x51: {  	[smem:$0x7D7] =	sst s6  }
0x52: {  	s6 =	simm.s32 $0x6800;
	s9 =	sld [smem:$0x7EA]  }
0x53: {  	[tilespmem:s6], [sflag:$0x1] =	stream.linear.gather [hbm4b:s1+s4], $0x400, $0x38;
	[tilespmem:$0x151A0] =	vst v63  }
0x54: {  	s10 =	simm.s32 $0x800;
	s11 =	sld [smem:$0x7F0]  }
0x55: {  	[tilespmem:s10], [sflag:$0x1] =	stream.linear.gather [hbm4b:s9+s4], $0x400, $0x38;
	[tilespmem:$0x151A0] =	vst v63  }
0x56: {  	s12 =	simm.s32 $0x6C00;
	s13 =	sld [smem:$0x7EB]  }
0x57: {  	[tilespmem:s12], [sflag:$0x1] =	stream.linear.gather [hbm4b:s11+s4], $0x400, $0x38;
	[tilespmem:$0x151A0] =	vst v63  }
0x58: {  	s14 =	simm.s32 $0xC00;
	s15 =	sld [smem:$0x7F1]  }
0x59: {  	[tilespmem:s14], [sflag:$0x1] =	stream.linear.gather [hbm4b:s13+s4], $0x400, $0x38;
	[tilespmem:$0x151A0] =	vst v63  }
0x5a: {  	s16 =	simm.s32 $0x7000;
	s17 =	rddreg [dreg:$0x8]  }
0x5b: {  	[tilespmem:s16], [sflag:$0x1] =	stream.linear.gather [hbm4b:s15+s4], $0x400, $0x38;
	[tilespmem:$0x151A0] =	vst v63  }
0x5c: {  	s18 =	simm.s32 $0x1000;
	s19 =	rddreg [dreg:$0x9]  }
0x5d: {  	[tilespmem:s18], [sflag:$0x1] =	stream.linear.gather [hbm4b:s17+s4], $0x400, $0x38;
	[tilespmem:$0x151A0] =	vst v63  }
0x5e: {  	s21 =	simm.s32 $0x7400;
	s22 =	rddreg [dreg:$0xa]  }
0x5f: {  	[tilespmem:s21], [sflag:$0x1] =	stream.linear.gather [hbm4b:s19+s4], $0x400, $0x38;
	[tilespmem:$0x151A0] =	vst v63  }
0x60: {  	s23 =	simm.s32 $0x1400;
	s24 =	rddreg [dreg:$0xb]  }
0x61: {  	[tilespmem:s23], [sflag:$0x1] =	stream.linear.gather [hbm4b:s22+s4], $0x400, $0x38;
	[tilespmem:$0x151A0] =	vst v63  }
0x62: {  	s25 =	simm.s32 $0x7800;
	s26 =	rddreg [dreg:$0xc]  }
0x63: {  	[tilespmem:s25], [sflag:$0x1] =	stream.linear.gather [hbm4b:s24+s4], $0x400, $0x38;
	[tilespmem:$0x151A0] =	vst v63  }
0x64: {  	s31 =	simm.s32 $0x1800;
	s1 =	rddreg [dreg:$0xd]  }
0x65: {  	[tilespmem:s31], [sflag:$0x1] =	stream.linear.gather [hbm4b:s26+s4], $0x400, $0x38;
	[tilespmem:$0x151A0] =	vst v63  }
0x66: {  	s6 =	simm.s32 $0x7C00;
	s9 =	rddreg [dreg:$0xe]  }
0x67: {  	[tilespmem:s6], [sflag:$0x1] =	stream.linear.gather [hbm4b:s1+s4], $0x400, $0x38;
	[tilespmem:$0x151A0] =	vst v63  }
0x68: {  	s10 =	simm.s32 $0x1C00;
	s11 =	rddreg [dreg:$0xf]  }
0x69: {  	[tilespmem:s10], [sflag:$0x1] =	stream.linear.gather [hbm4b:s9+s4], $0x400, $0x38;
	[tilespmem:$0x151A0] =	vst v63  }
0x6a: {  	s12 =	simm.s32 $0x8000;
	s13 =	rddreg [dreg:$0x10]  }
0x6b: {  	[tilespmem:s12], [sflag:$0x1] =	stream.linear.gather [hbm4b:s11+s4], $0x400, $0x38;
	[tilespmem:$0x151A0] =	vst v63  }
0x6c: {  	s14 =	simm.s32 $0x2000;
	s15 =	rddreg [dreg:$0x11]  }
0x6d: {  	[tilespmem:s14], [sflag:$0x1] =	stream.linear.gather [hbm4b:s13+s4], $0x400, $0x38;
	[tilespmem:$0x151A0] =	vst v63  }
0x6e: {  	s16 =	simm.s32 $0x8400;
	s17 =	rddreg [dreg:$0x12]  }
0x6f: {  	[tilespmem:s16], [sflag:$0x1] =	stream.linear.gather [hbm4b:s15+s4], $0x400, $0x38;
	[tilespmem:$0x151A0] =	vst v63  }
0x70: {  	s18 =	simm.s32 $0x2400;
	s19 =	rddreg [dreg:$0x13]  }
0x71: {  	[tilespmem:s18], [sflag:$0x1] =	stream.linear.gather [hbm4b:s17+s4], $0x400, $0x38;
	[tilespmem:$0x151A0] =	vst v63  }
0x72: {  	s21 =	simm.s32 $0x8800;
	s22 =	rddreg [dreg:$0x14]  }
0x73: {  	[tilespmem:s21], [sflag:$0x1] =	stream.linear.gather [hbm4b:s19+s4], $0x400, $0x38;
	[tilespmem:$0x151A0] =	vst v63  }
0x74: {  	s23 =	simm.s32 $0x2800;
	s24 =	rddreg [dreg:$0x15]  }
0x75: {  	[tilespmem:s23], [sflag:$0x1] =	stream.linear.gather [hbm4b:s22+s4], $0x400, $0x38;
	[tilespmem:$0x151A0] =	vst v63  }
0x76: {  	s25 =	simm.s32 $0x8C00;
	s26 =	rddreg [dreg:$0x16]  }
0x77: {  	[tilespmem:s25], [sflag:$0x1] =	stream.linear.gather [hbm4b:s24+s4], $0x400, $0x38;
	[tilespmem:$0x151A0] =	vst v63  }
0x78: {  	s31 =	simm.s32 $0x2C00;
	s1 =	rddreg [dreg:$0x17]  }
0x79: {  	[tilespmem:s31], [sflag:$0x1] =	stream.linear.gather [hbm4b:s26+s4], $0x400, $0x38;
	[tilespmem:$0x151A0] =	vst v63  }
0x7a: {  	s6 =	simm.s32 $0x9000;
	s9 =	rddreg [dreg:$0x18]  }
0x7b: {  	[tilespmem:s6], [sflag:$0x1] =	stream.linear.gather [hbm4b:s1+s4], $0x400, $0x38;
	[tilespmem:$0x151A0] =	vst v63  }
0x7c: {  	s10 =	simm.s32 $0x3000;
	s11 =	rddreg [dreg:$0x19]  }
0x7d: {  	[tilespmem:s10], [sflag:$0x1] =	stream.linear.gather [hbm4b:s9+s4], $0x400, $0x38;
	[tilespmem:$0x151A0] =	vst v63  }
0x7e: {  	s12 =	simm.s32 $0x9400;
	s13 =	rddreg [dreg:$0x1a]  }
0x7f: {  	[tilespmem:s12], [sflag:$0x1] =	stream.linear.gather [hbm4b:s11+s4], $0x400, $0x38;
	[tilespmem:$0x151A0] =	vst v63  }
0x80: {  	s14 =	simm.s32 $0x3400;
	s15 =	rddreg [dreg:$0x1b]  }
0x81: {  	[tilespmem:s14], [sflag:$0x1] =	stream.linear.gather [hbm4b:s13+s4], $0x400, $0x38;
	[tilespmem:$0x151A0] =	vst v63  }
0x82: {  	s16 =	simm.s32 $0x9800;
	s17 =	rddreg [dreg:$0x1c]  }
0x83: {  	[tilespmem:s16], [sflag:$0x1] =	stream.linear.gather [hbm4b:s15+s4], $0x400, $0x38;
	[tilespmem:$0x151A0] =	vst v63  }
0x84: {  	s18 =	simm.s32 $0x3800;
	s19 =	rddreg [dreg:$0x1d]  }
0x85: {  	[tilespmem:s18], [sflag:$0x1] =	stream.linear.gather [hbm4b:s17+s4], $0x400, $0x38;
	[tilespmem:$0x151A0] =	vst v63  }
0x86: {  	s21 =	simm.s32 $0x9C00;
	s22 =	rddreg [dreg:$0x1e]  }
0x87: {  	[tilespmem:s21], [sflag:$0x1] =	stream.linear.gather [hbm4b:s19+s4], $0x400, $0x38;
	[tilespmem:$0x151A0] =	vst v63  }
0x88: {  	s23 =	simm.s32 $0x3C00;
	s24 =	rddreg [dreg:$0x1f]  }
0x89: {  	[tilespmem:s23], [sflag:$0x1] =	stream.linear.gather [hbm4b:s22+s4], $0x400, $0x38;
	[tilespmem:$0x151A0] =	vst v63  }
0x8a: {  	s25 =	simm.s32 $0xA000;
	s26 =	sld [smem:$0x7D8]  }
0x8b: {  	[tilespmem:s25], [sflag:$0x1] =	stream.linear.gather [hbm4b:s24+s4], $0x400, $0x38;
	[tilespmem:$0x151A0] =	vst v63  }
0x8c: {  	s31 =	simm.s32 $0x4000;
	s1 =	sld [smem:$0x7D9]  }
0x8d: {  	[tilespmem:s31], [sflag:$0x1] =	stream.linear.gather [hbm4b:s26+s4], $0x400, $0x38;
	[tilespmem:$0x151A0] =	vst v63  }
0x8e: {  	s6 =	simm.s32 $0xA400;
	s9 =	sld [smem:$0x7DA]  }
0x8f: {  	[tilespmem:s6], [sflag:$0x1] =	stream.linear.gather [hbm4b:s1+s4], $0x400, $0x38;
	[tilespmem:$0x151A0] =	vst v63  }
0x90: {  	s10 =	simm.s32 $0x4400;
	s11 =	sld [smem:$0x7DB]  }
0x91: {  	[tilespmem:s10], [sflag:$0x1] =	stream.linear.gather [hbm4b:s9+s4], $0x400, $0x38;
	[tilespmem:$0x151A0] =	vst v63  }
0x92: {  	s12 =	simm.s32 $0xA800;
	s13 =	sld [smem:$0x7DC]  }
0x93: {  	[tilespmem:s12], [sflag:$0x1] =	stream.linear.gather [hbm4b:s11+s4], $0x400, $0x38;
	[tilespmem:$0x151A0] =	vst v63  }
0x94: {  	s14 =	simm.s32 $0x4800;
	s15 =	sld [smem:$0x7DD]  }
0x95: {  	[tilespmem:s14], [sflag:$0x1] =	stream.linear.gather [hbm4b:s13+s4], $0x400, $0x38;
	[tilespmem:$0x151A0] =	vst v63  }
0x96: {  	s16 =	simm.s32 $0xAC00;
	s17 =	sld [smem:$0x7DE]  }
0x97: {  	[tilespmem:s16], [sflag:$0x1] =	stream.linear.gather [hbm4b:s15+s4], $0x400, $0x38;
	[tilespmem:$0x151A0] =	vst v63  }
0x98: {  	s18 =	simm.s32 $0x4C00;
	s19 =	sld [smem:$0x7DF]  }
0x99: {  	[tilespmem:s18], [sflag:$0x1] =	stream.linear.gather [hbm4b:s17+s4], $0x400, $0x38;
	[tilespmem:$0x151A0] =	vst v63  }
0x9a: {  	s21 =	simm.s32 $0xB000;
	s22 =	sld [smem:$0x7E0]  }
0x9b: {  	[tilespmem:s21], [sflag:$0x1] =	stream.linear.gather [hbm4b:s19+s4], $0x400, $0x38;
	[tilespmem:$0x151A0] =	vst v63  }
0x9c: {  	s23 =	simm.s32 $0x5000;
	s24 =	sld [smem:$0x7E1]  }
0x9d: {  	[tilespmem:s23], [sflag:$0x1] =	stream.linear.gather [hbm4b:s22+s4], $0x400, $0x38;
	[tilespmem:$0x151A0] =	vst v63  }
0x9e: {  	s25 =	simm.s32 $0xB400;
	s26 =	sld [smem:$0x7E2]  }
0x9f: {  	[tilespmem:s25], [sflag:$0x1] =	stream.linear.gather [hbm4b:s24+s4], $0x400, $0x38;
	[tilespmem:$0x151A0] =	vst v63  }
0xa0: {  	s31 =	simm.s32 $0x5400;
	s6 =	sld [smem:$0x7E3]  }
0xa1: {  	[tilespmem:s31], [sflag:$0x1] =	stream.linear.gather [hbm4b:s26+s4], $0x400, $0x38;
	[tilespmem:$0x151A0] =	vst v63  }
0xa2: {  	s9 =	simm.s32 $0xB800;
	s10 =	sld [smem:$0x7E4]  }
0xa3: {  	[tilespmem:s9], [sflag:$0x1] =	stream.linear.gather [hbm4b:s6+s4], $0x400, $0x38;
	[tilespmem:$0x151A0] =	vst v63  }
0xa4: {  	s11 =	simm.s32 $0x5800;
	s12 =	sld [smem:$0x7E5]  }
0xa5: {  	[tilespmem:s11], [sflag:$0x1] =	stream.linear.gather [hbm4b:s10+s4], $0x400, $0x38;
	[tilespmem:$0x151A0] =	vst v63  }
0xa6: {  	s13 =	simm.s32 $0xBC00;
	s14 =	sld [smem:$0x7E6]  }
0xa7: {  	[tilespmem:s13], [sflag:$0x1] =	stream.linear.gather [hbm4b:s12+s4], $0x400, $0x38;
	[tilespmem:$0x151A0] =	vst v63  }
0xa8: {  	s15 =	simm.s32 $0x5C00;
	s16 =	sld [smem:$0x7E7]  }
0xa9: {  	[tilespmem:s15], [sflag:$0x1] =	stream.linear.gather [hbm4b:s14+s4], $0x400, $0x38;
	[tilespmem:$0x151A0] =	vst v63  }
0xaa: {  	s17 =	simm.s32 $0xC000;
	s18 =	sld [smem:$0x7EC]  }
0xab: {  	[tilespmem:s17], [sflag:$0x1] =	stream.linear.gather [hbm4b:s16+s4], $0x400, $0x38;
	[tilespmem:$0x151A0] =	vst v63  }
0xac: {  	s19 =	simm.s32 $0x6000;
	s21 =	sld [smem:$0x7ED]  }
0xad: {  	[tilespmem:s19], [sflag:$0x1] =	stream.linear.gather [hbm4b:s18+s4], $0x400, $0x38;
	[tilespmem:$0x151A0] =	vst v63  }
0xae: {  	s22 =	simm.s32 $0xC400  }
0xaf: {  	[tilespmem:s22], [sflag:$0x1] =	stream.linear.gather [hbm4b:s21+s4], $0x400, $0x38;
	[tilespmem:$0x151A0] =	vst v63  }
0xb0: {  	s23 =	rddreg [dreg:$0x6];
	s24 =	simm.s32 $0x11880  }
0xb1: {  	[tilespmem:s24], [sflag:$0x6] =	stream.linear.gather [hbm4b:s23+s4], $0x1900, $0x38;
	[tilespmem:$0x151A0] =	vst v63  }
0xb2: {  	_ =	swait.ge [sflag:s5], $0x1900  }
0xb3: {  	[sflag:s5] =	ssyncset.done $0x0  }
0xb4: {  	[sflag:s5] =	ssyncadd.s32 $0xFFFFE700  }
0xb5: {  	s25 =	rddreg [dreg:$0x3]  }
0xb6: {  	[tilespmem:s20], [sflag:$0x6] =	stream.linear.gather [hbm4b:s25+s4], $0x20, $0x38;
	[tilespmem:$0x151A0] =	vst v63  }
0xb7: {  	_ =	swait.ge [sflag:s5], $0x20  }
0xb8: {  	[sflag:s5] =	ssyncset.done $0x0  }
0xb9: {  	s26 =	simm.s32 $0x1;
	[sflag:s5] =	ssyncadd.s32 $0xFFFFFFE0  }
0xba: {  	_ =	swait.ge [sflag:s26], $0x6400  }
0xbb: {  	v1 =	vmov s4;
	[sflag:s26] =	ssyncset.done $0x0  }
0xbc: {  	[sflag:s26] =	ssyncadd.s32 $0xFFFF9C00  }
0xbd: {  	_ =	swait.ge [sflag:s26], $0x6400  }
0xbe: {  	[sflag:s26] =	ssyncset.done $0x0  }
0xbf: {  	[sflag:s26] =	ssyncadd.s32 $0xFFFF9C00  }
0xc0: {  	v1 =	vld.idx.msk [tilespmem:v1+s20+$0x0], $0xffff;
	_ =	sdelay $0x3  }
0xc1: {  	s0 =	simm.s32 $0x131E0  }
0xc2: {  	[tilespmem:s0+$0xFFFFFFC0] =	vst v1  }
0xc3: {  	[tilespmem:s0+$0xFFFFFFD0] =	vst v1  }
0xc4: {  	s31 =	simm.s32 $0x1;
	[tilespmem:s0+$0xFFFFFFE0] =	vst v1  }
0xc5: {  	s1 =	simm.s32 $0x2;
	v2 =	vmov s31;
	[tilespmem:s0+$0xFFFFFFF0] =	vst v1  }
.LBB2_2:
0xc6: {  	p0 =	sne.s32 s1, $0x1F;
	[tilespmem:s0+$0x0] =	vst v1  }
0xc7: {  	[tilespmem:s0+$0x10] =	vst v1  }
0xc8: {  	[tilespmem:s0+$0x20] =	vst v1  }
0xc9: {  	[tilespmem:s0+$0x30] =	vst v1  }
0xca: {  	v1 =	vld.idx.msk [tilespmem:v2+s20+$0x0], $0xffff;
	_ =	sdelay $0x4  }
.Ltmp0:
0xcb: {  	s0 =	sadd.s32 $0x80, s0;
	(pc) =	sbr.rel @p0 .LBB2_2-.Ltmp0, $4  }
0xcc: {  	[tilespmem:s0+$0xFFFFFFC0] =	vst v1  }
0xcd: {  	[tilespmem:s0+$0xFFFFFFD0] =	vst v1  }
0xce: {  	[tilespmem:s0+$0xFFFFFFE0] =	vst v1  }
0xcf: {  	v2 =	vmov s1;
	s1 =	sadd.s32 $0x1, s1;
	[tilespmem:s0+$0xFFFFFFF0] =	vst v1  }
0xd0: {  	[tilespmem:s0+$0x0] =	vst v1  }
0xd1: {  	[tilespmem:s0+$0x10] =	vst v1  }
0xd2: {  	[tilespmem:s0+$0x20] =	vst v1  }
0xd3: {  	[tilespmem:s0+$0x30] =	vst v1  }
0xd4: {  	v1 =	vld.idx.msk [tilespmem:v2+s20+$0x0], $0xffff;
	_ =	sdelay $0x3  }
0xd5: {  	s13 =	sadd.s32 $0x80, s0  }
0xd6: {  	[tilespmem:s13+$0xFFFFFFC0] =	vst v1  }
0xd7: {  	[tilespmem:s13+$0xFFFFFFD0] =	vst v1  }
0xd8: {  	[tilespmem:s13+$0xFFFFFFE0] =	vst v1  }
0xd9: {  	[tilespmem:s13+$0xFFFFFFF0] =	vst v1  }
0xda: {  	[tilespmem:s13+$0x0] =	vst v1  }
0xdb: {  	s14 =	sld [smem:$0x7F2];
	[tilespmem:s13+$0x10] =	vst v1  }
0xdc: {  	[tilespmem:s13+$0x20] =	vst v1  }
0xdd: {  	s11 =	simm.s32 $0x0;
	s1 =	simm.s32 $0x131A0;
	[tilespmem:s13+$0x30] =	vst v1  }
0xde: {  	[hbm4b:s14+s11] =	stream.linear.scatter [tilespmem:s1], [sflag:$0x6], $0x400, $0x38;
	[tilespmem:$0x151A0] =	vst v63  }
0xdf: {  	_ =	swait.ge [sflag:s5], $0x400  }
0xe0: {  	s15 =	sld [smem:$0x7F3]  }
0xe1: {  	[sflag:s5] =	ssyncset.done $0x0  }
0xe2: {  	s16 =	simm.s32 $0x135A0;
	[sflag:s5] =	ssyncadd.s32 $0xFFFFFC00  }
0xe3: {  	[hbm4b:s15+s11] =	stream.linear.scatter [tilespmem:s16], [sflag:$0x6], $0x400, $0x38;
	[tilespmem:$0x151A0] =	vst v63  }
0xe4: {  	_ =	swait.ge [sflag:s5], $0x400  }
0xe5: {  	s17 =	sld [smem:$0x7F4]  }
0xe6: {  	[sflag:s5] =	ssyncset.done $0x0  }
0xe7: {  	s18 =	simm.s32 $0x139A0;
	[sflag:s5] =	ssyncadd.s32 $0xFFFFFC00  }
0xe8: {  	[hbm4b:s17+s11] =	stream.linear.scatter [tilespmem:s18], [sflag:$0x6], $0x400, $0x38;
	[tilespmem:$0x151A0] =	vst v63  }
0xe9: {  	_ =	swait.ge [sflag:s5], $0x400  }
0xea: {  	s19 =	sld [smem:$0x7F5]  }
0xeb: {  	[sflag:s5] =	ssyncset.done $0x0  }
0xec: {  	s21 =	simm.s32 $0x13DA0;
	[sflag:s5] =	ssyncadd.s32 $0xFFFFFC00  }
0xed: {  	[hbm4b:s19+s11] =	stream.linear.scatter [tilespmem:s21], [sflag:$0x6], $0x400, $0x38;
	[tilespmem:$0x151A0] =	vst v63  }
0xee: {  	_ =	swait.ge [sflag:s5], $0x400  }
0xef: {  	[sflag:s5] =	ssyncset.done $0x0  }
0xf0: {  	s22 =	simm.s32 $0x80;
	s23 =	simm.s32 $0xC800;
	[sflag:s5] =	ssyncadd.s32 $0xFFFFFC00  }
0xf1: {  	[tilespmem:s23], [sflag:$0x2] =	stream.indirect.gather [hbm4b:s7+s22], $0x20, s11, s22, $0xb8;
	[tilespmem:$0x151A0] =	vst v63  }
0xf2: {  	s24 =	simm.s32 $0xD800  }
0xf3: {  	[tilespmem:s24], [sflag:$0x2] =	stream.indirect.gather [hbm4b:s8+s22], $0x20, s2, s22, $0xb8;
	[tilespmem:$0x151A0] =	vst v63  }
0xf4: {  	s25 =	simm.s32 $0xE800  }
0xf5: {  	[tilespmem:s25], [sflag:$0x3] =	stream.indirect.gather [hbm4b:s7+s22], $0x20, s22, s22, $0xb8;
	[tilespmem:$0x151A0] =	vst v63  }
0xf6: {  	s26 =	simm.s32 $0x6480;
	s31 =	simm.s32 $0xF800  }
0xf7: {  	[tilespmem:s31], [sflag:$0x3] =	stream.indirect.gather [hbm4b:s8+s22], $0x20, s26, s22, $0xb8;
	[tilespmem:$0x151A0] =	vst v63  }
.LBB2_4:
0xf8: {  	_ =	swait.ge [sflag:s28], $0x1000  }
0xf9: {  	[sflag:s28] =	ssyncset.done $0x0  }
0xfa: {  	[sflag:s28] =	ssyncadd.s32 $0xFFFFF000  }
0xfb: {  	_ =	swait.ge [sflag:s28], $0x1000  }
0xfc: {  	p1 =	seq.s32 s11, $0x0;
	[sflag:s28] =	ssyncset.done $0x0  }
0xfd: {  	s0 =	simm.s32 @!p1 $0x4;
	[sflag:s28] =	ssyncadd.s32 $0xFFFFF000  }
0xfe: {  	_ =	swait.ge @!p1 [sflag:s0], $0x1000  }
0xff: {  	s5 =	sshll.u32 s11, $0x8;
	[sflag:s0] =	ssyncset.done @!p1 $0x0  }
0x100: {  	s31 =	sshrl.u32 s5, $0x2;
	[sflag:s0] =	ssyncadd.s32 @!p1 $0xFFFFF000  }
0x101: {  	v2 =	vld [tilespmem:s31+$0x11880]  }
0x102: {  	s2 =	simm.s32 $0xC880;
	v1 =	vld [tilespmem:s31+$0x11890]  }
0x103: {  	s1 =	simm.s32 $0xD880;
	v3 =	vld [tilespmem:s2+$0x60]  }
0x104: {  	v4 =	vld [tilespmem:s1+$0x60]  }
0x105: {  	v5 =	vld [tilespmem:s1+$0xFFFFFF80]  }
0x106: {  	v6 =	vld [tilespmem:s2+$0xFFFFFFA0]  }
0x107: {  	v7 =	vld [tilespmem:s1+$0xFFFFFFA0]  }
0x108: {  	v8 =	vld [tilespmem:s2+$0xFFFFFFC0]  }
0x109: {  	v9 =	vld [tilespmem:s1+$0xFFFFFFC0]  }
0x10a: {  	v10 =	vld [tilespmem:s1+$0xFFFFFFE0]  }
0x10b: {  	v11 =	vld [tilespmem:s2+$0x0]  }
0x10c: {  	v12 =	vld [tilespmem:s1+$0x0]  }
0x10d: {  	v14 =	vld [tilespmem:s1+$0x20];
	v3 =	vadd.f32 v4, v3  }
0x10e: {  	v15 =	vld [tilespmem:s1+$0x40];
	v6 =	vadd.f32 v7, v6  }
0x10f: {  	v4 =	vld [tilespmem:s2+$0xFFFFFFE0];
	v3 =	vadd.f32 v3, v2  }
0x110: {  	s0 =	simm.s32 $0x10884;
	v7 =	vld [tilespmem:s2+$0x20];
	v8 =	vadd.f32 v9, v8;
	v6 =	vadd.f32 v6, v2  }
0x111: {  	v9 =	vld [tilespmem:s2+$0x40];
	[tilespmem:s0+$0x63] =	vst v3  }
0x112: {  	[tilespmem:s0+$0xFFFFFF9D] =	vst v6;
	v6 =	vadd.f32 v8, v2;
	v8 =	vld [tilespmem:s2+$0xFFFFFF80]  }
0x113: {  	v3 =	vld [tilespmem:s2+$0x70]  }
0x114: {  	v13 =	vld [tilespmem:s1+$0x70];
	v4 =	vadd.f32 v10, v4  }
0x115: {  	v10 =	vld [tilespmem:s2+$0xFFFFFFB0]  }
0x116: {  	[tilespmem:s0+$0xFFFFFFBE] =	vst v6;
	v6 =	vadd.f32 v12, v11;
	v11 =	vld [tilespmem:s1+$0xFFFFFFB0];
	v4 =	vadd.f32 v4, v2  }
0x117: {  	v60 =	vld [tilespmem:s2+$0xFFFFFFD0]  }
0x118: {  	[tilespmem:s0+$0xFFFFFFDF] =	vst v4;
	v4 =	vadd.f32 v6, v2;
	v6 =	vadd.f32 v14, v7;
	v7 =	vld [tilespmem:s1+$0xFFFFFFD0]  }
0x119: {  	v5 =	vadd.f32 v5, v8;
	v8 =	vld [tilespmem:s2+$0xFFFFFFF0]  }
0x11a: {  	v61 =	vld [tilespmem:s1+$0xFFFFFFF0];
	v3 =	vadd.f32 v13, v3;
	[tilespmem:s0+$0x0] =	vst v4;
	v4 =	vadd.f32 v6, v2  }
0x11b: {  	v5 =	vadd.f32 v5, v2;
	v6 =	vadd.f32 v15, v9;
	v62 =	vld [tilespmem:s2+$0x10]  }
0x11c: {  	v9 =	vadd.f32 v11, v10;
	v63 =	vld [tilespmem:s1+$0x10];
	v10 =	vadd.f32 v3, v1;
	[tilespmem:s0+$0x21] =	vst v4  }
0x11d: {  	[tilespmem:s0+$0xFFFFFF7C] =	vst v5;
	v5 =	vadd.f32 v6, v2;
	v3 =	vld [tilespmem:s2+$0x30];
	v7 =	vadd.f32 v7, v60  }
0x11e: {  	v9 =	vadd.f32 v9, v1;
	v4 =	vld [tilespmem:s2+$0xFFFFFF90];
	[tilespmem:s0+$0x73] =	vst v10  }
0x11f: {  	v6 =	vld [tilespmem:s1+$0xFFFFFF90];
	[tilespmem:s0+$0x42] =	vst v5;
	v8 =	vadd.f32 v61, v8;
	v10 =	vadd.f32 v7, v1  }
0x120: {  	[tilespmem:s0+$0xFFFFFFAD] =	vst v9;
	v7 =	vld [tilespmem:s1+$0x30]  }
0x121: {  	v5 =	vld [tilespmem:s2+$0x50];
	v9 =	vadd.f32 v8, v1;
	[tilespmem:s0+$0xFFFFFFCE] =	vst v10;
	v10 =	vadd.f32 v63, v62  }
0x122: {  	s9 =	sshll.u32 s11, $0x1;
	s6 =	simm.s32 $0xC980;
	s2 =	simm.s32 $0x0;
	v8 =	vld [tilespmem:s1+$0x50]  }
.LBB2_5:
0x123: {  	v11 =	vld [tilespmem:s6+$0x60];
	[tilespmem:s0+$0xFFFFFFEF] =	vst v9;
	v9 =	vadd.f32 v10, v1;
	s1 =	sadd.s32 $0x100, s1  }
0x124: {  	v10 =	vld [tilespmem:s1+$0x60];
	v4 =	vadd.f32 v6, v4  }
0x125: {  	s2 =	sadd.s32 $0x8, s2;
	v6 =	vld [tilespmem:s1+$0xFFFFFF80];
	[tilespmem:s0+$0x10] =	vst v9;
	v3 =	vadd.f32 v7, v3  }
0x126: {  	p0 =	slt.u32 s2, $0x78;
	v7 =	vld [tilespmem:s6+$0xFFFFFFA0];
	v4 =	vadd.f32 v4, v1  }
0x127: {  	v9 =	vld [tilespmem:s1+$0xFFFFFFA0];
	v3 =	vadd.f32 v3, v1;
	v5 =	vadd.f32 v8, v5  }
0x128: {  	v8 =	vld [tilespmem:s6+$0xFFFFFFC0];
	[tilespmem:s0+$0xFFFFFF8C] =	vst v4  }
0x129: {  	v4 =	vld [tilespmem:s1+$0xFFFFFFC0];
	v10 =	vadd.f32 v10, v11;
	[tilespmem:s0+$0x31] =	vst v3;
	v3 =	vadd.f32 v5, v1  }
0x12a: {  	v5 =	vld [tilespmem:s6+$0xFFFFFFE0]  }
0x12b: {  	v11 =	vld [tilespmem:s1+$0xFFFFFFE0];
	v10 =	vadd.f32 v10, v2;
	[tilespmem:s0+$0x52] =	vst v3  }
0x12c: {  	s0 =	sadd.s32 $0x108, s0;
	v3 =	vadd.f32 v9, v7;
	v7 =	vld [tilespmem:s6+$0x0]  }
0x12d: {  	v9 =	vld [tilespmem:s1+$0x0];
	[tilespmem:s0+$0x63] =	vst v10  }
0x12e: {  	v3 =	vadd.f32 v3, v2;
	v4 =	vadd.f32 v4, v8;
	v8 =	vld [tilespmem:s6+$0x70]  }
0x12f: {  	v10 =	vld [tilespmem:s1+$0x70]  }
0x130: {  	[tilespmem:s0+$0xFFFFFF9D] =	vst v3;
	v3 =	vadd.f32 v4, v2;
	v4 =	vadd.f32 v11, v5;
	v5 =	vld [tilespmem:s6+$0x20]  }
0x131: {  	v11 =	vld [tilespmem:s1+$0x20]  }
0x132: {  	[tilespmem:s0+$0xFFFFFFBE] =	vst v3;
	v3 =	vadd.f32 v4, v2;
	v4 =	vadd.f32 v9, v7;
	v7 =	vld [tilespmem:s6+$0x40]  }
0x133: {  	v9 =	vld [tilespmem:s1+$0x40]  }
0x134: {  	v12 =	vld [tilespmem:s6+$0xFFFFFF80];
	[tilespmem:s0+$0xFFFFFFDF] =	vst v3;
	v3 =	vadd.f32 v4, v2;
	v4 =	vadd.f32 v10, v8  }
0x135: {  	v8 =	vld [tilespmem:s6+$0xFFFFFFB0]  }
0x136: {  	v10 =	vld [tilespmem:s1+$0xFFFFFFB0];
	[tilespmem:s0+$0x0] =	vst v3;
	v3 =	vadd.f32 v11, v5;
	v4 =	vadd.f32 v4, v1  }
0x137: {  	v5 =	vld [tilespmem:s6+$0xFFFFFFD0]  }
0x138: {  	v11 =	vld [tilespmem:s1+$0xFFFFFFD0];
	v3 =	vadd.f32 v3, v2;
	v7 =	vadd.f32 v9, v7;
	[tilespmem:s0+$0x73] =	vst v4  }
0x139: {  	v4 =	vadd.f32 v6, v12;
	v9 =	vld [tilespmem:s6+$0xFFFFFFF0]  }
0x13a: {  	v12 =	vld [tilespmem:s1+$0xFFFFFFF0];
	[tilespmem:s0+$0x21] =	vst v3;
	v3 =	vadd.f32 v7, v2  }
0x13b: {  	v4 =	vadd.f32 v4, v2;
	v6 =	vadd.f32 v10, v8;
	v8 =	vld [tilespmem:s6+$0x10]  }
0x13c: {  	v10 =	vld [tilespmem:s1+$0x10];
	[tilespmem:s0+$0x42] =	vst v3  }
0x13d: {  	[tilespmem:s0+$0xFFFFFF7C] =	vst v4;
	v7 =	vadd.f32 v6, v1;
	v5 =	vadd.f32 v11, v5;
	v3 =	vld [tilespmem:s6+$0x30]  }
.Ltmp1:
0x13e: {  	v4 =	vld [tilespmem:s6+$0xFFFFFF90];
	(pc) =	sbr.rel @p0 .LBB2_5-.Ltmp1, $4  }
0x13f: {  	v6 =	vld [tilespmem:s1+$0xFFFFFF90];
	[tilespmem:s0+$0xFFFFFFAD] =	vst v7;
	v5 =	vadd.f32 v5, v1;
	v9 =	vadd.f32 v12, v9  }
0x140: {  	v7 =	vld [tilespmem:s1+$0x30]  }
0x141: {  	[tilespmem:s0+$0xFFFFFFCE] =	vst v5;
	v9 =	vadd.f32 v9, v1;
	v10 =	vadd.f32 v10, v8;
	v5 =	vld [tilespmem:s6+$0x50]  }
0x142: {  	s6 =	sadd.s32 $0x100, s6;
	v8 =	vld [tilespmem:s1+$0x50]  }
0x143: {  	_ =	sdelay $0x1  }
0x144: {  	v2 =	vadd.f32 v6, v4  }
0x145: {  	v4 =	vadd.f32 v10, v1;
	v3 =	vadd.f32 v7, v3  }
0x146: {  	[tilespmem:s0+$0xFFFFFFEF] =	vst v9;
	v2 =	vadd.f32 v2, v1;
	v5 =	vadd.f32 v8, v5  }
0x147: {  	[tilespmem:s0+$0x10] =	vst v4;
	v3 =	vadd.f32 v3, v1  }
0x148: {  	p0 =	seq.s32 s11, $0x63;
	s16 =	simm.s32 $0x1;
	[tilespmem:s0+$0xFFFFFF8C] =	vst v2;
	v1 =	vadd.f32 v5, v1  }
0x149: {  	s15 =	simm.s32 $0x3;
	s17 =	simm.s32 $0x2;
	s18 =	simm.s32 $0x0;
	v2 =	vadd.s32 s16, v0;
	[tilespmem:s0+$0x31] =	vst v3  }
0x14a: {  	s1 =	simm.s32 @!p0 $0x80;
	s2 =	simm.s32 @!p0 $0xC800;
	[tilespmem:s0+$0x52] =	vst v1;
	s0 =	sadd.s32 @!p0 $0x100, s5;
	v1 =	vadd.s32 s15, v0  }
0x14b: {  	v3 =	vadd.s32 s17, v0;
	[tilespmem:s2], [sflag:$0x2] =	stream.indirect.gather @!p0 [hbm4b:s7+s1], $0x20, s0, s1, $0xb8;
	[tilespmem:$0x151A0] =	vst v63  }
0x14c: {  	s6 =	simm.s32 @!p0 $0xD800;
	v4 =	vadd.s32 s18, v0;
	s0 =	sadd.s32 @!p0 $0x6500, s5  }
0x14d: {  	[tilespmem:s6], [sflag:$0x2] =	stream.indirect.gather @!p0 [hbm4b:s8+s1], $0x20, s0, s1, $0xb8;
	[tilespmem:$0x151A0] =	vst v63  }
0x14e: {  	s19 =	simm.s32 $0x213;
	s22 =	simm.s32 $0x211;
	v2 =	vld.idx.msk [tilespmem:v2+s29+$0x0], $0xffff  }
0x14f: {  	s21 =	simm.s32 $0x180;
	s23 =	simm.s32 $0x0;
	s24 =	simm.s32 $0x210;
	v6 =	vadd.s32 s22, v0;
	v1 =	vld.idx.msk [tilespmem:v1+s29+$0x0], $0xffff  }
0x150: {  	s25 =	simm.s32 $0x212;
	s10 =	simm.s32 $0x80;
	v5 =	vadd.s32 s19, v0;
	s6 =	sand.u32 $0xC00, s23;
	v3 =	vld.idx.msk [tilespmem:v3+s29+$0x0], $0xffff  }
0x151: {  	s13 =	simm.s32 $0x100;
	s12 =	sand.u32 $0x280, s10;
	v7 =	vadd.s32 s25, v0;
	v4 =	vld.idx.msk [tilespmem:v4+s29+$0x0], $0xffff;
	s26 =	sor.u32 $0x131A0, s6  }
0x152: {  	s14 =	sand.u32 $0x300, s13;
	v8 =	vadd.s32 s24, v0;
	s1 =	sand.u32 $0x380, s21;
	s24 =	sadd.s32 s12, s26  }
0x153: {  	s31 =	sadd.s32 s1, s26;
	s2 =	sadd.s32 s14, s26;
	s26 =	simm.s32 $0x4;
	[tilespmem:s24+$0x0] =	vst v2  }
0x154: {  	s16 =	simm.s32 $0x421;
	v9 =	vadd.s32 s26, v0;
	[tilespmem:s31+$0x0] =	vst v1;
	v2 =	vld.idx.msk [tilespmem:v6+s29+$0x0], $0xffff  }
0x155: {  	s15 =	simm.s32 $0x423;
	s1 =	simm.s32 $0x131E0;
	[tilespmem:s2+$0x0] =	vst v3;
	v1 =	vld.idx.msk [tilespmem:v5+s29+$0x0], $0xffff;
	v5 =	vadd.s32 s16, v0  }
0x156: {  	s17 =	simm.s32 $0x422;
	v3 =	vadd.s32 s15, v0;
	[tilespmem:s1+$0xFFFFFFC0] =	vst v4;
	v4 =	vld.idx.msk [tilespmem:v7+s29+$0x0], $0xffff  }
0x157: {  	v7 =	vadd.s32 s17, v0  }
0x158: {  	s18 =	simm.s32 $0x420;
	v6 =	vld.idx.msk [tilespmem:v8+s29+$0x0], $0xffff  }
0x159: {  	s14 =	simm.s32 $0x214;
	v8 =	vadd.s32 s18, v0;
	v9 =	vld.idx.msk [tilespmem:v9+s29+$0x0], $0xffff;
	[tilespmem:s24+$0x10] =	vst v2  }
0x15a: {  	s19 =	simm.s32 $0x6;
	v12 =	vadd.s32 s14, v0;
	[tilespmem:s31+$0x10] =	vst v1;
	v2 =	vld.idx.msk [tilespmem:v5+s29+$0x0], $0xffff  }
0x15b: {  	s21 =	simm.s32 $0x633;
	[tilespmem:s2+$0x10] =	vst v4;
	v1 =	vadd.s32 s19, v0;
	v3 =	vld.idx.msk [tilespmem:v3+s29+$0x0], $0xffff  }
0x15c: {  	s22 =	simm.s32 $0x631;
	v4 =	vadd.s32 s21, v0;
	v5 =	vld.idx.msk [tilespmem:v7+s29+$0x0], $0xffff  }
0x15d: {  	s23 =	simm.s32 $0x632;
	[tilespmem:s1+$0xFFFFFFD0] =	vst v6;
	v6 =	vadd.s32 s22, v0;
	s19 =	simm.s32 $0x133E0  }
0x15e: {  	s25 =	simm.s32 $0x7;
	v7 =	vld.idx.msk [tilespmem:v8+s29+$0x0], $0xffff;
	v8 =	vadd.s32 s23, v0;
	[tilespmem:s19+$0xFFFFFFC0] =	vst v9  }
0x15f: {  	v10 =	vadd.s32 s25, v0;
	s6 =	simm.s32 $0x630;
	v9 =	vld.idx.msk [tilespmem:v12+s29+$0x0], $0xffff;
	[tilespmem:s24+$0x20] =	vst v2  }
0x160: {  	s10 =	simm.s32 $0x5;
	v11 =	vadd.s32 s6, v0;
	s12 =	simm.s32 $0x843;
	s16 =	simm.s32 $0x200;
	v1 =	vld.idx.msk [tilespmem:v1+s29+$0x0], $0xffff;
	[tilespmem:s31+$0x20] =	vst v3  }
0x161: {  	s13 =	simm.s32 $0x841;
	s6 =	sand.u32 $0xC00, s16;
	[tilespmem:s2+$0x20] =	vst v5;
	v5 =	vadd.s32 s12, v0;
	s12 =	simm.s32 $0x380;
	v3 =	vadd.s32 s10, v0;
	v2 =	vld.idx.msk [tilespmem:v4+s29+$0x0], $0xffff  }
0x162: {  	s6 =	sor.u32 $0x131A0, s6;
	s21 =	simm.s32 $0x300;
	s12 =	sand.u32 $0x380, s12;
	v4 =	vld.idx.msk [tilespmem:v6+s29+$0x0], $0xffff  }
0x163: {  	s0 =	sand.u32 $0x300, s21;
	v6 =	vld.idx.msk [tilespmem:v8+s29+$0x0], $0xffff;
	v8 =	vadd.s32 s13, v0;
	s21 =	sadd.s32 s12, s6;
	s12 =	simm.s32 $0x842  }
0x164: {  	s17 =	simm.s32 $0x217;
	[tilespmem:s1+$0xFFFFFFE0] =	vst v7;
	v7 =	vld.idx.msk [tilespmem:v10+s29+$0x0], $0xffff;
	v12 =	vadd.s32 s12, v0  }
0x165: {  	v10 =	vadd.s32 s17, v0;
	v11 =	vld.idx.msk [tilespmem:v11+s29+$0x0], $0xffff;
	s13 =	simm.s32 $0x216  }
0x166: {  	s15 =	simm.s32 $0x215;
	v13 =	vadd.s32 s13, v0;
	[tilespmem:s31+$0x30] =	vst v2;
	v2 =	vld.idx.msk [tilespmem:v3+s29+$0x0], $0xffff  }
0x167: {  	s22 =	simm.s32 $0xA53;
	v3 =	vadd.s32 s15, v0;
	[tilespmem:s24+$0x30] =	vst v4;
	v4 =	vld.idx.msk [tilespmem:v5+s29+$0x0], $0xffff  }
0x168: {  	s18 =	simm.s32 $0x280;
	s23 =	simm.s32 $0xA51;
	[tilespmem:s2+$0x30] =	vst v6;
	v5 =	vld.idx.msk [tilespmem:v8+s29+$0x0], $0xffff;
	v8 =	vadd.s32 s22, v0  }
0x169: {  	s25 =	simm.s32 $0x424;
	s10 =	sand.u32 $0x280, s18;
	[tilespmem:s21+$0x0] =	vst v7;
	v7 =	vadd.s32 s23, v0;
	s22 =	sadd.s32 s0, s6;
	v12 =	vld.idx.msk [tilespmem:v12+s29+$0x0], $0xffff  }
0x16a: {  	s10 =	sadd.s32 s10, s6;
	s0 =	simm.s32 $0x8;
	[tilespmem:s22+$0x0] =	vst v1;
	v1 =	vld.idx.msk [tilespmem:v10+s29+$0x0], $0xffff;
	v10 =	vadd.s32 s25, v0  }
0x16b: {  	s13 =	simm.s32 $0x427;
	[tilespmem:s10+$0x0] =	vst v2;
	v2 =	vld.idx.msk [tilespmem:v13+s29+$0x0], $0xffff;
	v13 =	vadd.s32 s0, v0  }
0x16c: {  	s14 =	simm.s32 $0x840;
	v3 =	vld.idx.msk [tilespmem:v3+s29+$0x0], $0xffff;
	[tilespmem:s31+$0x40] =	vst v4;
	v4 =	vadd.s32 s13, v0  }
0x16d: {  	s15 =	simm.s32 $0x425;
	[tilespmem:s24+$0x40] =	vst v5;
	v5 =	vld.idx.msk [tilespmem:v8+s29+$0x0], $0xffff;
	v8 =	vadd.s32 s14, v0  }
0x16e: {  	s16 =	simm.s32 $0x426;
	[tilespmem:s19+$0xFFFFFFD0] =	vst v9;
	v9 =	vadd.s32 s15, v0;
	v7 =	vld.idx.msk [tilespmem:v7+s29+$0x0], $0xffff  }
0x16f: {  	s17 =	simm.s32 $0xC61;
	[tilespmem:s2+$0x40] =	vst v12;
	v6 =	vld.idx.msk [tilespmem:v10+s29+$0x0], $0xffff;
	v10 =	vadd.s32 s16, v0  }
0x170: {  	s18 =	simm.s32 $0xA;
	[tilespmem:s21+$0x10] =	vst v1;
	v1 =	vadd.s32 s17, v0;
	v12 =	vld.idx.msk [tilespmem:v13+s29+$0x0], $0xffff  }
0x171: {  	[tilespmem:s1+$0xFFFFFFF0] =	vst v11;
	v11 =	vadd.s32 s18, v0;
	s16 =	simm.s32 $0x634;
	v4 =	vld.idx.msk [tilespmem:v4+s29+$0x0], $0xffff  }
0x172: {  	s23 =	simm.s32 $0xA52;
	v13 =	vadd.s32 s16, v0;
	[tilespmem:s10+$0x10] =	vst v3;
	v3 =	vld.idx.msk [tilespmem:v8+s29+$0x0], $0xffff  }
0x173: {  	s25 =	simm.s32 $0x637;
	[tilespmem:s22+$0x10] =	vst v2;
	v2 =	vld.idx.msk [tilespmem:v9+s29+$0x0], $0xffff;
	v8 =	vadd.s32 s23, v0  }
0x174: {  	s13 =	simm.s32 $0x635;
	[tilespmem:s24+$0x50] =	vst v7;
	v7 =	vld.idx.msk [tilespmem:v10+s29+$0x0], $0xffff;
	v9 =	vadd.s32 s25, v0  }
0x175: {  	s14 =	simm.s32 $0x636;
	v10 =	vadd.s32 s13, v0;
	[tilespmem:s19+$0xFFFFFFE0] =	vst v6;
	v14 =	vld.idx.msk [tilespmem:v1+s29+$0x0], $0xffff  }
0x176: {  	s15 =	simm.s32 $0xA50;
	[tilespmem:s31+$0x50] =	vst v5;
	v1 =	vld.idx.msk [tilespmem:v11+s29+$0x0], $0xffff;
	v11 =	vadd.s32 s14, v0  }
0x177: {  	s17 =	simm.s32 $0xB;
	v6 =	vadd.s32 s15, v0;
	v5 =	vld.idx.msk [tilespmem:v13+s29+$0x0], $0xffff;
	[tilespmem:s21+$0x20] =	vst v4  }
0x178: {  	s18 =	simm.s32 $0x218;
	v4 =	vld.idx.msk [tilespmem:v8+s29+$0x0], $0xffff;
	v8 =	vadd.s32 s17, v0;
	[tilespmem:s10+$0x20] =	vst v2  }
0x179: {  	s23 =	simm.s32 $0xC62;
	v2 =	vld.idx.msk [tilespmem:v9+s29+$0x0], $0xffff;
	v9 =	vadd.s32 s18, v0;
	[tilespmem:s22+$0x20] =	vst v7  }
0x17a: {  	s25 =	simm.s32 $0x9;
	[tilespmem:s1+$0x0] =	vst v3;
	v3 =	vadd.s32 s23, v0;
	v10 =	vld.idx.msk [tilespmem:v10+s29+$0x0], $0xffff  }
0x17b: {  	s14 =	simm.s32 $0x847;
	s23 =	simm.s32 $0x135E0;
	v7 =	vld.idx.msk [tilespmem:v11+s29+$0x0], $0xffff;
	v11 =	vadd.s32 s25, v0  }
0x17c: {  	s13 =	simm.s32 $0x845;
	v13 =	vadd.s32 s14, v0;
	v6 =	vld.idx.msk [tilespmem:v6+s29+$0x0], $0xffff;
	[tilespmem:s23+$0xFFFFFFC0] =	vst v12  }
0x17d: {  	s15 =	simm.s32 $0xC63;
	v12 =	vadd.s32 s13, v0;
	v8 =	vld.idx.msk [tilespmem:v8+s29+$0x0], $0xffff;
	[tilespmem:s2+$0x50] =	vst v4  }
0x17e: {  	s17 =	simm.s32 $0xC60;
	v9 =	vld.idx.msk [tilespmem:v9+s29+$0x0], $0xffff;
	[tilespmem:s21+$0x30] =	vst v2;
	v2 =	vadd.s32 s15, v0  }
0x17f: {  	s12 =	simm.s32 $0x500;
	s16 =	simm.s32 $0x400;
	s25 =	simm.s32 $0x21B;
	[tilespmem:s19+$0xFFFFFFF0] =	vst v5;
	v4 =	vadd.s32 s17, v0;
	v3 =	vld.idx.msk [tilespmem:v3+s29+$0x0], $0xffff  }
0x180: {  	s14 =	simm.s32 $0x21A;
	s18 =	sand.u32 $0xC00, s16;
	s13 =	simm.s32 $0x580;
	[tilespmem:s10+$0x30] =	vst v10;
	v10 =	vadd.s32 s25, v0;
	v11 =	vld.idx.msk [tilespmem:v11+s29+$0x0], $0xffff  }
0x181: {  	s15 =	sor.u32 $0x131A0, s18;
	s17 =	simm.s32 $0xE72;
	[tilespmem:s22+$0x30] =	vst v7;
	v7 =	vadd.s32 s14, v0;
	s14 =	sand.u32 $0x380, s13;
	v5 =	vld.idx.msk [tilespmem:v13+s29+$0x0], $0xffff  }
0x182: {  	s16 =	simm.s32 $0x219;
	[tilespmem:s1+$0x10] =	vst v6;
	s25 =	sand.u32 $0x300, s12;
	v6 =	vadd.s32 s17, v0;
	v12 =	vld.idx.msk [tilespmem:v12+s29+$0x0], $0xffff;
	s6 =	sadd.s32 s14, s15  }
0x183: {  	v13 =	vadd.s32 s16, v0;
	s12 =	sadd.s32 s25, s15;
	s25 =	simm.s32 $0xA57;
	[tilespmem:s6+$0x0] =	vst v8;
	v8 =	vld.idx.msk [tilespmem:v2+s29+$0x0], $0xffff  }
0x184: {  	s18 =	simm.s32 $0x480;
	s17 =	simm.s32 $0xA55;
	[tilespmem:s12+$0x0] =	vst v1;
	v1 =	vadd.s32 s25, v0;
	v15 =	vld.idx.msk [tilespmem:v4+s29+$0x0], $0xffff  }
0x185: {  	[tilespmem:s24+$0x60] =	vst v14;
	s14 =	sand.u32 $0x280, s18;
	s18 =	simm.s32 $0xE70;
	v2 =	vld.idx.msk [tilespmem:v10+s29+$0x0], $0xffff;
	v10 =	vadd.s32 s17, v0  }
0x186: {  	s25 =	sadd.s32 s14, s15;
	s15 =	simm.s32 $0xE73;
	[tilespmem:s2+$0x60] =	vst v3;
	v16 =	vld.idx.msk [tilespmem:v7+s29+$0x0], $0xffff;
	v3 =	vadd.s32 s18, v0  }
0x187: {  	s16 =	simm.s32 $0x428;
	[tilespmem:s25+$0x0] =	vst v11;
	v11 =	vadd.s32 s15, v0;
	v6 =	vld.idx.msk [tilespmem:v6+s29+$0x0], $0xffff  }
0x188: {  	v17 =	vadd.s32 s16, v0;
	[tilespmem:s21+$0x40] =	vst v5;
	v4 =	vld.idx.msk [tilespmem:v13+s29+$0x0], $0xffff  }
0x189: {  	s17 =	simm.s32 $0xE71;
	[tilespmem:s10+$0x40] =	vst v12;
	v1 =	vld.idx.msk [tilespmem:v1+s29+$0x0], $0xffff  }
0x18a: {  	s18 =	simm.s32 $0x846;
	v12 =	vadd.s32 s17, v0;
	[tilespmem:s1+$0x20] =	vst v15;
	v5 =	vld.idx.msk [tilespmem:v10+s29+$0x0], $0xffff  }
0x18b: {  	s16 =	simm.s32 $0x42B;
	v13 =	vadd.s32 s18, v0;
	[tilespmem:s31+$0x60] =	vst v8;
	v8 =	vld.idx.msk [tilespmem:v3+s29+$0x0], $0xffff  }
0x18c: {  	[tilespmem:s23+$0xFFFFFFD0] =	vst v9;
	v7 =	vadd.s32 s16, v0;
	s17 =	simm.s32 $0x844;
	s18 =	simm.s32 $0x429;
	v10 =	vld.idx.msk [tilespmem:v11+s29+$0x0], $0xffff  }
0x18d: {  	s14 =	simm.s32 $0xC;
	s15 =	simm.s32 $0x42A;
	v9 =	vadd.s32 s18, v0;
	v11 =	vadd.s32 s17, v0;
	v3 =	vld.idx.msk [tilespmem:v17+s29+$0x0], $0xffff;
	[tilespmem:s12+$0x10] =	vst v16  }
.LBB2_7:
0x18e: {  	s17 =	sadd.s32 $0x1, s14;
	v15 =	vadd.s32 s15, v0;
	s18 =	sadd.s32 $0xC61, s26;
	s15 =	smov.u32 s14  }
0x18f: {  	v14 =	vadd.s32 s14, v0;
	v12 =	vld.idx.msk [tilespmem:v12+s29+$0x0], $0xffff;
	[tilespmem:s2+$0x70] =	vst v6;
	s16 =	sadd.s32 $0x4, s14;
	s2 =	smov.u32 s22;
	s22 =	smov.u32 s12  }
0x190: {  	p2 =	slt.u32 s14, $0x1C;
	v6 =	vadd.s32 s17, v0;
	s12 =	sadd.s32 $0x2, s15;
	[tilespmem:s6+$0x10] =	vst v2;
	v2 =	vadd.s32 s18, v0;
	v13 =	vld.idx.msk [tilespmem:v13+s29+$0x0], $0xffff  }
0x191: {  	v16 =	vadd.s32 s12, v0;
	s12 =	sadd.s32 $0x3, s15;
	v7 =	vld.idx.msk [tilespmem:v7+s29+$0x0], $0xffff;
	[tilespmem:s10+$0x50] =	vst v5  }
0x192: {  	v5 =	vadd.s32 s12, v0;
	[tilespmem:s25+$0x10] =	vst v4;
	v4 =	vld.idx.msk [tilespmem:v11+s29+$0x0], $0xffff;
	s12 =	sadd.s32 $0xA52, s26  }
0x193: {  	s14 =	sadd.s32 $0x633, s0;
	v9 =	vld.idx.msk [tilespmem:v9+s29+$0x0], $0xffff;
	v11 =	vadd.s32 s12, v0;
	[tilespmem:s1+$0x30] =	vst v8;
	s1 =	smov.u32 s19;
	s19 =	smov.u32 s23  }
0x194: {  	s12 =	sadd.s32 $0x631, s0;
	v8 =	vld.idx.msk [tilespmem:v15+s29+$0x0], $0xffff;
	v15 =	vadd.s32 s14, v0;
	[tilespmem:s31+$0x70] =	vst v10;
	s31 =	smov.u32 s21;
	s21 =	smov.u32 s6  }
0x195: {  	s6 =	sadd.s32 $0x210, s15;
	v10 =	vadd.s32 s12, v0;
	s12 =	sadd.s32 $0x632, s0;
	s14 =	sadd.s32 $0xA50, s26;
	v17 =	vld.idx.msk [tilespmem:v2+s29+$0x0], $0xffff;
	[tilespmem:s24+$0x70] =	vst v12  }
0x196: {  	s13 =	sadd.s32 $0x200, s13;
	s23 =	sadd.s32 $0x200, s23;
	v2 =	vadd.s32 s6, v0;
	s6 =	sadd.s32 $0x211, s15;
	v12 =	vld.idx.msk [tilespmem:v16+s29+$0x0], $0xffff;
	v16 =	vadd.s32 s12, v0;
	[tilespmem:s2+$0x40] =	vst v13  }
0x197: {  	s17 =	sadd.s32 $0x630, s0;
	s12 =	sadd.s32 $0xFFFFFE80, s13;
	v13 =	vld.idx.msk [tilespmem:v14+s29+$0x0], $0xffff;
	v14 =	vadd.s32 s6, v0;
	s6 =	sadd.s32 $0x212, s15;
	[tilespmem:s19+$0xFFFFFFE0] =	vst v3;
	v3 =	vadd.s32 s14, v0  }
0x198: {  	v19 =	vadd.s32 s17, v0;
	s12 =	sand.u32 $0xC00, s12;
	s14 =	sadd.s32 $0xFFFFFF00, s13;
	v18 =	vadd.s32 s6, v0;
	s6 =	sadd.s32 $0x213, s15;
	[tilespmem:s21+$0x20] =	vst v7;
	v7 =	vld.idx.msk [tilespmem:v11+s29+$0x0], $0xffff  }
0x199: {  	s14 =	sand.u32 $0x280, s14;
	s17 =	sor.u32 $0x131A0, s12;
	s12 =	sadd.s32 $0xFFFFFF80, s13;
	v11 =	vadd.s32 s6, v0;
	[tilespmem:s25+$0x20] =	vst v9;
	v9 =	vld.idx.msk [tilespmem:v15+s29+$0x0], $0xffff  }
0x19a: {  	s18 =	sadd.s32 $0xC62, s26;
	s14 =	sadd.s32 s14, s17;
	s6 =	sand.u32 $0x300, s12;
	v10 =	vld.idx.msk [tilespmem:v10+s29+$0x0], $0xffff;
	[tilespmem:s22+$0x20] =	vst v8  }
0x19b: {  	s24 =	smov.u32 s10;
	s12 =	sadd.s32 s6, s17;
	s6 =	sand.u32 $0x380, s13;
	v8 =	vld.idx.msk [tilespmem:v16+s29+$0x0], $0xffff;
	[tilespmem:s1+$0x0] =	vst v4;
	v4 =	vadd.s32 s18, v0  }
0x19c: {  	s10 =	smov.u32 s25;
	s6 =	sadd.s32 s6, s17;
	s17 =	sadd.s32 $0x841, s0;
	v3 =	vld.idx.msk [tilespmem:v3+s29+$0x0], $0xffff;
	[tilespmem:s31+$0x50] =	vst v1  }
0x19d: {  	s25 =	smov.u32 s14;
	[tilespmem:s23+$0xFFFFFFC0] =	vst v13;
	v1 =	vld.idx.msk [tilespmem:v19+s29+$0x0], $0xffff;
	v13 =	vadd.s32 s17, v0;
	s17 =	sadd.s32 $0x843, s0  }
0x19e: {  	s14 =	sadd.s32 $0xC63, s26;
	v5 =	vld.idx.msk [tilespmem:v5+s29+$0x0], $0xffff;
	v15 =	vadd.s32 s17, v0;
	[tilespmem:s2+$0x50] =	vst v7  }
0x19f: {  	s17 =	sadd.s32 $0xC60, s26;
	v16 =	vld.idx.msk [tilespmem:v2+s29+$0x0], $0xffff;
	[tilespmem:s21+$0x30] =	vst v9;
	v2 =	vadd.s32 s14, v0  }
0x1a0: {  	v7 =	vadd.s32 s17, v0;
	[tilespmem:s10+$0x30] =	vst v10;
	v4 =	vld.idx.msk [tilespmem:v4+s29+$0x0], $0xffff  }
0x1a1: {  	v6 =	vld.idx.msk [tilespmem:v6+s29+$0x0], $0xffff;
	[tilespmem:s22+$0x30] =	vst v8  }
0x1a2: {  	s14 =	sadd.s32 $0xE72, s26;
	v8 =	vld.idx.msk [tilespmem:v13+s29+$0x0], $0xffff;
	[tilespmem:s1+$0x10] =	vst v3  }
0x1a3: {  	v3 =	vadd.s32 s14, v0;
	[tilespmem:s19+$0xFFFFFFF0] =	vst v1;
	v1 =	vld.idx.msk [tilespmem:v15+s29+$0x0], $0xffff  }
0x1a4: {  	s14 =	sadd.s32 $0xA53, s0;
	[tilespmem:s6+$0x0] =	vst v5;
	v5 =	vld.idx.msk [tilespmem:v2+s29+$0x0], $0xffff  }
0x1a5: {  	s17 =	sadd.s32 $0xA51, s0;
	v9 =	vadd.s32 s14, v0;
	[tilespmem:s12+$0x0] =	vst v12;
	v7 =	vld.idx.msk [tilespmem:v7+s29+$0x0], $0xffff  }
0x1a6: {  	v10 =	vadd.s32 s17, v0;
	s14 =	sadd.s32 $0xE70, s26;
	v2 =	vld.idx.msk [tilespmem:v11+s29+$0x0], $0xffff;
	[tilespmem:s2+$0x60] =	vst v4  }
0x1a7: {  	v11 =	vadd.s32 s14, v0;
	s14 =	sadd.s32 $0xE73, s26;
	[tilespmem:s25+$0x0] =	vst v6;
	v15 =	vld.idx.msk [tilespmem:v18+s29+$0x0], $0xffff  }
0x1a8: {  	s17 =	sadd.s32 $0x420, s15;
	[tilespmem:s10+$0x40] =	vst v8;
	v6 =	vld.idx.msk [tilespmem:v3+s29+$0x0], $0xffff;
	v3 =	vadd.s32 s14, v0  }
0x1a9: {  	v18 =	vadd.s32 s17, v0;
	s14 =	sadd.s32 $0xE71, s26;
	s26 =	smov.u32 s0;
	s0 =	smov.u32 s15;
	v4 =	vld.idx.msk [tilespmem:v14+s29+$0x0], $0xffff;
	[tilespmem:s21+$0x40] =	vst v1  }
.Ltmp2:
0x1aa: {  	s15 =	sadd.s32 $0x842, s26;
	v12 =	vadd.s32 s14, v0;
	v1 =	vld.idx.msk [tilespmem:v9+s29+$0x0], $0xffff;
	[tilespmem:s31+$0x60] =	vst v5;
	(pc) =	sbr.rel @p2 .LBB2_7-.Ltmp2, $4  }
0x1ab: {  	s14 =	sadd.s32 $0x423, s0;
	v13 =	vadd.s32 s15, v0;
	v5 =	vld.idx.msk [tilespmem:v10+s29+$0x0], $0xffff;
	[tilespmem:s1+$0x20] =	vst v7  }
0x1ac: {  	v7 =	vadd.s32 s14, v0;
	s14 =	sadd.s32 $0x840, s26;
	v8 =	vld.idx.msk [tilespmem:v11+s29+$0x0], $0xffff;
	[tilespmem:s24+$0x60] =	vst v17  }
0x1ad: {  	s15 =	sadd.s32 $0x421, s0;
	v11 =	vadd.s32 s14, v0;
	[tilespmem:s23+$0xFFFFFFD0] =	vst v16;
	v10 =	vld.idx.msk [tilespmem:v3+s29+$0x0], $0xffff  }
0x1ae: {  	v9 =	vadd.s32 s15, v0;
	s15 =	sadd.s32 $0x422, s0;
	s14 =	smov.u32 s16;
	v3 =	vld.idx.msk [tilespmem:v18+s29+$0x0], $0xffff;
	[tilespmem:s12+$0x10] =	vst v15  }
0x1af: {  	_ =	sdelay $0x3  }
0x1b0: {  	v13 =	vld.idx.msk [tilespmem:v13+s29+$0x0], $0xffff;
	s13 =	sadd.s32 $0xA52, s26;
	v15 =	vadd.s32 s15, v0;
	[tilespmem:s2+$0x70] =	vst v6  }
0x1b1: {  	[tilespmem:s6+$0x10] =	vst v2;
	v14 =	vadd.s32 s13, v0  }
0x1b2: {  	[tilespmem:s25+$0x10] =	vst v4  }
0x1b3: {  	v12 =	vld.idx.msk [tilespmem:v12+s29+$0x0], $0xffff;
	[tilespmem:s10+$0x50] =	vst v5  }
0x1b4: {  	s16 =	sadd.s32 $0xA50, s26;
	[tilespmem:s1+$0x30] =	vst v8;
	v8 =	vld.idx.msk [tilespmem:v11+s29+$0x0], $0xffff  }
0x1b5: {  	s17 =	sadd.s32 $0x632, s0;
	v11 =	vadd.s32 s16, v0;
	[tilespmem:s22+$0x40] =	vst v13;
	v2 =	vld.idx.msk [tilespmem:v15+s29+$0x0], $0xffff  }
0x1b6: {  	s15 =	sadd.s32 $0xC62, s26;
	v5 =	vadd.s32 s17, v0;
	[tilespmem:s31+$0x70] =	vst v10;
	v6 =	vld.idx.msk [tilespmem:v14+s29+$0x0], $0xffff  }
0x1b7: {  	v10 =	vadd.s32 s15, v0;
	[tilespmem:s23+$0xFFFFFFE0] =	vst v3  }
0x1b8: {  	s18 =	sadd.s32 $0x630, s0;
	v7 =	vld.idx.msk [tilespmem:v7+s29+$0x0], $0xffff;
	[tilespmem:s24+$0x70] =	vst v12  }
0x1b9: {  	v4 =	vadd.s32 s18, v0;
	v9 =	vld.idx.msk [tilespmem:v9+s29+$0x0], $0xffff;
	s24 =	sadd.s32 $0x633, s0;
	[tilespmem:s19+$0x0] =	vst v8  }
0x1ba: {  	s31 =	sadd.s32 $0x631, s0;
	v54 =	vadd.s32 s24, v0;
	[tilespmem:s12+$0x20] =	vst v2;
	v2 =	vld.idx.msk [tilespmem:v11+s29+$0x0], $0xffff  }
0x1bb: {  	s13 =	sadd.s32 $0xC60, s26;
	[tilespmem:s22+$0x50] =	vst v6;
	v6 =	vadd.s32 s31, v0;
	v3 =	vld.idx.msk [tilespmem:v5+s29+$0x0], $0xffff  }
0x1bc: {  	s2 =	sadd.s32 $0xE72, s26;
	v5 =	vadd.s32 s13, v0;
	v8 =	vld.idx.msk [tilespmem:v10+s29+$0x0], $0xffff  }
0x1bd: {  	s14 =	sadd.s32 $0x842, s0;
	[tilespmem:s6+$0x20] =	vst v7;
	v10 =	vadd.s32 s2, v0  }
0x1be: {  	s15 =	sadd.s32 $0x840, s0;
	v4 =	vld.idx.msk [tilespmem:v4+s29+$0x0], $0xffff;
	v7 =	vadd.s32 s14, v0;
	[tilespmem:s25+$0x20] =	vst v9  }
0x1bf: {  	s16 =	sadd.s32 $0x843, s0;
	v11 =	vadd.s32 s15, v0;
	v9 =	vld.idx.msk [tilespmem:v54+s29+$0x0], $0xffff;
	[tilespmem:s19+$0x10] =	vst v2  }
0x1c0: {  	s17 =	sadd.s32 $0x841, s0;
	v55 =	vadd.s32 s16, v0;
	v6 =	vld.idx.msk [tilespmem:v6+s29+$0x0], $0xffff;
	[tilespmem:s12+$0x30] =	vst v3  }
0x1c1: {  	v3 =	vld.idx.msk [tilespmem:v5+s29+$0x0], $0xffff;
	[tilespmem:s22+$0x60] =	vst v8;
	v8 =	vadd.s32 s17, v0  }
0x1c2: {  	s18 =	sadd.s32 $0xE70, s26;
	v2 =	vld.idx.msk [tilespmem:v10+s29+$0x0], $0xffff  }
0x1c3: {  	s24 =	sadd.s32 $0xA52, s0;
	[tilespmem:s23+$0xFFFFFFF0] =	vst v4;
	v4 =	vadd.s32 s18, v0;
	v5 =	vld.idx.msk [tilespmem:v7+s29+$0x0], $0xffff  }
0x1c4: {  	s31 =	sadd.s32 $0xA50, s0;
	[tilespmem:s6+$0x30] =	vst v9;
	v9 =	vadd.s32 s24, v0;
	v7 =	vld.idx.msk [tilespmem:v11+s29+$0x0], $0xffff  }
0x1c5: {  	s2 =	sadd.s32 $0xA53, s0;
	v10 =	vadd.s32 s31, v0;
	[tilespmem:s25+$0x30] =	vst v6;
	v6 =	vld.idx.msk [tilespmem:v55+s29+$0x0], $0xffff  }
0x1c6: {  	s13 =	sadd.s32 $0xA51, s0;
	v11 =	vadd.s32 s2, v0;
	[tilespmem:s19+$0x20] =	vst v3;
	v8 =	vld.idx.msk [tilespmem:v8+s29+$0x0], $0xffff  }
0x1c7: {  	s14 =	sadd.s32 $0xC63, s26;
	[tilespmem:s22+$0x70] =	vst v2;
	v2 =	vadd.s32 s13, v0  }
0x1c8: {  	s15 =	sadd.s32 $0xC61, s26;
	v3 =	vadd.s32 s14, v0;
	v4 =	vld.idx.msk [tilespmem:v4+s29+$0x0], $0xffff;
	[tilespmem:s12+$0x40] =	vst v5  }
0x1c9: {  	s16 =	sadd.s32 $0xC62, s0;
	v5 =	vadd.s32 s15, v0;
	[tilespmem:s23+$0x0] =	vst v7;
	v9 =	vld.idx.msk [tilespmem:v9+s29+$0x0], $0xffff  }
0x1ca: {  	s17 =	sadd.s32 $0xC60, s0;
	v7 =	vld.idx.msk [tilespmem:v10+s29+$0x0], $0xffff;
	[tilespmem:s6+$0x40] =	vst v6;
	v6 =	vadd.s32 s16, v0  }
0x1cb: {  	s18 =	sadd.s32 $0xC63, s0;
	v10 =	vadd.s32 s17, v0;
	[tilespmem:s25+$0x40] =	vst v8;
	v8 =	vld.idx.msk [tilespmem:v11+s29+$0x0], $0xffff  }
0x1cc: {  	[tilespmem:s21+$0x50] =	vst v1;
	s22 =	sadd.s32 $0xC61, s0;
	v1 =	vld.idx.msk [tilespmem:v2+s29+$0x0], $0xffff;
	v2 =	vadd.s32 s18, v0  }
0x1cd: {  	s24 =	sadd.s32 $0xE73, s26;
	v3 =	vld.idx.msk [tilespmem:v3+s29+$0x0], $0xffff;
	v11 =	vadd.s32 s22, v0;
	[tilespmem:s19+$0x30] =	vst v4  }
0x1ce: {  	s31 =	sadd.s32 $0xE71, s26;
	v4 =	vadd.s32 s24, v0;
	v5 =	vld.idx.msk [tilespmem:v5+s29+$0x0], $0xffff;
	[tilespmem:s12+$0x50] =	vst v9  }
0x1cf: {  	s2 =	sadd.s32 $0xE72, s0;
	v9 =	vadd.s32 s31, v0;
	[tilespmem:s23+$0x10] =	vst v7;
	v6 =	vld.idx.msk [tilespmem:v6+s29+$0x0], $0xffff  }
0x1d0: {  	s13 =	sadd.s32 $0xE70, s0;
	v7 =	vadd.s32 s2, v0;
	[tilespmem:s6+$0x50] =	vst v8;
	v8 =	vld.idx.msk [tilespmem:v10+s29+$0x0], $0xffff  }
0x1d1: {  	s14 =	sadd.s32 $0xE73, s0;
	[tilespmem:s25+$0x50] =	vst v1;
	v1 =	vld.idx.msk [tilespmem:v2+s29+$0x0], $0xffff;
	v2 =	vadd.s32 s13, v0  }
0x1d2: {  	s15 =	sadd.s32 $0xE71, s0;
	[tilespmem:s21+$0x60] =	vst v3;
	v10 =	vadd.s32 s14, v0;
	v3 =	vld.idx.msk [tilespmem:v11+s29+$0x0], $0xffff  }
0x1d3: {  	[tilespmem:s10+$0x60] =	vst v5;
	v4 =	vld.idx.msk [tilespmem:v4+s29+$0x0], $0xffff;
	v11 =	vadd.s32 s15, v0  }
0x1d4: {  	v5 =	vld.idx.msk [tilespmem:v9+s29+$0x0], $0xffff;
	[tilespmem:s12+$0x60] =	vst v6  }
0x1d5: {  	v6 =	vld.idx.msk [tilespmem:v7+s29+$0x0], $0xffff;
	[tilespmem:s23+$0x20] =	vst v8  }
0x1d6: {  	[tilespmem:s6+$0x60] =	vst v1;
	v1 =	vld.idx.msk [tilespmem:v2+s29+$0x0], $0xffff  }
0x1d7: {  	[tilespmem:s25+$0x60] =	vst v3;
	v2 =	vld.idx.msk [tilespmem:v10+s29+$0x0], $0xffff  }
0x1d8: {  	[tilespmem:s21+$0x70] =	vst v4;
	v3 =	vld.idx.msk [tilespmem:v11+s29+$0x0], $0xffff  }
0x1d9: {  	[tilespmem:s10+$0x70] =	vst v5  }
0x1da: {  	[tilespmem:s12+$0x70] =	vst v6  }
0x1db: {  	s16 =	sor.u32 $0x1, s9;
	[tilespmem:s23+$0x30] =	vst v1  }
0x1dc: {  	s17 =	sshll.u32 s16, $0x11;
	s2 =	rddreg [dreg:$0x7];
	[tilespmem:s6+$0x70] =	vst v2  }
0x1dd: {  	s1 =	sor.u32 s2, s17;
	[tilespmem:s25+$0x70] =	vst v3  }
0x1de: {  	s1 =	sshrl.u32 s1, $0x3;
	s21 =	sld [smem:$0x7FB]  }
0x1df: {  	s19 =	simm.s32 $0x131A0;
	s23 =	sld [smem:$0x7FC];
	s18 =	sadd.s32 s3, s1  }
0x1e0: {  	[hbm4b:s18+s4] =	stream.linear.scatter [tilespmem:s19], [sflag:$0x4], $0x400, $0x38;
	[tilespmem:$0x151A0] =	vst v63  }
0x1e1: {  	s22 =	simm.s32 $0x135A0;
	s25 =	sld [smem:$0x7FD];
	s2 =	sadd.s32 s1, s21  }
0x1e2: {  	[hbm4b:s2+s4] =	stream.linear.scatter [tilespmem:s22], [sflag:$0x4], $0x400, $0x38;
	[tilespmem:$0x151A0] =	vst v63  }
0x1e3: {  	s24 =	simm.s32 $0x139A0;
	s2 =	sadd.s32 s1, s23  }
0x1e4: {  	[hbm4b:s2+s4] =	stream.linear.scatter [tilespmem:s24], [sflag:$0x4], $0x400, $0x38;
	[tilespmem:$0x151A0] =	vst v63  }
0x1e5: {  	s26 =	simm.s32 $0x13DA0;
	s1 =	sadd.s32 s1, s25  }
0x1e6: {  	[hbm4b:s1+s4] =	stream.linear.scatter [tilespmem:s26], [sflag:$0x4], $0x400, $0x38;
	[tilespmem:$0x151A0] =	vst v63  }
0x1e7: {  	_ =	swait.ge [sflag:s30], $0x1000  }
0x1e8: {  	[sflag:s30] =	ssyncset.done $0x0  }
0x1e9: {  	[sflag:s30] =	ssyncadd.s32 $0xFFFFF000  }
0x1ea: {  	_ =	swait.ge [sflag:s30], $0x1000  }
0x1eb: {  	[sflag:s30] =	ssyncset.done $0x0  }
0x1ec: {  	s1 =	simm.s32 @!p1 $0x5;
	[sflag:s30] =	ssyncadd.s32 $0xFFFFF000  }
0x1ed: {  	_ =	swait.ge @!p1 [sflag:s1], $0x1000  }
0x1ee: {  	s0 =	sshll.u32 s16, $0x5;
	[sflag:s1] =	ssyncset.done @!p1 $0x0  }
0x1ef: {  	s0 =	sand.u32 $0x3FFFFFE0, s0;
	[sflag:s1] =	ssyncadd.s32 @!p1 $0xFFFFF000  }
0x1f0: {  	v2 =	vld [tilespmem:s0+$0x11880]  }
0x1f1: {  	s31 =	simm.s32 $0xE880;
	v1 =	vld [tilespmem:s0+$0x11890]  }
0x1f2: {  	s1 =	simm.s32 $0xF880;
	v3 =	vld [tilespmem:s31+$0x60]  }
0x1f3: {  	v4 =	vld [tilespmem:s1+$0x60]  }
0x1f4: {  	v5 =	vld [tilespmem:s1+$0xFFFFFF80]  }
0x1f5: {  	v6 =	vld [tilespmem:s31+$0xFFFFFFA0]  }
0x1f6: {  	v7 =	vld [tilespmem:s1+$0xFFFFFFA0]  }
0x1f7: {  	v8 =	vld [tilespmem:s31+$0xFFFFFFC0]  }
0x1f8: {  	v9 =	vld [tilespmem:s1+$0xFFFFFFC0]  }
0x1f9: {  	v10 =	vld [tilespmem:s1+$0xFFFFFFE0]  }
0x1fa: {  	v11 =	vld [tilespmem:s31+$0x0]  }
0x1fb: {  	v56 =	vld [tilespmem:s1+$0x0]  }
0x1fc: {  	v58 =	vld [tilespmem:s1+$0x20];
	v3 =	vadd.f32 v4, v3  }
0x1fd: {  	v59 =	vld [tilespmem:s1+$0x40];
	v6 =	vadd.f32 v7, v6  }
0x1fe: {  	v4 =	vld [tilespmem:s31+$0xFFFFFFE0];
	v3 =	vadd.f32 v3, v2  }
0x1ff: {  	s0 =	simm.s32 $0x10884;
	v7 =	vld [tilespmem:s31+$0x20];
	v8 =	vadd.f32 v9, v8;
	v6 =	vadd.f32 v6, v2  }
0x200: {  	v9 =	vld [tilespmem:s31+$0x40];
	[tilespmem:s0+$0x63] =	vst v3  }
0x201: {  	[tilespmem:s0+$0xFFFFFF9D] =	vst v6;
	v6 =	vadd.f32 v8, v2;
	v8 =	vld [tilespmem:s31+$0xFFFFFF80]  }
0x202: {  	v3 =	vld [tilespmem:s31+$0x70]  }
0x203: {  	v57 =	vld [tilespmem:s1+$0x70];
	v4 =	vadd.f32 v10, v4  }
0x204: {  	v10 =	vld [tilespmem:s31+$0xFFFFFFB0]  }
0x205: {  	[tilespmem:s0+$0xFFFFFFBE] =	vst v6;
	v6 =	vadd.f32 v56, v11;
	v11 =	vld [tilespmem:s1+$0xFFFFFFB0];
	v4 =	vadd.f32 v4, v2  }
0x206: {  	v60 =	vld [tilespmem:s31+$0xFFFFFFD0]  }
0x207: {  	[tilespmem:s0+$0xFFFFFFDF] =	vst v4;
	v4 =	vadd.f32 v6, v2;
	v6 =	vadd.f32 v58, v7;
	v7 =	vld [tilespmem:s1+$0xFFFFFFD0]  }
0x208: {  	v5 =	vadd.f32 v5, v8;
	v8 =	vld [tilespmem:s31+$0xFFFFFFF0]  }
0x209: {  	v61 =	vld [tilespmem:s1+$0xFFFFFFF0];
	v3 =	vadd.f32 v57, v3;
	[tilespmem:s0+$0x0] =	vst v4;
	v4 =	vadd.f32 v6, v2  }
0x20a: {  	v5 =	vadd.f32 v5, v2;
	v6 =	vadd.f32 v59, v9;
	v62 =	vld [tilespmem:s31+$0x10]  }
0x20b: {  	v10 =	vadd.f32 v11, v10;
	v63 =	vld [tilespmem:s1+$0x10];
	v9 =	vadd.f32 v3, v1;
	[tilespmem:s0+$0x21] =	vst v4  }
0x20c: {  	[tilespmem:s0+$0xFFFFFF7C] =	vst v5;
	v5 =	vadd.f32 v6, v2;
	v3 =	vld [tilespmem:s31+$0x30];
	v7 =	vadd.f32 v7, v60  }
0x20d: {  	v4 =	vld [tilespmem:s31+$0xFFFFFF90];
	[tilespmem:s0+$0x73] =	vst v9;
	v9 =	vadd.f32 v10, v1  }
0x20e: {  	v6 =	vld [tilespmem:s1+$0xFFFFFF90];
	[tilespmem:s0+$0x42] =	vst v5;
	v8 =	vadd.f32 v61, v8;
	v10 =	vadd.f32 v7, v1  }
0x20f: {  	v7 =	vld [tilespmem:s1+$0x30];
	[tilespmem:s0+$0xFFFFFFAD] =	vst v9  }
0x210: {  	v5 =	vld [tilespmem:s31+$0x50];
	v9 =	vadd.f32 v8, v1;
	[tilespmem:s0+$0xFFFFFFCE] =	vst v10;
	v10 =	vadd.f32 v63, v62  }
0x211: {  	s6 =	simm.s32 $0xE980;
	s2 =	simm.s32 $0x0;
	v8 =	vld [tilespmem:s1+$0x50]  }
.LBB2_9:
0x212: {  	v11 =	vld [tilespmem:s6+$0x60];
	[tilespmem:s0+$0xFFFFFFEF] =	vst v9;
	v9 =	vadd.f32 v10, v1;
	s1 =	sadd.s32 $0x100, s1  }
0x213: {  	v10 =	vld [tilespmem:s1+$0x60];
	v4 =	vadd.f32 v6, v4  }
0x214: {  	s2 =	sadd.s32 $0x8, s2;
	v6 =	vld [tilespmem:s1+$0xFFFFFF80];
	[tilespmem:s0+$0x10] =	vst v9;
	v3 =	vadd.f32 v7, v3  }
0x215: {  	p1 =	slt.u32 s2, $0x78;
	v7 =	vld [tilespmem:s6+$0xFFFFFFA0];
	v4 =	vadd.f32 v4, v1  }
0x216: {  	v9 =	vld [tilespmem:s1+$0xFFFFFFA0];
	v3 =	vadd.f32 v3, v1;
	v5 =	vadd.f32 v8, v5  }
0x217: {  	v8 =	vld [tilespmem:s6+$0xFFFFFFC0];
	[tilespmem:s0+$0xFFFFFF8C] =	vst v4  }
0x218: {  	v4 =	vld [tilespmem:s1+$0xFFFFFFC0];
	v10 =	vadd.f32 v10, v11;
	[tilespmem:s0+$0x31] =	vst v3;
	v3 =	vadd.f32 v5, v1  }
0x219: {  	v5 =	vld [tilespmem:s6+$0xFFFFFFE0]  }
0x21a: {  	v11 =	vld [tilespmem:s1+$0xFFFFFFE0];
	v10 =	vadd.f32 v10, v2;
	[tilespmem:s0+$0x52] =	vst v3  }
0x21b: {  	s0 =	sadd.s32 $0x108, s0;
	v3 =	vadd.f32 v9, v7;
	v7 =	vld [tilespmem:s6+$0x0]  }
0x21c: {  	v9 =	vld [tilespmem:s1+$0x0];
	[tilespmem:s0+$0x63] =	vst v10  }
0x21d: {  	v3 =	vadd.f32 v3, v2;
	v4 =	vadd.f32 v4, v8;
	v8 =	vld [tilespmem:s6+$0x70]  }
0x21e: {  	v10 =	vld [tilespmem:s1+$0x70]  }
0x21f: {  	[tilespmem:s0+$0xFFFFFF9D] =	vst v3;
	v3 =	vadd.f32 v4, v2;
	v4 =	vadd.f32 v11, v5;
	v5 =	vld [tilespmem:s6+$0x20]  }
0x220: {  	v11 =	vld [tilespmem:s1+$0x20]  }
0x221: {  	[tilespmem:s0+$0xFFFFFFBE] =	vst v3;
	v3 =	vadd.f32 v4, v2;
	v4 =	vadd.f32 v9, v7;
	v7 =	vld [tilespmem:s6+$0x40]  }
0x222: {  	v9 =	vld [tilespmem:s1+$0x40]  }
0x223: {  	v12 =	vld [tilespmem:s6+$0xFFFFFF80];
	[tilespmem:s0+$0xFFFFFFDF] =	vst v3;
	v3 =	vadd.f32 v4, v2;
	v4 =	vadd.f32 v10, v8  }
0x224: {  	v8 =	vld [tilespmem:s6+$0xFFFFFFB0]  }
0x225: {  	v10 =	vld [tilespmem:s1+$0xFFFFFFB0];
	[tilespmem:s0+$0x0] =	vst v3;
	v3 =	vadd.f32 v11, v5;
	v4 =	vadd.f32 v4, v1  }
0x226: {  	v5 =	vld [tilespmem:s6+$0xFFFFFFD0]  }
0x227: {  	v11 =	vld [tilespmem:s1+$0xFFFFFFD0];
	v3 =	vadd.f32 v3, v2;
	v7 =	vadd.f32 v9, v7;
	[tilespmem:s0+$0x73] =	vst v4  }
0x228: {  	v4 =	vadd.f32 v6, v12;
	v9 =	vld [tilespmem:s6+$0xFFFFFFF0]  }
0x229: {  	v12 =	vld [tilespmem:s1+$0xFFFFFFF0];
	[tilespmem:s0+$0x21] =	vst v3;
	v3 =	vadd.f32 v7, v2  }
0x22a: {  	v4 =	vadd.f32 v4, v2;
	v6 =	vadd.f32 v10, v8;
	v8 =	vld [tilespmem:s6+$0x10]  }
0x22b: {  	v10 =	vld [tilespmem:s1+$0x10];
	[tilespmem:s0+$0x42] =	vst v3  }
0x22c: {  	[tilespmem:s0+$0xFFFFFF7C] =	vst v4;
	v7 =	vadd.f32 v6, v1;
	v5 =	vadd.f32 v11, v5;
	v3 =	vld [tilespmem:s6+$0x30]  }
.Ltmp3:
0x22d: {  	v4 =	vld [tilespmem:s6+$0xFFFFFF90];
	(pc) =	sbr.rel @p1 .LBB2_9-.Ltmp3, $4  }
0x22e: {  	v6 =	vld [tilespmem:s1+$0xFFFFFF90];
	[tilespmem:s0+$0xFFFFFFAD] =	vst v7;
	v5 =	vadd.f32 v5, v1;
	v9 =	vadd.f32 v12, v9  }
0x22f: {  	v7 =	vld [tilespmem:s1+$0x30]  }
0x230: {  	[tilespmem:s0+$0xFFFFFFCE] =	vst v5;
	v9 =	vadd.f32 v9, v1;
	v10 =	vadd.f32 v10, v8;
	v5 =	vld [tilespmem:s6+$0x50]  }
0x231: {  	s6 =	sadd.s32 $0x100, s6;
	v8 =	vld [tilespmem:s1+$0x50]  }
0x232: {  	_ =	sdelay $0x1  }
0x233: {  	v2 =	vadd.f32 v6, v4  }
0x234: {  	v4 =	vadd.f32 v10, v1;
	v3 =	vadd.f32 v7, v3  }
0x235: {  	[tilespmem:s0+$0xFFFFFFEF] =	vst v9;
	v2 =	vadd.f32 v2, v1;
	v5 =	vadd.f32 v8, v5  }
0x236: {  	[tilespmem:s0+$0x10] =	vst v4;
	v3 =	vadd.f32 v3, v1  }
0x237: {  	s15 =	simm.s32 $0x1;
	[tilespmem:s0+$0xFFFFFF8C] =	vst v2;
	v1 =	vadd.f32 v5, v1  }
0x238: {  	s1 =	simm.s32 @!p0 $0x80;
	s2 =	simm.s32 @!p0 $0xE800;
	s16 =	simm.s32 $0x2;
	v2 =	vadd.s32 s15, v0;
	[tilespmem:s0+$0x31] =	vst v3  }
0x239: {  	s14 =	simm.s32 $0x3;
	s17 =	simm.s32 $0x0;
	v3 =	vadd.s32 s16, v0;
	[tilespmem:s0+$0x52] =	vst v1;
	s0 =	sadd.s32 @!p0 $0x180, s5  }
0x23a: {  	v4 =	vadd.s32 s17, v0;
	[tilespmem:s2], [sflag:$0x3] =	stream.indirect.gather @!p0 [hbm4b:s7+s1], $0x20, s0, s1, $0xb8;
	[tilespmem:$0x151A0] =	vst v63  }
0x23b: {  	v1 =	vadd.s32 s14, v0;
	s0 =	sadd.s32 @!p0 $0x6580, s5;
	s5 =	simm.s32 @!p0 $0xF800  }
0x23c: {  	[tilespmem:s5], [sflag:$0x3] =	stream.indirect.gather @!p0 [hbm4b:s8+s1], $0x20, s0, s1, $0xb8;
	[tilespmem:$0x151A0] =	vst v63  }
0x23d: {  	s18 =	simm.s32 $0x213;
	s19 =	simm.s32 $0x180;
	v2 =	vld.idx.msk [tilespmem:v2+s29+$0x0], $0xffff  }
0x23e: {  	s21 =	simm.s32 $0x211;
	s22 =	simm.s32 $0x0;
	s23 =	simm.s32 $0x210;
	v3 =	vld.idx.msk [tilespmem:v3+s29+$0x0], $0xffff  }
0x23f: {  	s24 =	simm.s32 $0x212;
	s6 =	simm.s32 $0x80;
	v6 =	vadd.s32 s21, v0;
	s5 =	sand.u32 $0xC00, s22;
	v4 =	vld.idx.msk [tilespmem:v4+s29+$0x0], $0xffff  }
0x240: {  	s31 =	simm.s32 $0x100;
	s26 =	sand.u32 $0x280, s6;
	v7 =	vadd.s32 s24, v0;
	s25 =	sor.u32 $0x141A0, s5;
	v1 =	vld.idx.msk [tilespmem:v1+s29+$0x0], $0xffff  }
0x241: {  	s6 =	sand.u32 $0x300, s31;
	v5 =	vadd.s32 s18, v0;
	s1 =	sand.u32 $0x380, s19;
	s24 =	sadd.s32 s26, s25  }
0x242: {  	v8 =	vadd.s32 s23, v0;
	s21 =	sadd.s32 s1, s25;
	s1 =	sadd.s32 s6, s25;
	[tilespmem:s24+$0x0] =	vst v2  }
0x243: {  	s2 =	simm.s32 $0x141E0;
	[tilespmem:s1+$0x0] =	vst v3  }
0x244: {  	[tilespmem:s2+$0xFFFFFFC0] =	vst v4;
	v2 =	vld.idx.msk [tilespmem:v6+s29+$0x0], $0xffff  }
0x245: {  	s10 =	simm.s32 $0x421;
	[tilespmem:s21+$0x0] =	vst v1;
	v4 =	vld.idx.msk [tilespmem:v7+s29+$0x0], $0xffff  }
0x246: {  	s12 =	simm.s32 $0x422;
	v1 =	vld.idx.msk [tilespmem:v5+s29+$0x0], $0xffff;
	v5 =	vadd.s32 s10, v0  }
0x247: {  	s13 =	simm.s32 $0x420;
	v6 =	vld.idx.msk [tilespmem:v8+s29+$0x0], $0xffff;
	v7 =	vadd.s32 s12, v0  }
0x248: {  	s9 =	simm.s32 $0x423;
	v8 =	vadd.s32 s13, v0  }
0x249: {  	v3 =	vadd.s32 s9, v0  }
0x24a: {  	[tilespmem:s24+$0x10] =	vst v2  }
0x24b: {  	s5 =	simm.s32 $0x4;
	[tilespmem:s1+$0x10] =	vst v4;
	v2 =	vld.idx.msk [tilespmem:v5+s29+$0x0], $0xffff  }
0x24c: {  	s14 =	simm.s32 $0x6;
	v9 =	vadd.s32 s5, v0;
	[tilespmem:s2+$0xFFFFFFD0] =	vst v6;
	v5 =	vld.idx.msk [tilespmem:v7+s29+$0x0], $0xffff  }
0x24d: {  	s18 =	simm.s32 $0x7;
	[tilespmem:s21+$0x10] =	vst v1;
	v1 =	vadd.s32 s14, v0;
	v7 =	vld.idx.msk [tilespmem:v8+s29+$0x0], $0xffff  }
0x24e: {  	s15 =	simm.s32 $0x633;
	v10 =	vadd.s32 s18, v0;
	v3 =	vld.idx.msk [tilespmem:v3+s29+$0x0], $0xffff  }
0x24f: {  	s16 =	simm.s32 $0x631;
	v4 =	vadd.s32 s15, v0  }
0x250: {  	s17 =	simm.s32 $0x632;
	v6 =	vadd.s32 s16, v0  }
0x251: {  	s26 =	simm.s32 $0x214;
	v9 =	vld.idx.msk [tilespmem:v9+s29+$0x0], $0xffff;
	v8 =	vadd.s32 s17, v0  }
0x252: {  	s19 =	simm.s32 $0x630;
	v12 =	vadd.s32 s26, v0;
	v1 =	vld.idx.msk [tilespmem:v1+s29+$0x0], $0xffff;
	[tilespmem:s2+$0xFFFFFFE0] =	vst v7  }
0x253: {  	s22 =	simm.s32 $0x5;
	v11 =	vadd.s32 s19, v0;
	v7 =	vld.idx.msk [tilespmem:v10+s29+$0x0], $0xffff;
	[tilespmem:s21+$0x20] =	vst v3  }
0x254: {  	s23 =	simm.s32 $0x843;
	s19 =	simm.s32 $0x143E0;
	s14 =	simm.s32 $0x200;
	[tilespmem:s24+$0x20] =	vst v2;
	v3 =	vadd.s32 s22, v0;
	v2 =	vld.idx.msk [tilespmem:v4+s29+$0x0], $0xffff  }
0x255: {  	s25 =	simm.s32 $0x841;
	s10 =	simm.s32 $0x380;
	s6 =	sand.u32 $0xC00, s14;
	[tilespmem:s1+$0x20] =	vst v5;
	v5 =	vadd.s32 s23, v0;
	v4 =	vld.idx.msk [tilespmem:v6+s29+$0x0], $0xffff  }
0x256: {  	s9 =	simm.s32 $0x217;
	s16 =	sand.u32 $0x380, s10;
	[tilespmem:s19+$0xFFFFFFC0] =	vst v9;
	s6 =	sor.u32 $0x141A0, s6;
	v6 =	vld.idx.msk [tilespmem:v8+s29+$0x0], $0xffff;
	v8 =	vadd.s32 s25, v0  }
0x257: {  	s26 =	simm.s32 $0x842;
	v9 =	vld.idx.msk [tilespmem:v12+s29+$0x0], $0xffff;
	v10 =	vadd.s32 s9, v0;
	s9 =	sadd.s32 s16, s6  }
0x258: {  	s12 =	simm.s32 $0x216;
	s15 =	simm.s32 $0x300;
	v12 =	vadd.s32 s26, v0;
	v11 =	vld.idx.msk [tilespmem:v11+s29+$0x0], $0xffff;
	[tilespmem:s9+$0x0] =	vst v7  }
0x259: {  	s31 =	simm.s32 $0x215;
	v13 =	vadd.s32 s12, v0;
	s0 =	sand.u32 $0x300, s15;
	[tilespmem:s21+$0x30] =	vst v2;
	v2 =	vld.idx.msk [tilespmem:v3+s29+$0x0], $0xffff  }
0x25a: {  	s17 =	simm.s32 $0xA53;
	s22 =	sadd.s32 s0, s6;
	v3 =	vadd.s32 s31, v0;
	[tilespmem:s24+$0x30] =	vst v4;
	v4 =	vld.idx.msk [tilespmem:v5+s29+$0x0], $0xffff  }
0x25b: {  	s13 =	simm.s32 $0x280;
	s25 =	simm.s32 $0x424;
	[tilespmem:s22+$0x0] =	vst v1;
	v5 =	vld.idx.msk [tilespmem:v8+s29+$0x0], $0xffff;
	v8 =	vadd.s32 s17, v0  }
0x25c: {  	s18 =	simm.s32 $0xA51;
	s23 =	sand.u32 $0x280, s13;
	v1 =	vld.idx.msk [tilespmem:v10+s29+$0x0], $0xffff;
	v10 =	vadd.s32 s25, v0;
	[tilespmem:s1+$0x30] =	vst v6  }
0x25d: {  	[tilespmem:s19+$0xFFFFFFD0] =	vst v9;
	s10 =	sadd.s32 s23, s6;
	s0 =	simm.s32 $0x8;
	v7 =	vadd.s32 s18, v0;
	v12 =	vld.idx.msk [tilespmem:v12+s29+$0x0], $0xffff  }
0x25e: {  	s31 =	simm.s32 $0x427;
	[tilespmem:s10+$0x0] =	vst v2;
	v2 =	vld.idx.msk [tilespmem:v13+s29+$0x0], $0xffff;
	v13 =	vadd.s32 s0, v0  }
0x25f: {  	s6 =	simm.s32 $0x840;
	v3 =	vld.idx.msk [tilespmem:v3+s29+$0x0], $0xffff;
	[tilespmem:s21+$0x40] =	vst v4;
	v4 =	vadd.s32 s31, v0  }
0x260: {  	s12 =	simm.s32 $0x425;
	[tilespmem:s24+$0x40] =	vst v5;
	v5 =	vld.idx.msk [tilespmem:v8+s29+$0x0], $0xffff;
	v8 =	vadd.s32 s6, v0  }
0x261: {  	v9 =	vadd.s32 s12, v0;
	s13 =	simm.s32 $0x426;
	v6 =	vld.idx.msk [tilespmem:v10+s29+$0x0], $0xffff  }
0x262: {  	s14 =	simm.s32 $0xC61;
	v10 =	vadd.s32 s13, v0;
	[tilespmem:s9+$0x10] =	vst v1;
	v7 =	vld.idx.msk [tilespmem:v7+s29+$0x0], $0xffff  }
0x263: {  	s15 =	simm.s32 $0xA;
	v1 =	vadd.s32 s14, v0;
	[tilespmem:s1+$0x40] =	vst v12;
	v12 =	vld.idx.msk [tilespmem:v13+s29+$0x0], $0xffff  }
0x264: {  	s26 =	simm.s32 $0x634;
	[tilespmem:s2+$0xFFFFFFF0] =	vst v11;
	v11 =	vadd.s32 s15, v0;
	v4 =	vld.idx.msk [tilespmem:v4+s29+$0x0], $0xffff  }
0x265: {  	s16 =	simm.s32 $0xA52;
	v13 =	vadd.s32 s26, v0;
	[tilespmem:s10+$0x10] =	vst v3;
	v3 =	vld.idx.msk [tilespmem:v8+s29+$0x0], $0xffff  }
0x266: {  	s17 =	simm.s32 $0x637;
	[tilespmem:s22+$0x10] =	vst v2;
	v2 =	vld.idx.msk [tilespmem:v9+s29+$0x0], $0xffff;
	v8 =	vadd.s32 s16, v0  }
0x267: {  	s18 =	simm.s32 $0x635;
	[tilespmem:s24+$0x50] =	vst v7;
	v7 =	vld.idx.msk [tilespmem:v10+s29+$0x0], $0xffff;
	v9 =	vadd.s32 s17, v0  }
0x268: {  	s23 =	simm.s32 $0x636;
	[tilespmem:s19+$0xFFFFFFE0] =	vst v6;
	v10 =	vadd.s32 s18, v0;
	v14 =	vld.idx.msk [tilespmem:v1+s29+$0x0], $0xffff  }
0x269: {  	s25 =	simm.s32 $0xA50;
	[tilespmem:s21+$0x50] =	vst v5;
	v1 =	vld.idx.msk [tilespmem:v11+s29+$0x0], $0xffff;
	v11 =	vadd.s32 s23, v0  }
0x26a: {  	s31 =	simm.s32 $0xB;
	v6 =	vadd.s32 s25, v0;
	v5 =	vld.idx.msk [tilespmem:v13+s29+$0x0], $0xffff;
	[tilespmem:s9+$0x20] =	vst v4  }
0x26b: {  	s12 =	simm.s32 $0x218;
	v4 =	vld.idx.msk [tilespmem:v8+s29+$0x0], $0xffff;
	v8 =	vadd.s32 s31, v0;
	[tilespmem:s10+$0x20] =	vst v2  }
0x26c: {  	s13 =	simm.s32 $0xC62;
	v2 =	vld.idx.msk [tilespmem:v9+s29+$0x0], $0xffff;
	v9 =	vadd.s32 s12, v0;
	[tilespmem:s22+$0x20] =	vst v7  }
0x26d: {  	s14 =	simm.s32 $0x9;
	[tilespmem:s2+$0x0] =	vst v3;
	v3 =	vadd.s32 s13, v0;
	v10 =	vld.idx.msk [tilespmem:v10+s29+$0x0], $0xffff  }
0x26e: {  	s16 =	simm.s32 $0x847;
	s23 =	simm.s32 $0x145E0;
	v7 =	vld.idx.msk [tilespmem:v11+s29+$0x0], $0xffff;
	v11 =	vadd.s32 s14, v0  }
0x26f: {  	s15 =	simm.s32 $0x845;
	[tilespmem:s23+$0xFFFFFFC0] =	vst v12;
	v13 =	vadd.s32 s16, v0;
	v6 =	vld.idx.msk [tilespmem:v6+s29+$0x0], $0xffff  }
0x270: {  	s17 =	simm.s32 $0xC63;
	v12 =	vadd.s32 s15, v0;
	v8 =	vld.idx.msk [tilespmem:v8+s29+$0x0], $0xffff;
	[tilespmem:s1+$0x50] =	vst v4  }
0x271: {  	s25 =	simm.s32 $0xC60;
	s18 =	simm.s32 $0x400;
	v9 =	vld.idx.msk [tilespmem:v9+s29+$0x0], $0xffff;
	[tilespmem:s9+$0x30] =	vst v2;
	v2 =	vadd.s32 s17, v0  }
0x272: {  	s26 =	sand.u32 $0xC00, s18;
	s31 =	simm.s32 $0x21B;
	[tilespmem:s19+$0xFFFFFFF0] =	vst v5;
	v4 =	vadd.s32 s25, v0;
	v3 =	vld.idx.msk [tilespmem:v3+s29+$0x0], $0xffff  }
0x273: {  	s18 =	simm.s32 $0xE72;
	s13 =	simm.s32 $0x580;
	s14 =	simm.s32 $0x21A;
	[tilespmem:s10+$0x30] =	vst v10;
	v10 =	vadd.s32 s31, v0;
	v11 =	vld.idx.msk [tilespmem:v11+s29+$0x0], $0xffff  }
0x274: {  	s15 =	sor.u32 $0x141A0, s26;
	s12 =	simm.s32 $0x500;
	[tilespmem:s22+$0x30] =	vst v7;
	v7 =	vadd.s32 s14, v0;
	s14 =	sand.u32 $0x380, s13;
	v5 =	vld.idx.msk [tilespmem:v13+s29+$0x0], $0xffff  }
0x275: {  	s16 =	simm.s32 $0x219;
	s17 =	sand.u32 $0x300, s12;
	[tilespmem:s2+$0x10] =	vst v6;
	v6 =	vadd.s32 s18, v0;
	v12 =	vld.idx.msk [tilespmem:v12+s29+$0x0], $0xffff;
	s6 =	sadd.s32 s14, s15  }
0x276: {  	s26 =	simm.s32 $0xA57;
	v13 =	vadd.s32 s16, v0;
	s12 =	sadd.s32 s17, s15;
	[tilespmem:s6+$0x0] =	vst v8;
	v8 =	vld.idx.msk [tilespmem:v2+s29+$0x0], $0xffff  }
0x277: {  	s25 =	simm.s32 $0x480;
	s31 =	simm.s32 $0xA55;
	[tilespmem:s12+$0x0] =	vst v1;
	v1 =	vadd.s32 s26, v0;
	v15 =	vld.idx.msk [tilespmem:v4+s29+$0x0], $0xffff  }
0x278: {  	[tilespmem:s24+$0x60] =	vst v14;
	s18 =	simm.s32 $0xE70;
	s14 =	sand.u32 $0x280, s25;
	v2 =	vld.idx.msk [tilespmem:v10+s29+$0x0], $0xffff;
	v10 =	vadd.s32 s31, v0  }
0x279: {  	s26 =	simm.s32 $0xE73;
	s25 =	sadd.s32 s14, s15;
	[tilespmem:s1+$0x60] =	vst v3;
	v16 =	vld.idx.msk [tilespmem:v7+s29+$0x0], $0xffff;
	v3 =	vadd.s32 s18, v0  }
0x27a: {  	[tilespmem:s25+$0x0] =	vst v11;
	s31 =	simm.s32 $0x428;
	v11 =	vadd.s32 s26, v0;
	v6 =	vld.idx.msk [tilespmem:v6+s29+$0x0], $0xffff  }
0x27b: {  	[tilespmem:s9+$0x40] =	vst v5;
	v17 =	vadd.s32 s31, v0;
	v4 =	vld.idx.msk [tilespmem:v13+s29+$0x0], $0xffff  }
0x27c: {  	s16 =	simm.s32 $0xE71;
	[tilespmem:s10+$0x40] =	vst v12;
	v1 =	vld.idx.msk [tilespmem:v1+s29+$0x0], $0xffff  }
0x27d: {  	s17 =	simm.s32 $0x846;
	v12 =	vadd.s32 s16, v0;
	[tilespmem:s2+$0x20] =	vst v15;
	v5 =	vld.idx.msk [tilespmem:v10+s29+$0x0], $0xffff  }
0x27e: {  	s18 =	simm.s32 $0x42B;
	v13 =	vadd.s32 s17, v0;
	[tilespmem:s21+$0x60] =	vst v8;
	v8 =	vld.idx.msk [tilespmem:v3+s29+$0x0], $0xffff  }
0x27f: {  	[tilespmem:s23+$0xFFFFFFD0] =	vst v9;
	s26 =	simm.s32 $0x844;
	v7 =	vadd.s32 s18, v0;
	s31 =	simm.s32 $0x429;
	v10 =	vld.idx.msk [tilespmem:v11+s29+$0x0], $0xffff  }
0x280: {  	s15 =	simm.s32 $0x42A;
	s16 =	simm.s32 $0xC;
	v9 =	vadd.s32 s31, v0;
	v11 =	vadd.s32 s26, v0;
	[tilespmem:s12+$0x10] =	vst v16;
	v3 =	vld.idx.msk [tilespmem:v17+s29+$0x0], $0xffff  }
.LBB2_11:
0x281: {  	s17 =	sadd.s32 $0x1, s16;
	v15 =	vadd.s32 s15, v0;
	s18 =	sadd.s32 $0xC61, s5;
	s15 =	smov.u32 s16  }
0x282: {  	v14 =	vadd.s32 s16, v0;
	v12 =	vld.idx.msk [tilespmem:v12+s29+$0x0], $0xffff;
	[tilespmem:s1+$0x70] =	vst v6;
	s14 =	sadd.s32 $0x4, s16;
	s1 =	smov.u32 s22;
	s22 =	smov.u32 s12  }
0x283: {  	p0 =	slt.u32 s16, $0x1C;
	v6 =	vadd.s32 s17, v0;
	s12 =	sadd.s32 $0x2, s15;
	[tilespmem:s6+$0x10] =	vst v2;
	v2 =	vadd.s32 s18, v0;
	v13 =	vld.idx.msk [tilespmem:v13+s29+$0x0], $0xffff  }
0x284: {  	v16 =	vadd.s32 s12, v0;
	s12 =	sadd.s32 $0x3, s15;
	v7 =	vld.idx.msk [tilespmem:v7+s29+$0x0], $0xffff;
	[tilespmem:s10+$0x50] =	vst v5  }
0x285: {  	v5 =	vadd.s32 s12, v0;
	[tilespmem:s25+$0x10] =	vst v4;
	v4 =	vld.idx.msk [tilespmem:v11+s29+$0x0], $0xffff;
	s12 =	sadd.s32 $0xA52, s5  }
0x286: {  	s16 =	sadd.s32 $0x633, s0;
	v9 =	vld.idx.msk [tilespmem:v9+s29+$0x0], $0xffff;
	v11 =	vadd.s32 s12, v0;
	[tilespmem:s2+$0x30] =	vst v8;
	s2 =	smov.u32 s19;
	s19 =	smov.u32 s23  }
0x287: {  	s12 =	sadd.s32 $0x631, s0;
	v8 =	vld.idx.msk [tilespmem:v15+s29+$0x0], $0xffff;
	v15 =	vadd.s32 s16, v0;
	[tilespmem:s21+$0x70] =	vst v10;
	s21 =	smov.u32 s9;
	s9 =	smov.u32 s6  }
0x288: {  	s6 =	sadd.s32 $0x210, s15;
	v10 =	vadd.s32 s12, v0;
	s12 =	sadd.s32 $0x632, s0;
	s16 =	sadd.s32 $0xA50, s5;
	v17 =	vld.idx.msk [tilespmem:v2+s29+$0x0], $0xffff;
	[tilespmem:s24+$0x70] =	vst v12  }
0x289: {  	s13 =	sadd.s32 $0x200, s13;
	s23 =	sadd.s32 $0x200, s23;
	v2 =	vadd.s32 s6, v0;
	s6 =	sadd.s32 $0x211, s15;
	v12 =	vld.idx.msk [tilespmem:v16+s29+$0x0], $0xffff;
	v16 =	vadd.s32 s12, v0;
	[tilespmem:s1+$0x40] =	vst v13  }
0x28a: {  	s17 =	sadd.s32 $0x630, s0;
	s12 =	sadd.s32 $0xFFFFFE80, s13;
	v13 =	vld.idx.msk [tilespmem:v14+s29+$0x0], $0xffff;
	v14 =	vadd.s32 s6, v0;
	s6 =	sadd.s32 $0x212, s15;
	[tilespmem:s19+$0xFFFFFFE0] =	vst v3;
	v3 =	vadd.s32 s16, v0  }
0x28b: {  	v19 =	vadd.s32 s17, v0;
	s12 =	sand.u32 $0xC00, s12;
	s16 =	sadd.s32 $0xFFFFFF00, s13;
	v18 =	vadd.s32 s6, v0;
	s6 =	sadd.s32 $0x213, s15;
	[tilespmem:s9+$0x20] =	vst v7;
	v7 =	vld.idx.msk [tilespmem:v11+s29+$0x0], $0xffff  }
0x28c: {  	s16 =	sand.u32 $0x280, s16;
	s17 =	sor.u32 $0x141A0, s12;
	s12 =	sadd.s32 $0xFFFFFF80, s13;
	v11 =	vadd.s32 s6, v0;
	[tilespmem:s25+$0x20] =	vst v9;
	v9 =	vld.idx.msk [tilespmem:v15+s29+$0x0], $0xffff  }
0x28d: {  	s18 =	sadd.s32 $0xC62, s5;
	s16 =	sadd.s32 s16, s17;
	s6 =	sand.u32 $0x300, s12;
	v10 =	vld.idx.msk [tilespmem:v10+s29+$0x0], $0xffff;
	[tilespmem:s22+$0x20] =	vst v8  }
0x28e: {  	s24 =	smov.u32 s10;
	s12 =	sadd.s32 s6, s17;
	s6 =	sand.u32 $0x380, s13;
	v8 =	vld.idx.msk [tilespmem:v16+s29+$0x0], $0xffff;
	[tilespmem:s2+$0x0] =	vst v4;
	v4 =	vadd.s32 s18, v0  }
0x28f: {  	s10 =	smov.u32 s25;
	s6 =	sadd.s32 s6, s17;
	s17 =	sadd.s32 $0x841, s0;
	v3 =	vld.idx.msk [tilespmem:v3+s29+$0x0], $0xffff;
	[tilespmem:s21+$0x50] =	vst v1  }
0x290: {  	s25 =	smov.u32 s16;
	[tilespmem:s23+$0xFFFFFFC0] =	vst v13;
	v1 =	vld.idx.msk [tilespmem:v19+s29+$0x0], $0xffff;
	v13 =	vadd.s32 s17, v0;
	s17 =	sadd.s32 $0x843, s0  }
0x291: {  	s16 =	sadd.s32 $0xC63, s5;
	v5 =	vld.idx.msk [tilespmem:v5+s29+$0x0], $0xffff;
	v15 =	vadd.s32 s17, v0;
	[tilespmem:s1+$0x50] =	vst v7  }
0x292: {  	s17 =	sadd.s32 $0xC60, s5;
	v16 =	vld.idx.msk [tilespmem:v2+s29+$0x0], $0xffff;
	[tilespmem:s9+$0x30] =	vst v9;
	v2 =	vadd.s32 s16, v0  }
0x293: {  	v7 =	vadd.s32 s17, v0;
	[tilespmem:s10+$0x30] =	vst v10;
	v4 =	vld.idx.msk [tilespmem:v4+s29+$0x0], $0xffff  }
0x294: {  	v6 =	vld.idx.msk [tilespmem:v6+s29+$0x0], $0xffff;
	[tilespmem:s22+$0x30] =	vst v8  }
0x295: {  	s16 =	sadd.s32 $0xE72, s5;
	v8 =	vld.idx.msk [tilespmem:v13+s29+$0x0], $0xffff;
	[tilespmem:s2+$0x10] =	vst v3  }
0x296: {  	v3 =	vadd.s32 s16, v0;
	[tilespmem:s19+$0xFFFFFFF0] =	vst v1;
	v1 =	vld.idx.msk [tilespmem:v15+s29+$0x0], $0xffff  }
0x297: {  	s16 =	sadd.s32 $0xA53, s0;
	[tilespmem:s6+$0x0] =	vst v5;
	v5 =	vld.idx.msk [tilespmem:v2+s29+$0x0], $0xffff  }
0x298: {  	s17 =	sadd.s32 $0xA51, s0;
	v9 =	vadd.s32 s16, v0;
	[tilespmem:s12+$0x0] =	vst v12;
	v7 =	vld.idx.msk [tilespmem:v7+s29+$0x0], $0xffff  }
0x299: {  	v10 =	vadd.s32 s17, v0;
	s16 =	sadd.s32 $0xE70, s5;
	v2 =	vld.idx.msk [tilespmem:v11+s29+$0x0], $0xffff;
	[tilespmem:s1+$0x60] =	vst v4  }
0x29a: {  	v11 =	vadd.s32 s16, v0;
	s16 =	sadd.s32 $0xE73, s5;
	[tilespmem:s25+$0x0] =	vst v6;
	v15 =	vld.idx.msk [tilespmem:v18+s29+$0x0], $0xffff  }
0x29b: {  	s17 =	sadd.s32 $0x420, s15;
	[tilespmem:s10+$0x40] =	vst v8;
	v6 =	vld.idx.msk [tilespmem:v3+s29+$0x0], $0xffff;
	v3 =	vadd.s32 s16, v0  }
0x29c: {  	v18 =	vadd.s32 s17, v0;
	s16 =	sadd.s32 $0xE71, s5;
	s5 =	smov.u32 s0;
	s0 =	smov.u32 s15;
	v4 =	vld.idx.msk [tilespmem:v14+s29+$0x0], $0xffff;
	[tilespmem:s9+$0x40] =	vst v1  }
.Ltmp4:
0x29d: {  	s15 =	sadd.s32 $0x842, s5;
	v12 =	vadd.s32 s16, v0;
	v1 =	vld.idx.msk [tilespmem:v9+s29+$0x0], $0xffff;
	[tilespmem:s21+$0x60] =	vst v5;
	(pc) =	sbr.rel @p0 .LBB2_11-.Ltmp4, $4  }
0x29e: {  	s16 =	sadd.s32 $0x423, s0;
	v13 =	vadd.s32 s15, v0;
	v5 =	vld.idx.msk [tilespmem:v10+s29+$0x0], $0xffff;
	[tilespmem:s2+$0x20] =	vst v7  }
0x29f: {  	s15 =	sadd.s32 $0x840, s5;
	v7 =	vadd.s32 s16, v0;
	v8 =	vld.idx.msk [tilespmem:v11+s29+$0x0], $0xffff;
	[tilespmem:s24+$0x60] =	vst v17  }
0x2a0: {  	s16 =	sadd.s32 $0x421, s0;
	v11 =	vadd.s32 s15, v0;
	[tilespmem:s23+$0xFFFFFFD0] =	vst v16;
	v10 =	vld.idx.msk [tilespmem:v3+s29+$0x0], $0xffff  }
0x2a1: {  	v9 =	vadd.s32 s16, v0;
	s15 =	sadd.s32 $0x422, s0;
	s16 =	smov.u32 s14;
	v3 =	vld.idx.msk [tilespmem:v18+s29+$0x0], $0xffff;
	[tilespmem:s12+$0x10] =	vst v15  }
0x2a2: {  	_ =	sdelay $0x3  }
0x2a3: {  	v13 =	vld.idx.msk [tilespmem:v13+s29+$0x0], $0xffff;
	s13 =	sadd.s32 $0xA52, s5;
	v28 =	vadd.s32 s15, v0  }
0x2a4: {  	v14 =	vadd.s32 s13, v0  }
0x2a5: {  	[tilespmem:s1+$0x70] =	vst v6  }
0x2a6: {  	[tilespmem:s6+$0x10] =	vst v2  }
0x2a7: {  	v30 =	vld.idx.msk [tilespmem:v11+s29+$0x0], $0xffff;
	[tilespmem:s25+$0x10] =	vst v4;
	s13 =	sadd.s32 $0xA50, s5  }
0x2a8: {  	s14 =	sadd.s32 $0x632, s0;
	v32 =	vadd.s32 s13, v0;
	[tilespmem:s22+$0x40] =	vst v13;
	v2 =	vld.idx.msk [tilespmem:v28+s29+$0x0], $0xffff  }
0x2a9: {  	v33 =	vadd.s32 s14, v0;
	[tilespmem:s2+$0x30] =	vst v8;
	s2 =	sadd.s32 $0xC62, s5;
	v29 =	vld.idx.msk [tilespmem:v14+s29+$0x0], $0xffff  }
0x2aa: {  	v12 =	vld.idx.msk [tilespmem:v12+s29+$0x0], $0xffff;
	[tilespmem:s21+$0x70] =	vst v10;
	v31 =	vadd.s32 s2, v0  }
0x2ab: {  	s15 =	sadd.s32 $0x630, s0;
	v7 =	vld.idx.msk [tilespmem:v7+s29+$0x0], $0xffff;
	[tilespmem:s23+$0xFFFFFFE0] =	vst v3  }
0x2ac: {  	s16 =	sadd.s32 $0x633, s0;
	v34 =	vadd.s32 s15, v0;
	v9 =	vld.idx.msk [tilespmem:v9+s29+$0x0], $0xffff;
	[tilespmem:s19+$0x0] =	vst v30  }
0x2ad: {  	s17 =	sadd.s32 $0x631, s0;
	v35 =	vadd.s32 s16, v0;
	[tilespmem:s12+$0x20] =	vst v2;
	v2 =	vld.idx.msk [tilespmem:v32+s29+$0x0], $0xffff  }
0x2ae: {  	v36 =	vadd.s32 s17, v0;
	s21 =	sadd.s32 $0xC60, s5;
	[tilespmem:s22+$0x50] =	vst v29;
	v3 =	vld.idx.msk [tilespmem:v33+s29+$0x0], $0xffff  }
0x2af: {  	s18 =	sadd.s32 $0xE72, s5;
	v39 =	vadd.s32 s21, v0;
	[tilespmem:s24+$0x70] =	vst v12;
	v37 =	vld.idx.msk [tilespmem:v31+s29+$0x0], $0xffff  }
0x2b0: {  	v38 =	vadd.s32 s18, v0;
	s24 =	sadd.s32 $0x842, s0;
	[tilespmem:s6+$0x20] =	vst v7  }
0x2b1: {  	s26 =	sadd.s32 $0x840, s0;
	v4 =	vld.idx.msk [tilespmem:v34+s29+$0x0], $0xffff;
	v40 =	vadd.s32 s24, v0;
	[tilespmem:s25+$0x20] =	vst v9  }
0x2b2: {  	s31 =	sadd.s32 $0x843, s0;
	v42 =	vadd.s32 s26, v0;
	v41 =	vld.idx.msk [tilespmem:v35+s29+$0x0], $0xffff;
	[tilespmem:s19+$0x10] =	vst v2  }
0x2b3: {  	v43 =	vadd.s32 s31, v0;
	s2 =	sadd.s32 $0x841, s0;
	v8 =	vld.idx.msk [tilespmem:v36+s29+$0x0], $0xffff;
	[tilespmem:s12+$0x30] =	vst v3  }
0x2b4: {  	v44 =	vadd.s32 s2, v0;
	v3 =	vld.idx.msk [tilespmem:v39+s29+$0x0], $0xffff;
	[tilespmem:s22+$0x60] =	vst v37  }
0x2b5: {  	[tilespmem:s10+$0x50] =	vst v5;
	s21 =	sadd.s32 $0xC61, s5;
	v2 =	vld.idx.msk [tilespmem:v38+s29+$0x0], $0xffff  }
0x2b6: {  	s14 =	sadd.s32 $0xA52, s0;
	v52 =	vadd.s32 s21, v0;
	[tilespmem:s23+$0xFFFFFFF0] =	vst v4;
	v46 =	vld.idx.msk [tilespmem:v40+s29+$0x0], $0xffff  }
0x2b7: {  	s15 =	sadd.s32 $0xA50, s0;
	v48 =	vadd.s32 s14, v0;
	[tilespmem:s6+$0x30] =	vst v41;
	v47 =	vld.idx.msk [tilespmem:v42+s29+$0x0], $0xffff  }
0x2b8: {  	s16 =	sadd.s32 $0xA53, s0;
	v50 =	vadd.s32 s15, v0;
	[tilespmem:s25+$0x30] =	vst v8;
	v49 =	vld.idx.msk [tilespmem:v43+s29+$0x0], $0xffff  }
0x2b9: {  	s17 =	sadd.s32 $0xA51, s0;
	v51 =	vadd.s32 s16, v0;
	v10 =	vld.idx.msk [tilespmem:v44+s29+$0x0], $0xffff;
	[tilespmem:s19+$0x20] =	vst v3  }
0x2ba: {  	s18 =	sadd.s32 $0xC63, s5;
	[tilespmem:s22+$0x70] =	vst v2;
	v2 =	vadd.s32 s17, v0  }
0x2bb: {  	s13 =	sadd.s32 $0xE70, s5;
	v5 =	vld.idx.msk [tilespmem:v52+s29+$0x0], $0xffff;
	v3 =	vadd.s32 s18, v0;
	[tilespmem:s12+$0x40] =	vst v46  }
0x2bc: {  	v45 =	vadd.s32 s13, v0;
	[tilespmem:s23+$0x0] =	vst v47;
	v7 =	vld.idx.msk [tilespmem:v48+s29+$0x0], $0xffff;
	s22 =	sadd.s32 $0xC62, s0  }
0x2bd: {  	s24 =	sadd.s32 $0xC60, s0;
	[tilespmem:s6+$0x40] =	vst v49;
	v54 =	vld.idx.msk [tilespmem:v50+s29+$0x0], $0xffff;
	v53 =	vadd.s32 s22, v0  }
0x2be: {  	s26 =	sadd.s32 $0xC63, s0;
	v56 =	vadd.s32 s24, v0;
	[tilespmem:s25+$0x40] =	vst v10;
	v55 =	vld.idx.msk [tilespmem:v51+s29+$0x0], $0xffff  }
0x2bf: {  	[tilespmem:s9+$0x50] =	vst v1;
	s13 =	sadd.s32 $0xE71, s5;
	v1 =	vld.idx.msk [tilespmem:v2+s29+$0x0], $0xffff;
	v2 =	vadd.s32 s26, v0  }
0x2c0: {  	s2 =	sadd.s32 $0xE73, s5;
	v59 =	vadd.s32 s13, v0;
	[tilespmem:s10+$0x60] =	vst v5;
	v3 =	vld.idx.msk [tilespmem:v3+s29+$0x0], $0xffff  }
0x2c1: {  	s31 =	sadd.s32 $0xC61, s0;
	v58 =	vadd.s32 s2, v0;
	v4 =	vld.idx.msk [tilespmem:v45+s29+$0x0], $0xffff;
	[tilespmem:s12+$0x50] =	vst v7  }
0x2c2: {  	v57 =	vadd.s32 s31, v0;
	s14 =	sadd.s32 $0xE72, s0;
	[tilespmem:s23+$0x10] =	vst v54;
	v6 =	vld.idx.msk [tilespmem:v53+s29+$0x0], $0xffff  }
0x2c3: {  	s15 =	sadd.s32 $0xE70, s0;
	v60 =	vadd.s32 s14, v0;
	[tilespmem:s6+$0x50] =	vst v55;
	v61 =	vld.idx.msk [tilespmem:v56+s29+$0x0], $0xffff  }
0x2c4: {  	[tilespmem:s25+$0x50] =	vst v1;
	v1 =	vld.idx.msk [tilespmem:v2+s29+$0x0], $0xffff;
	v2 =	vadd.s32 s15, v0  }
0x2c5: {  	v5 =	vld.idx.msk [tilespmem:v59+s29+$0x0], $0xffff;
	[tilespmem:s9+$0x60] =	vst v3  }
0x2c6: {  	s16 =	sadd.s32 $0xE73, s0;
	[tilespmem:s19+$0x30] =	vst v4;
	v4 =	vld.idx.msk [tilespmem:v58+s29+$0x0], $0xffff  }
0x2c7: {  	v62 =	vadd.s32 s16, v0;
	s17 =	sadd.s32 $0xE71, s0;
	v3 =	vld.idx.msk [tilespmem:v57+s29+$0x0], $0xffff;
	[tilespmem:s12+$0x60] =	vst v6  }
0x2c8: {  	v63 =	vadd.s32 s17, v0;
	[tilespmem:s23+$0x20] =	vst v61;
	v6 =	vld.idx.msk [tilespmem:v60+s29+$0x0], $0xffff  }
0x2c9: {  	[tilespmem:s6+$0x60] =	vst v1;
	v1 =	vld.idx.msk [tilespmem:v2+s29+$0x0], $0xffff  }
0x2ca: {  	[tilespmem:s10+$0x70] =	vst v5  }
0x2cb: {  	[tilespmem:s9+$0x70] =	vst v4  }
0x2cc: {  	[tilespmem:s25+$0x60] =	vst v3;
	v2 =	vld.idx.msk [tilespmem:v62+s29+$0x0], $0xffff  }
0x2cd: {  	v3 =	vld.idx.msk [tilespmem:v63+s29+$0x0], $0xffff;
	[tilespmem:s12+$0x70] =	vst v6  }
0x2ce: {  	[tilespmem:s23+$0x30] =	vst v1  }
0x2cf: {  	s19 =	sld [smem:$0x7F7];
	_ =	sdelay $0x1  }
0x2d0: {  	s18 =	sshll.u32 s11, $0x12;
	[tilespmem:s6+$0x70] =	vst v2  }
0x2d1: {  	[tilespmem:s25+$0x70] =	vst v3;
	s1 =	sadd.s32 s19, s18  }
0x2d2: {  	s22 =	sld [smem:$0x7F8];
	s1 =	sshrl.u32 s1, $0x3  }
0x2d3: {  	s21 =	simm.s32 $0x141A0;
	s1 =	sadd.s32 s3, s1  }
0x2d4: {  	[hbm4b:s1+s4] =	stream.linear.scatter [tilespmem:s21], [sflag:$0x5], $0x400, $0x38;
	[tilespmem:$0x151A0] =	vst v63  }
0x2d5: {  	s1 =	sadd.s32 s22, s18  }
0x2d6: {  	s11 =	sadd.s32 $0x1, s11;
	s24 =	sld [smem:$0x7F9];
	s1 =	sshrl.u32 s1, $0x3  }
0x2d7: {  	s23 =	simm.s32 $0x145A0;
	s26 =	sld [smem:$0x7FA];
	s1 =	sadd.s32 s3, s1  }
0x2d8: {  	[hbm4b:s1+s4] =	stream.linear.scatter [tilespmem:s23], [sflag:$0x5], $0x400, $0x38;
	[tilespmem:$0x151A0] =	vst v63  }
0x2d9: {  	p0 =	sne.s32 s11, $0x64;
	s1 =	sadd.s32 s24, s18  }
.Ltmp5:
0x2da: {  	s0 =	sadd.s32 s26, s18;
	s1 =	sshrl.u32 s1, $0x3;
	(pc) =	sbr.rel @p0 .LBB2_4-.Ltmp5, $4  }
0x2db: {  	s25 =	simm.s32 $0x149A0;
	s0 =	sshrl.u32 s0, $0x3;
	s1 =	sadd.s32 s3, s1  }
0x2dc: {  	[hbm4b:s1+s4] =	stream.linear.scatter [tilespmem:s25], [sflag:$0x5], $0x400, $0x38;
	[tilespmem:$0x151A0] =	vst v63  }
0x2dd: {  	s31 =	simm.s32 $0x14DA0;
	s0 =	sadd.s32 s3, s0  }
0x2de: {  	[hbm4b:s0+s4] =	stream.linear.scatter [tilespmem:s31], [sflag:$0x5], $0x400, $0x38;
	[tilespmem:$0x151A0] =	vst v63  }
0x2df: {  	s0 =	simm.s32 $0x4  }
0x2e0: {  	_ =	swait.ge [sflag:s0], $0x1000  }
0x2e1: {  	[sflag:s0] =	ssyncset.done $0x0  }
0x2e2: {  	s1 =	simm.s32 $0x5;
	[sflag:s0] =	ssyncadd.s32 $0xFFFFF000  }
0x2e3: {  	_ =	swait.ge [sflag:s1], $0x1000  }
0x2e4: {  	s6 =	sld [smem:$0x7D7]  }
0x2e5: {  	s31 =	sld [smem:$0x7F6];
	_ =	sdelay $0x1  }
0x2e6: {  	s6 =	sadd.s32 $0x1, s6  }
0x2e7: {  	p0 =	sne.s32 s6, s31  }
.Ltmp6:
0x2e8: {  	_ = 	snop;
	(pc) =	sbr.rel @p0 .LBB2_1-.Ltmp6, $3  }
0x2e9: {  	_ =	sdelay $0x1  }
0x2ea: {  	[sflag:s1] =	ssyncset.done $0x0  }
0x2eb: {  	s2 =	simm.s32 $0x6400;
	s5 =	simm.s32 $0x6;
	[sflag:s1] =	ssyncadd.s32 $0xFFFFF000  }
0x2ec: {  	_ =	sfence.sel $0x180000  }
0x2ed: {  	[bflag:$0x0] =	sbarrier.arrive $0xFFFF  }
0x2ee: {  	_ =	strace $0x90000047  }
0x2ef: {  	s0 =	stileid.u32;
	[bflag:$0x2] =	sbarrier.arrive $0xFFFF  }
0x2f0: {  	p0 =	sne.s32 s0, $0x0;
	s0 =	rddreg [dreg:$0x5]  }
0x2f1: {  	s0 =	sadd.s32 @!p0 $0x100000, s0  }
0x2f2: {  	[sflag:s0] =	ssyncadd.tile.s32 @!p0 $0x1;
	_ =	shalt  }
.Lfunc_end2:
_tile_overlayer_lowered:
.L_overlay_start_2:
0x2f3: {  	(tag) =	ssettag $0x2  }
0x2f4: {  	s0 =	rddreg [dreg:$0x0];
	s2 =	stileid.u32  }
0x2f5: {  	s1 =	rddreg [dreg:$0x1];
	p0 =	sne.s32 s2, $0x0  }
0x2f6: {  	s3 =	rddreg [dreg:$0x2];
	[bflag:$0x3] =	sbarrier.arrive $0xFFFF;
	s2 =	simm.s32 @!p0 $0x1C06  }
0x2f7: {  	[timem:s3], [sflag:s2] =	dma.local @!p0 [hbm:s0], s1  }
0x2f8: {  	s0 =	simm.s32 @!p0 $0x6  }
0x2f9: {  	_ =	swait.ge @!p0 [sflag:s0], s1  }
0x2fa: {  	s1 =	ssub.s32 @!p0 $0x0, s1;
	[sflag:s0] =	ssyncset.done @!p0 $0x0  }
0x2fb: {  	[sflag:s0] =	ssyncadd.s32 @!p0 s1  }
0x2fc: {  	[bflag:$0x3] =	sbarrier.arrive $0xFFFF  }
0x2fd: {  	_ =	shalt  }

</sc_bundles>
